<compile_context>
chip_gen: v7x
topology: tpu7x:2x2x1
jax: 0.10.2.dev20260603
libtpu: 0.0.44.dev20260713+nightly
codegen_flags: <defaults>
</compile_context>

<pallas_src>
import functools

import jax
import jax.numpy as jnp
from jax import lax
from jax.experimental import pallas as pl
from jax.experimental.pallas import tpu as pltpu
from jax.experimental.pallas import tpu_sc as plsc


@functools.lru_cache(maxsize=None)
def _make_sc_agg(n, d, e, with_cnt):
    info = plsc.get_sparse_core_info()
    nc, ns = info.num_cores, info.num_subcores
    nw = nc * ns
    epw = e // nw
    K = 80
    nchunks = epw // K
    npairs = (nchunks + 1) // 2
    n_pad = ((n + K * ns - 1) // (K * ns)) * (K * ns)
    rows_per_tile = n_pad // ns
    nwb = rows_per_tile // K

    mesh = plsc.VectorSubcoreMesh(core_axis_name="c", subcore_axis_name="s")
    out_type = [jax.ShapeDtypeStruct((nc, n_pad, d), jnp.float32)]
    if with_cnt:
        out_type.append(jax.ShapeDtypeStruct((nw * n,), jnp.float32))

    scratch = [
        pltpu.VMEM((nchunks, K), jnp.int32),
        pltpu.VMEM((K,), jnp.int32),
        pltpu.VMEM((K,), jnp.int32),
        pltpu.VMEM((K,), jnp.int32),
        pltpu.VMEM((K,), jnp.int32),
        pltpu.VMEM((K, d), jnp.float32),
        pltpu.VMEM((K, d), jnp.float32),
        pltpu.VMEM_SHARED((n_pad, d), jnp.float32),
        pltpu.SemaphoreType.DMA,
        pltpu.SemaphoreType.DMA,
        pltpu.SemaphoreType.DMA,
        pltpu.SemaphoreType.DMA,
        pltpu.SemaphoreType.DMA,
        pltpu.SemaphoreType.DMA,
        pltpu.SemaphoreType.DMA,
        pltpu.SemaphoreType.DMA,
    ]
    if with_cnt:
        scratch.append(pltpu.VMEM((n,), jnp.float32))

    def body(x_hbm, src1_hbm, eidx_hbm, agg_hbm, *rest):
        if with_cnt:
            (cnt_hbm, dst2d, sib0, sib1, sib2, sib3, rows_a, rows_b, agg_sh,
             isem0, isem1, isem2, isem3, gsem_a, gsem_b,
             ssem_a, ssem_b, cnt_v) = rest
        else:
            (dst2d, sib0, sib1, sib2, sib3, rows_a, rows_b, agg_sh,
             isem0, isem1, isem2, isem3, gsem_a, gsem_b,
             ssem_a, ssem_b) = rest
        c = lax.axis_index("c")
        s = lax.axis_index("s")
        wid = s * nc + c
        ebase = wid * epw
        z16 = jnp.zeros((16,), jnp.float32)

        pltpu.sync_copy(eidx_hbm.at[wid], dst2d)

        def zrow(r, carry):
            for c8 in range(d // 16):
                rows_a[r, pl.ds(c8 * 16, 16)] = z16
            return carry
        lax.fori_loop(0, K, zrow, 0)
        row0 = s * rows_per_tile
        for j in range(nwb):
            pltpu.sync_copy(rows_a, agg_sh.at[pl.ds(row0 + j * K, K)])
        if with_cnt:
            def zcnt(i, carry):
                cnt_v[pl.ds(i * 16, 16)] = z16
                return carry
            lax.fori_loop(0, n // 16, zcnt, 0)
        plsc.subcore_barrier()

        sibs = ((sib0, isem0), (sib1, isem1), (sib2, isem2), (sib3, isem3))
        for j in range(4):
            pltpu.async_copy(src1_hbm.at[pl.ds(ebase + j * K, K)],
                             sibs[j][0], sibs[j][1])
        pltpu.make_async_copy(src1_hbm.at[pl.ds(ebase, K)],
                              sib0, isem0).wait()
        pltpu.async_copy(x_hbm.at[sib0], rows_a, gsem_a)
        ones = jnp.ones((16,), jnp.float32)
        rbufs = ((rows_a, gsem_a, ssem_a), (rows_b, gsem_b, ssem_b))

        def quad(g, carry):
            for b in range(4):
                i = 4 * g + b
                sib, isem = sibs[b]
                nsib, nisem = sibs[(b + 1) % 4]
                rows, gsem, ssem = rbufs[b % 2]
                nrows, ngsem, nssem = rbufs[(b + 1) % 2]

                @pl.when(i + 1 < nchunks)
                def _():
                    pltpu.make_async_copy(
                        src1_hbm.at[pl.ds(ebase + (i + 1) * K, K)],
                        nsib, nisem).wait()

                    @pl.when(i >= 1)
                    def _():
                        pltpu.make_async_copy(
                            nrows, agg_sh.at[dst2d.at[i]], nssem).wait()
                    pltpu.async_copy(x_hbm.at[nsib], nrows, ngsem)

                @pl.when(i < nchunks)
                def _():
                    pltpu.make_async_copy(x_hbm.at[sib], rows, gsem).wait()

                    @pl.when(i + 4 < nchunks)
                    def _():
                        pltpu.async_copy(
                            src1_hbm.at[pl.ds(ebase + (i + 4) * K, K)],
                            sib, isem)
                    pltpu.async_copy(rows, agg_sh.at[dst2d.at[i]], ssem,
                                     add=True)
                    if with_cnt:
                        for j in range(K // 16):
                            idx = dst2d[i, pl.ds(j * 16, 16)]
                            plsc.addupdate_scatter(cnt_v, [idx], ones)
            return carry
        lax.fori_loop(0, (nchunks + 3) // 4, quad, 0)
        for b in range(2):
            i_last = nchunks - 2 + b
            rows, gsem, ssem = rbufs[i_last % 2]
            pltpu.make_async_copy(
                rows, agg_sh.at[dst2d.at[i_last]], ssem).wait()
        plsc.subcore_barrier()

        for j in range(nwb):
            r = row0 + j * K
            pltpu.sync_copy(agg_sh.at[pl.ds(r, K)], rows_a)
            pltpu.sync_copy(rows_a, agg_hbm.at[c, pl.ds(r, K)])
        if with_cnt:
            pltpu.sync_copy(cnt_v, cnt_hbm.at[pl.ds(wid * n, n)])

    ot = tuple(out_type) if with_cnt else out_type[0]
    return pl.kernel(body, out_type=ot, mesh=mesh, scratch_types=scratch,
                     compiler_params=pltpu.CompilerParams(
                         needs_layout_passes=False))


@functools.lru_cache(maxsize=None)
def _make_dense(n, d, h_dim, nc, nw, relu):
    R = 1000
    grid = (n // R,)

    def body(agg_ref, cntp_ref, x_ref, wl_ref, b_ref, wr_ref, out_ref):
        cnt = jnp.sum(cntp_ref[...], axis=1)
        inv = 1.0 / jnp.maximum(cnt, 1.0)
        agg = (agg_ref[0] + agg_ref[1]) * inv[:, None]
        y = lax.dot_general(agg, wl_ref[...], (((1,), (1,)), ((), ())),
                            preferred_element_type=jnp.float32)
        y = y + b_ref[...]
        y = y + lax.dot_general(x_ref[...], wr_ref[...],
                                (((1,), (1,)), ((), ())),
                                preferred_element_type=jnp.float32)
        out_ref[...] = jnp.maximum(y, 0.0) if relu else y

    return pl.pallas_call(
        body,
        grid=grid,
        in_specs=[
            pl.BlockSpec((nc, R, d), lambda i: (0, i, 0)),
            pl.BlockSpec((R, nw), lambda i: (i, 0)),
            pl.BlockSpec((R, d), lambda i: (i, 0)),
            pl.BlockSpec((h_dim, d), lambda i: (0, 0)),
            pl.BlockSpec((1, h_dim), lambda i: (0, 0)),
            pl.BlockSpec((h_dim, d), lambda i: (0, 0)),
        ],
        out_specs=pl.BlockSpec((R, h_dim), lambda i: (i, 0)),
        out_shape=jax.ShapeDtypeStruct((n, h_dim), jnp.float32),
    )


def kernel(x, edge_index, W1_l, b1, W1_r, W2_l, b2, W2_r):
    n, d = x.shape
    e = edge_index.shape[1]
    h_dim = W1_l.shape[0]
    o_dim = W2_l.shape[0]
    info = plsc.get_sparse_core_info()
    nc, nw = info.num_cores, info.num_cores * info.num_subcores

    epw = e // nw
    K = 80
    nchunks = epw // K
    src_nodes = edge_index[0]
    dst2d = edge_index[1].reshape(nw, nchunks, K)

    aggp1, cntp = _make_sc_agg(n, d, e, True)(x, src_nodes, dst2d)
    cntp_t = cntp.reshape(nw, n).T
    h = _make_dense(n, d, h_dim, nc, nw, True)(
        aggp1, cntp_t, x, W1_l, b1.reshape(1, -1), W1_r)
    aggp2 = _make_sc_agg(n, h_dim, e, False)(h, src_nodes, dst2d)
    out = _make_dense(n, h_dim, o_dim, nc, nw, False)(
        aggp2, cntp_t, h, W2_l, b2.reshape(1, -1), W2_r)
    return (out, edge_index)

# --- scband reference (transcript-rebuilt; emitter-appended) ---
"""Pipeline reference for scband-gnn-62981400429144 (READ-ONLY COPY).

The authoritative reference and input builder live on the scoring server;
editing this copy changes nothing except your own understanding.
"""

import jax, jax.numpy as jnp
import numpy as np

N = 10000
E = 320000
D = 128
H = 128
O = 128


def setup_inputs(seed: int = 0) -> dict:
    key = jax.random.key(seed)
    ks = jax.random.split(key, 9)
    x = jax.random.normal(ks[0], (N, D), dtype=jnp.float32)
    edge_index = jax.random.randint(ks[1], (2, E), 0, N, dtype=jnp.int32)
    s1 = 1.0 / np.sqrt(D)
    s2 = 1.0 / np.sqrt(H)
    W1_l = jax.random.uniform(ks[2], (H, D), jnp.float32, -s1, s1)
    b1 = jax.random.uniform(ks[3], (H,), jnp.float32, -s1, s1)
    W1_r = jax.random.uniform(ks[4], (H, D), jnp.float32, -s1, s1)
    W2_l = jax.random.uniform(ks[5], (O, H), jnp.float32, -s2, s2)
    b2 = jax.random.uniform(ks[6], (O,), jnp.float32, -s2, s2)
    W2_r = jax.random.uniform(ks[7], (O, H), jnp.float32, -s2, s2)
    return {"x": x, "edge_index": edge_index, "W1_l": W1_l, "b1": b1, "W1_r": W1_r, "W2_l": W2_l, "b2": b2, "W2_r": W2_r}


def _sage_conv(x, W_l, b_l, W_r, edge_index):
    # PyG SAGEConv (mean aggr): out = lin_l(mean_{j in N(i)} x_j) + lin_r(x_i)
    src = edge_index[0]
    dst = edge_index[1]
    msgs = jnp.take(x, src, axis=0)
    agg = jax.ops.segment_sum(msgs, dst, num_segments=x.shape[0])
    cnt = jax.ops.segment_sum(jnp.ones((edge_index.shape[1],), x.dtype), dst, num_segments=x.shape[0])
    agg = agg / jnp.clip(cnt, 1.0, None)[:, None]
    return agg @ W_l.T + b_l + x @ W_r.T


def reference(x, edge_index, W1_l, b1, W1_r, W2_l, b2, W2_r):
    h = jax.nn.relu(_sage_conv(x, W1_l, b1, W1_r, edge_index))
    out = _sage_conv(h, W2_l, b2, W2_r, edge_index)
    return (out, edge_index)

if __name__ == "__main__":
    import jax
    _d = setup_inputs()
    print(jax.jit(kernel)(*tuple(_d.values())))

</pallas_src>

<mosaic_0001>
#map = affine_map<(d0, d1) -> (0, 0)>
#map1 = affine_map<(d0, d1) -> (0)>
#map2 = affine_map<(d0, d1) -> (0, 0, 0)>
module attributes {stable_mosaic.version = 14 : i64} {
  func.func @body(%arg0: i32, %arg1: i32, %arg2: memref<10000x128xf32, #tpu.memory_space<hbm>>, %arg3: memref<320000xi32, #tpu.memory_space<hbm>>, %arg4: memref<32x125x80xi32, #tpu.memory_space<hbm>>, %arg5: memref<2x10240x128xf32, #tpu.memory_space<hbm>>, %arg6: memref<320000xf32, #tpu.memory_space<hbm>>, %arg7: memref<125x80xi32, #tpu.memory_space<vmem>>, %arg8: memref<80xi32, #tpu.memory_space<vmem>>, %arg9: memref<80xi32, #tpu.memory_space<vmem>>, %arg10: memref<80xi32, #tpu.memory_space<vmem>>, %arg11: memref<80xi32, #tpu.memory_space<vmem>>, %arg12: memref<80x128xf32, #tpu.memory_space<vmem>>, %arg13: memref<80x128xf32, #tpu.memory_space<vmem>>, %arg14: memref<10240x128xf32, #tpu.memory_space<vmem_shared>>, %arg15: memref<!tpu.dma_semaphore, #tpu.memory_space<semaphore_mem>>, %arg16: memref<!tpu.dma_semaphore, #tpu.memory_space<semaphore_mem>>, %arg17: memref<!tpu.dma_semaphore, #tpu.memory_space<semaphore_mem>>, %arg18: memref<!tpu.dma_semaphore, #tpu.memory_space<semaphore_mem>>, %arg19: memref<!tpu.dma_semaphore, #tpu.memory_space<semaphore_mem>>, %arg20: memref<!tpu.dma_semaphore, #tpu.memory_space<semaphore_mem>>, %arg21: memref<!tpu.dma_semaphore, #tpu.memory_space<semaphore_mem>>, %arg22: memref<!tpu.dma_semaphore, #tpu.memory_space<semaphore_mem>>, %arg23: memref<10000xf32, #tpu.memory_space<vmem>>) attributes {dimension_semantics = [#tpu.dimension_semantics<core_parallel>, #tpu.dimension_semantics<subcore_parallel>], iteration_bounds = array<i64: 2, 16>, scalar_prefetch = 0 : i64, scratch_operands = 17 : i64, tpu.core_type = #tpu.core_type<sc_vector_subcore>, window_params = [{transform_indices = #map}, {transform_indices = #map1}, {transform_indices = #map2}, {transform_indices = #map2}, {transform_indices = #map1}]} {
    %mul3A = arith.constant 2 : i32
    %mul3A_0 = arith.muli %arg1, %mul3A : i32
    %add3A = arith.addi %mul3A_0, %arg0 : i32
    %mul3A_1 = arith.constant 10000 : i32
    %mul3A_2 = arith.muli %add3A, %mul3A_1 : i32
    %broadcast_in_dim3A = arith.constant 0.000000e+00 : f32
    %broadcast_in_dim3A_3 = vector.broadcast %broadcast_in_dim3A : f32 to vector<16xf32>
    "tpu.region"() ({
      %run_scoped3A = tpu.sem_alloc : memref<!tpu.dma_semaphore, #tpu.memory_space<semaphore_mem>>
      %dma_start3A_93 = arith.constant 0 : i32
      %dma_start3A_94 = arith.constant 0 : i32
      %dma_start3A_95 = tpu.memref_slice %arg4[%add3A, %dma_start3A_93, %dma_start3A_94] : memref<32x125x80xi32, #tpu.memory_space<hbm>> -> memref<1x125x80xi32, #tpu.memory_space<hbm>>
      %dma_start3A_96 = tpu.memref_squeeze %dma_start3A_95 : memref<1x125x80xi32, #tpu.memory_space<hbm>> -> memref<125x80xi32, #tpu.memory_space<hbm>>
      %dma_start3A_97 = arith.constant 0 : i32
      %dma_start3A_98 = arith.constant 0 : i32
      %dma_start3A_99 = tpu.memref_slice %arg4[%add3A, %dma_start3A_97, %dma_start3A_98] : memref<32x125x80xi32, #tpu.memory_space<hbm>> -> memref<1x125x80xi32, #tpu.memory_space<hbm>>
      %dma_start3A_100 = tpu.memref_squeeze %dma_start3A_99 : memref<1x125x80xi32, #tpu.memory_space<hbm>> -> memref<125x80xi32, #tpu.memory_space<hbm>>
      tpu.enqueue_dma source(%dma_start3A_100 : memref<125x80xi32, #tpu.memory_space<hbm>>) target(%arg7 : memref<125x80xi32, #tpu.memory_space<vmem>>) target_semaphore(%run_scoped3A : memref<!tpu.dma_semaphore, #tpu.memory_space<semaphore_mem>>)
      %dma_wait3A_101 = arith.constant 0 : i32
      %dma_wait3A_102 = arith.constant 0 : i32
      %dma_wait3A_103 = tpu.memref_slice %arg4[%add3A, %dma_wait3A_101, %dma_wait3A_102] : memref<32x125x80xi32, #tpu.memory_space<hbm>> -> memref<1x125x80xi32, #tpu.memory_space<hbm>>
      %dma_wait3A_104 = tpu.memref_squeeze %dma_wait3A_103 : memref<1x125x80xi32, #tpu.memory_space<hbm>> -> memref<125x80xi32, #tpu.memory_space<hbm>>
      %dma_wait3A_105 = arith.constant 0 : i32
      %dma_wait3A_106 = arith.constant 0 : i32
      %dma_wait3A_107 = tpu.memref_slice %arg4[%add3A, %dma_wait3A_105, %dma_wait3A_106] : memref<32x125x80xi32, #tpu.memory_space<hbm>> -> memref<1x125x80xi32, #tpu.memory_space<hbm>>
      %dma_wait3A_108 = tpu.memref_squeeze %dma_wait3A_107 : memref<1x125x80xi32, #tpu.memory_space<hbm>> -> memref<125x80xi32, #tpu.memory_space<hbm>>
      tpu.wait_dma2 semaphore(%run_scoped3A : memref<!tpu.dma_semaphore, #tpu.memory_space<semaphore_mem>>) src(%dma_wait3A_108 : memref<125x80xi32, #tpu.memory_space<hbm>>) dst(%arg7 : memref<125x80xi32, #tpu.memory_space<vmem>>)
      tpu.yield
    }) : () -> ()
    %scan3A = arith.constant 0 : i32
    %scan3A_4 = arith.constant 0 : i32
    %scan3A_5 = arith.constant 80 : i32
    %scan3A_6 = arith.addi %scan3A_4, %scan3A_5 : i32
    %scan3A_7 = arith.constant 1 : i32
    scf.for %scan3A_93 = %scan3A_4 to %scan3A_6 step %scan3A_7  : i32 {
      %swap3A = arith.index_cast %scan3A_93 : i32 to index
      %swap3A_94 = arith.constant 0 : index
      %swap3A_95 = tpu.vector_load %arg12[%swap3A, %swap3A_94] {strides = array<i32>} : memref<80x128xf32, #tpu.memory_space<vmem>>, vector<16xf32>,
      tpu.vector_store %arg12[%swap3A, %swap3A_94], %broadcast_in_dim3A_3 {strides = array<i32>} : memref<80x128xf32, #tpu.memory_space<vmem>>, vector<16xf32>,
      %swap3A_96 = arith.index_cast %scan3A_93 : i32 to index
      %swap3A_97 = arith.constant 16 : index
      %swap3A_98 = tpu.vector_load %arg12[%swap3A_96, %swap3A_97] {strides = array<i32>} : memref<80x128xf32, #tpu.memory_space<vmem>>, vector<16xf32>,
      tpu.vector_store %arg12[%swap3A_96, %swap3A_97], %broadcast_in_dim3A_3 {strides = array<i32>} : memref<80x128xf32, #tpu.memory_space<vmem>>, vector<16xf32>,
      %swap3A_99 = arith.index_cast %scan3A_93 : i32 to index
      %swap3A_100 = arith.constant 32 : index
      %swap3A_101 = tpu.vector_load %arg12[%swap3A_99, %swap3A_100] {strides = array<i32>} : memref<80x128xf32, #tpu.memory_space<vmem>>, vector<16xf32>,
      tpu.vector_store %arg12[%swap3A_99, %swap3A_100], %broadcast_in_dim3A_3 {strides = array<i32>} : memref<80x128xf32, #tpu.memory_space<vmem>>, vector<16xf32>,
      %swap3A_102 = arith.index_cast %scan3A_93 : i32 to index
      %swap3A_103 = arith.constant 48 : index
      %swap3A_104 = tpu.vector_load %arg12[%swap3A_102, %swap3A_103] {strides = array<i32>} : memref<80x128xf32, #tpu.memory_space<vmem>>, vector<16xf32>,
      tpu.vector_store %arg12[%swap3A_102, %swap3A_103], %broadcast_in_dim3A_3 {strides = array<i32>} : memref<80x128xf32, #tpu.memory_space<vmem>>, vector<16xf32>,
      %swap3A_105 = arith.index_cast %scan3A_93 : i32 to index
      %swap3A_106 = arith.constant 64 : index
      %swap3A_107 = tpu.vector_load %arg12[%swap3A_105, %swap3A_106] {strides = array<i32>} : memref<80x128xf32, #tpu.memory_space<vmem>>, vector<16xf32>,
      tpu.vector_store %arg12[%swap3A_105, %swap3A_106], %broadcast_in_dim3A_3 {strides = array<i32>} : memref<80x128xf32, #tpu.memory_space<vmem>>, vector<16xf32>,
      %swap3A_108 = arith.index_cast %scan3A_93 : i32 to index
      %swap3A_109 = arith.constant 80 : index
      %swap3A_110 = tpu.vector_load %arg12[%swap3A_108, %swap3A_109] {strides = array<i32>} : memref<80x128xf32, #tpu.memory_space<vmem>>, vector<16xf32>,
      tpu.vector_store %arg12[%swap3A_108, %swap3A_109], %broadcast_in_dim3A_3 {strides = array<i32>} : memref<80x128xf32, #tpu.memory_space<vmem>>, vector<16xf32>,
      %swap3A_111 = arith.index_cast %scan3A_93 : i32 to index
      %swap3A_112 = arith.constant 96 : index
      %swap3A_113 = tpu.vector_load %arg12[%swap3A_111, %swap3A_112] {strides = array<i32>} : memref<80x128xf32, #tpu.memory_space<vmem>>, vector<16xf32>,
      tpu.vector_store %arg12[%swap3A_111, %swap3A_112], %broadcast_in_dim3A_3 {strides = array<i32>} : memref<80x128xf32, #tpu.memory_space<vmem>>, vector<16xf32>,
      %swap3A_114 = arith.index_cast %scan3A_93 : i32 to index
      %swap3A_115 = arith.constant 112 : index
      %swap3A_116 = tpu.vector_load %arg12[%swap3A_114, %swap3A_115] {strides = array<i32>} : memref<80x128xf32, #tpu.memory_space<vmem>>, vector<16xf32>,
      tpu.vector_store %arg12[%swap3A_114, %swap3A_115], %broadcast_in_dim3A_3 {strides = array<i32>} : memref<80x128xf32, #tpu.memory_space<vmem>>, vector<16xf32>,
    }
    %scan3A_8 = arith.constant 80 : i32
    %mul3A_9 = arith.constant 640 : i32
    %mul3A_10 = arith.muli %arg1, %mul3A_9 : i32
    %add3A_11 = arith.constant 0 : i32
    %add3A_12 = arith.addi %mul3A_10, %add3A_11 : i32
    "tpu.region"() ({
      %run_scoped3A = tpu.sem_alloc : memref<!tpu.dma_semaphore, #tpu.memory_space<semaphore_mem>>
      %dma_start3A_93 = arith.constant 0 : i32
      %dma_start3A_94 = tpu.memref_slice %arg14[%add3A_12, %dma_start3A_93] : memref<10240x128xf32, #tpu.memory_space<vmem_shared>> -> memref<80x128xf32, #tpu.memory_space<vmem_shared>>
      %dma_start3A_95 = arith.constant 0 : i32
      %dma_start3A_96 = tpu.memref_slice %arg14[%add3A_12, %dma_start3A_95] : memref<10240x128xf32, #tpu.memory_space<vmem_shared>> -> memref<80x128xf32, #tpu.memory_space<vmem_shared>>
      tpu.enqueue_dma source(%arg12 : memref<80x128xf32, #tpu.memory_space<vmem>>) target(%dma_start3A_96 : memref<80x128xf32, #tpu.memory_space<vmem_shared>>) target_semaphore(%run_scoped3A : memref<!tpu.dma_semaphore, #tpu.memory_space<semaphore_mem>>)
      %dma_wait3A_97 = arith.constant 0 : i32
      %dma_wait3A_98 = tpu.memref_slice %arg14[%add3A_12, %dma_wait3A_97] : memref<10240x128xf32, #tpu.memory_space<vmem_shared>> -> memref<80x128xf32, #tpu.memory_space<vmem_shared>>
      %dma_wait3A_99 = arith.constant 0 : i32
      %dma_wait3A_100 = tpu.memref_slice %arg14[%add3A_12, %dma_wait3A_99] : memref<10240x128xf32, #tpu.memory_space<vmem_shared>> -> memref<80x128xf32, #tpu.memory_space<vmem_shared>>
      tpu.wait_dma2 semaphore(%run_scoped3A : memref<!tpu.dma_semaphore, #tpu.memory_space<semaphore_mem>>) src(%arg12 : memref<80x128xf32, #tpu.memory_space<vmem>>) dst(%dma_wait3A_100 : memref<80x128xf32, #tpu.memory_space<vmem_shared>>)
      tpu.yield
    }) : () -> ()
    %add3A_13 = arith.constant 80 : i32
    %add3A_14 = arith.addi %mul3A_10, %add3A_13 : i32
    "tpu.region"() ({
      %run_scoped3A = tpu.sem_alloc : memref<!tpu.dma_semaphore, #tpu.memory_space<semaphore_mem>>
      %dma_start3A_93 = arith.constant 0 : i32
      %dma_start3A_94 = tpu.memref_slice %arg14[%add3A_14, %dma_start3A_93] : memref<10240x128xf32, #tpu.memory_space<vmem_shared>> -> memref<80x128xf32, #tpu.memory_space<vmem_shared>>
      %dma_start3A_95 = arith.constant 0 : i32
      %dma_start3A_96 = tpu.memref_slice %arg14[%add3A_14, %dma_start3A_95] : memref<10240x128xf32, #tpu.memory_space<vmem_shared>> -> memref<80x128xf32, #tpu.memory_space<vmem_shared>>
      tpu.enqueue_dma source(%arg12 : memref<80x128xf32, #tpu.memory_space<vmem>>) target(%dma_start3A_96 : memref<80x128xf32, #tpu.memory_space<vmem_shared>>) target_semaphore(%run_scoped3A : memref<!tpu.dma_semaphore, #tpu.memory_space<semaphore_mem>>)
      %dma_wait3A_97 = arith.constant 0 : i32
      %dma_wait3A_98 = tpu.memref_slice %arg14[%add3A_14, %dma_wait3A_97] : memref<10240x128xf32, #tpu.memory_space<vmem_shared>> -> memref<80x128xf32, #tpu.memory_space<vmem_shared>>
      %dma_wait3A_99 = arith.constant 0 : i32
      %dma_wait3A_100 = tpu.memref_slice %arg14[%add3A_14, %dma_wait3A_99] : memref<10240x128xf32, #tpu.memory_space<vmem_shared>> -> memref<80x128xf32, #tpu.memory_space<vmem_shared>>
      tpu.wait_dma2 semaphore(%run_scoped3A : memref<!tpu.dma_semaphore, #tpu.memory_space<semaphore_mem>>) src(%arg12 : memref<80x128xf32, #tpu.memory_space<vmem>>) dst(%dma_wait3A_100 : memref<80x128xf32, #tpu.memory_space<vmem_shared>>)
      tpu.yield
    }) : () -> ()
    %add3A_15 = arith.constant 160 : i32
    %add3A_16 = arith.addi %mul3A_10, %add3A_15 : i32
    "tpu.region"() ({
      %run_scoped3A = tpu.sem_alloc : memref<!tpu.dma_semaphore, #tpu.memory_space<semaphore_mem>>
      %dma_start3A_93 = arith.constant 0 : i32
      %dma_start3A_94 = tpu.memref_slice %arg14[%add3A_16, %dma_start3A_93] : memref<10240x128xf32, #tpu.memory_space<vmem_shared>> -> memref<80x128xf32, #tpu.memory_space<vmem_shared>>
      %dma_start3A_95 = arith.constant 0 : i32
      %dma_start3A_96 = tpu.memref_slice %arg14[%add3A_16, %dma_start3A_95] : memref<10240x128xf32, #tpu.memory_space<vmem_shared>> -> memref<80x128xf32, #tpu.memory_space<vmem_shared>>
      tpu.enqueue_dma source(%arg12 : memref<80x128xf32, #tpu.memory_space<vmem>>) target(%dma_start3A_96 : memref<80x128xf32, #tpu.memory_space<vmem_shared>>) target_semaphore(%run_scoped3A : memref<!tpu.dma_semaphore, #tpu.memory_space<semaphore_mem>>)
      %dma_wait3A_97 = arith.constant 0 : i32
      %dma_wait3A_98 = tpu.memref_slice %arg14[%add3A_16, %dma_wait3A_97] : memref<10240x128xf32, #tpu.memory_space<vmem_shared>> -> memref<80x128xf32, #tpu.memory_space<vmem_shared>>
      %dma_wait3A_99 = arith.constant 0 : i32
      %dma_wait3A_100 = tpu.memref_slice %arg14[%add3A_16, %dma_wait3A_99] : memref<10240x128xf32, #tpu.memory_space<vmem_shared>> -> memref<80x128xf32, #tpu.memory_space<vmem_shared>>
      tpu.wait_dma2 semaphore(%run_scoped3A : memref<!tpu.dma_semaphore, #tpu.memory_space<semaphore_mem>>) src(%arg12 : memref<80x128xf32, #tpu.memory_space<vmem>>) dst(%dma_wait3A_100 : memref<80x128xf32, #tpu.memory_space<vmem_shared>>)
      tpu.yield
    }) : () -> ()
    %add3A_17 = arith.constant 240 : i32
    %add3A_18 = arith.addi %mul3A_10, %add3A_17 : i32
    "tpu.region"() ({
      %run_scoped3A = tpu.sem_alloc : memref<!tpu.dma_semaphore, #tpu.memory_space<semaphore_mem>>
      %dma_start3A_93 = arith.constant 0 : i32
      %dma_start3A_94 = tpu.memref_slice %arg14[%add3A_18, %dma_start3A_93] : memref<10240x128xf32, #tpu.memory_space<vmem_shared>> -> memref<80x128xf32, #tpu.memory_space<vmem_shared>>
      %dma_start3A_95 = arith.constant 0 : i32
      %dma_start3A_96 = tpu.memref_slice %arg14[%add3A_18, %dma_start3A_95] : memref<10240x128xf32, #tpu.memory_space<vmem_shared>> -> memref<80x128xf32, #tpu.memory_space<vmem_shared>>
      tpu.enqueue_dma source(%arg12 : memref<80x128xf32, #tpu.memory_space<vmem>>) target(%dma_start3A_96 : memref<80x128xf32, #tpu.memory_space<vmem_shared>>) target_semaphore(%run_scoped3A : memref<!tpu.dma_semaphore, #tpu.memory_space<semaphore_mem>>)
      %dma_wait3A_97 = arith.constant 0 : i32
      %dma_wait3A_98 = tpu.memref_slice %arg14[%add3A_18, %dma_wait3A_97] : memref<10240x128xf32, #tpu.memory_space<vmem_shared>> -> memref<80x128xf32, #tpu.memory_space<vmem_shared>>
      %dma_wait3A_99 = arith.constant 0 : i32
      %dma_wait3A_100 = tpu.memref_slice %arg14[%add3A_18, %dma_wait3A_99] : memref<10240x128xf32, #tpu.memory_space<vmem_shared>> -> memref<80x128xf32, #tpu.memory_space<vmem_shared>>
      tpu.wait_dma2 semaphore(%run_scoped3A : memref<!tpu.dma_semaphore, #tpu.memory_space<semaphore_mem>>) src(%arg12 : memref<80x128xf32, #tpu.memory_space<vmem>>) dst(%dma_wait3A_100 : memref<80x128xf32, #tpu.memory_space<vmem_shared>>)
      tpu.yield
    }) : () -> ()
    %add3A_19 = arith.constant 320 : i32
    %add3A_20 = arith.addi %mul3A_10, %add3A_19 : i32
    "tpu.region"() ({
      %run_scoped3A = tpu.sem_alloc : memref<!tpu.dma_semaphore, #tpu.memory_space<semaphore_mem>>
      %dma_start3A_93 = arith.constant 0 : i32
      %dma_start3A_94 = tpu.memref_slice %arg14[%add3A_20, %dma_start3A_93] : memref<10240x128xf32, #tpu.memory_space<vmem_shared>> -> memref<80x128xf32, #tpu.memory_space<vmem_shared>>
      %dma_start3A_95 = arith.constant 0 : i32
      %dma_start3A_96 = tpu.memref_slice %arg14[%add3A_20, %dma_start3A_95] : memref<10240x128xf32, #tpu.memory_space<vmem_shared>> -> memref<80x128xf32, #tpu.memory_space<vmem_shared>>
      tpu.enqueue_dma source(%arg12 : memref<80x128xf32, #tpu.memory_space<vmem>>) target(%dma_start3A_96 : memref<80x128xf32, #tpu.memory_space<vmem_shared>>) target_semaphore(%run_scoped3A : memref<!tpu.dma_semaphore, #tpu.memory_space<semaphore_mem>>)
      %dma_wait3A_97 = arith.constant 0 : i32
      %dma_wait3A_98 = tpu.memref_slice %arg14[%add3A_20, %dma_wait3A_97] : memref<10240x128xf32, #tpu.memory_space<vmem_shared>> -> memref<80x128xf32, #tpu.memory_space<vmem_shared>>
      %dma_wait3A_99 = arith.constant 0 : i32
      %dma_wait3A_100 = tpu.memref_slice %arg14[%add3A_20, %dma_wait3A_99] : memref<10240x128xf32, #tpu.memory_space<vmem_shared>> -> memref<80x128xf32, #tpu.memory_space<vmem_shared>>
      tpu.wait_dma2 semaphore(%run_scoped3A : memref<!tpu.dma_semaphore, #tpu.memory_space<semaphore_mem>>) src(%arg12 : memref<80x128xf32, #tpu.memory_space<vmem>>) dst(%dma_wait3A_100 : memref<80x128xf32, #tpu.memory_space<vmem_shared>>)
      tpu.yield
    }) : () -> ()
    %add3A_21 = arith.constant 400 : i32
    %add3A_22 = arith.addi %mul3A_10, %add3A_21 : i32
    "tpu.region"() ({
      %run_scoped3A = tpu.sem_alloc : memref<!tpu.dma_semaphore, #tpu.memory_space<semaphore_mem>>
      %dma_start3A_93 = arith.constant 0 : i32
      %dma_start3A_94 = tpu.memref_slice %arg14[%add3A_22, %dma_start3A_93] : memref<10240x128xf32, #tpu.memory_space<vmem_shared>> -> memref<80x128xf32, #tpu.memory_space<vmem_shared>>
      %dma_start3A_95 = arith.constant 0 : i32
      %dma_start3A_96 = tpu.memref_slice %arg14[%add3A_22, %dma_start3A_95] : memref<10240x128xf32, #tpu.memory_space<vmem_shared>> -> memref<80x128xf32, #tpu.memory_space<vmem_shared>>
      tpu.enqueue_dma source(%arg12 : memref<80x128xf32, #tpu.memory_space<vmem>>) target(%dma_start3A_96 : memref<80x128xf32, #tpu.memory_space<vmem_shared>>) target_semaphore(%run_scoped3A : memref<!tpu.dma_semaphore, #tpu.memory_space<semaphore_mem>>)
      %dma_wait3A_97 = arith.constant 0 : i32
      %dma_wait3A_98 = tpu.memref_slice %arg14[%add3A_22, %dma_wait3A_97] : memref<10240x128xf32, #tpu.memory_space<vmem_shared>> -> memref<80x128xf32, #tpu.memory_space<vmem_shared>>
      %dma_wait3A_99 = arith.constant 0 : i32
      %dma_wait3A_100 = tpu.memref_slice %arg14[%add3A_22, %dma_wait3A_99] : memref<10240x128xf32, #tpu.memory_space<vmem_shared>> -> memref<80x128xf32, #tpu.memory_space<vmem_shared>>
      tpu.wait_dma2 semaphore(%run_scoped3A : memref<!tpu.dma_semaphore, #tpu.memory_space<semaphore_mem>>) src(%arg12 : memref<80x128xf32, #tpu.memory_space<vmem>>) dst(%dma_wait3A_100 : memref<80x128xf32, #tpu.memory_space<vmem_shared>>)
      tpu.yield
    }) : () -> ()
    %add3A_23 = arith.constant 480 : i32
    %add3A_24 = arith.addi %mul3A_10, %add3A_23 : i32
    "tpu.region"() ({
      %run_scoped3A = tpu.sem_alloc : memref<!tpu.dma_semaphore, #tpu.memory_space<semaphore_mem>>
      %dma_start3A_93 = arith.constant 0 : i32
      %dma_start3A_94 = tpu.memref_slice %arg14[%add3A_24, %dma_start3A_93] : memref<10240x128xf32, #tpu.memory_space<vmem_shared>> -> memref<80x128xf32, #tpu.memory_space<vmem_shared>>
      %dma_start3A_95 = arith.constant 0 : i32
      %dma_start3A_96 = tpu.memref_slice %arg14[%add3A_24, %dma_start3A_95] : memref<10240x128xf32, #tpu.memory_space<vmem_shared>> -> memref<80x128xf32, #tpu.memory_space<vmem_shared>>
      tpu.enqueue_dma source(%arg12 : memref<80x128xf32, #tpu.memory_space<vmem>>) target(%dma_start3A_96 : memref<80x128xf32, #tpu.memory_space<vmem_shared>>) target_semaphore(%run_scoped3A : memref<!tpu.dma_semaphore, #tpu.memory_space<semaphore_mem>>)
      %dma_wait3A_97 = arith.constant 0 : i32
      %dma_wait3A_98 = tpu.memref_slice %arg14[%add3A_24, %dma_wait3A_97] : memref<10240x128xf32, #tpu.memory_space<vmem_shared>> -> memref<80x128xf32, #tpu.memory_space<vmem_shared>>
      %dma_wait3A_99 = arith.constant 0 : i32
      %dma_wait3A_100 = tpu.memref_slice %arg14[%add3A_24, %dma_wait3A_99] : memref<10240x128xf32, #tpu.memory_space<vmem_shared>> -> memref<80x128xf32, #tpu.memory_space<vmem_shared>>
      tpu.wait_dma2 semaphore(%run_scoped3A : memref<!tpu.dma_semaphore, #tpu.memory_space<semaphore_mem>>) src(%arg12 : memref<80x128xf32, #tpu.memory_space<vmem>>) dst(%dma_wait3A_100 : memref<80x128xf32, #tpu.memory_space<vmem_shared>>)
      tpu.yield
    }) : () -> ()
    %add3A_25 = arith.constant 560 : i32
    %add3A_26 = arith.addi %mul3A_10, %add3A_25 : i32
    "tpu.region"() ({
      %run_scoped3A = tpu.sem_alloc : memref<!tpu.dma_semaphore, #tpu.memory_space<semaphore_mem>>
      %dma_start3A_93 = arith.constant 0 : i32
      %dma_start3A_94 = tpu.memref_slice %arg14[%add3A_26, %dma_start3A_93] : memref<10240x128xf32, #tpu.memory_space<vmem_shared>> -> memref<80x128xf32, #tpu.memory_space<vmem_shared>>
      %dma_start3A_95 = arith.constant 0 : i32
      %dma_start3A_96 = tpu.memref_slice %arg14[%add3A_26, %dma_start3A_95] : memref<10240x128xf32, #tpu.memory_space<vmem_shared>> -> memref<80x128xf32, #tpu.memory_space<vmem_shared>>
      tpu.enqueue_dma source(%arg12 : memref<80x128xf32, #tpu.memory_space<vmem>>) target(%dma_start3A_96 : memref<80x128xf32, #tpu.memory_space<vmem_shared>>) target_semaphore(%run_scoped3A : memref<!tpu.dma_semaphore, #tpu.memory_space<semaphore_mem>>)
      %dma_wait3A_97 = arith.constant 0 : i32
      %dma_wait3A_98 = tpu.memref_slice %arg14[%add3A_26, %dma_wait3A_97] : memref<10240x128xf32, #tpu.memory_space<vmem_shared>> -> memref<80x128xf32, #tpu.memory_space<vmem_shared>>
      %dma_wait3A_99 = arith.constant 0 : i32
      %dma_wait3A_100 = tpu.memref_slice %arg14[%add3A_26, %dma_wait3A_99] : memref<10240x128xf32, #tpu.memory_space<vmem_shared>> -> memref<80x128xf32, #tpu.memory_space<vmem_shared>>
      tpu.wait_dma2 semaphore(%run_scoped3A : memref<!tpu.dma_semaphore, #tpu.memory_space<semaphore_mem>>) src(%arg12 : memref<80x128xf32, #tpu.memory_space<vmem>>) dst(%dma_wait3A_100 : memref<80x128xf32, #tpu.memory_space<vmem_shared>>)
      tpu.yield
    }) : () -> ()
    %scan3A_27 = arith.constant 0 : i32
    %scan3A_28 = arith.constant 0 : i32
    %scan3A_29 = arith.constant 625 : i32
    %scan3A_30 = arith.addi %scan3A_28, %scan3A_29 : i32
    %scan3A_31 = arith.constant 1 : i32
    scf.for %scan3A_93 = %scan3A_28 to %scan3A_30 step %scan3A_31  : i32 {
      %mul3A_94 = arith.constant 16 : i32
      %mul3A_95 = arith.muli %scan3A_93, %mul3A_94 : i32
      %swap3A = arith.index_cast %mul3A_95 : i32 to index
      %swap3A_96 = tpu.vector_load %arg23[%swap3A] {strides = array<i32>} : memref<10000xf32, #tpu.memory_space<vmem>>, vector<16xf32>,
      tpu.vector_store %arg23[%swap3A], %broadcast_in_dim3A_3 {strides = array<i32>} : memref<10000xf32, #tpu.memory_space<vmem>>, vector<16xf32>,
    }
    %scan3A_32 = arith.constant 625 : i32
    %barrier3A = arith.constant 0 : index
    tpu.barrier barrier_id(%barrier3A)
    %add3A_33 = arith.constant 0 : i32
    %add3A_34 = arith.addi %mul3A_2, %add3A_33 : i32
    %dma_start3A = tpu.memref_slice %arg3[%add3A_34] : memref<320000xi32, #tpu.memory_space<hbm>> -> memref<80xi32, #tpu.memory_space<hbm>>
    %dma_start3A_35 = tpu.memref_slice %arg3[%add3A_34] : memref<320000xi32, #tpu.memory_space<hbm>> -> memref<80xi32, #tpu.memory_space<hbm>>
    tpu.enqueue_dma source(%dma_start3A_35 : memref<80xi32, #tpu.memory_space<hbm>>) target(%arg8 : memref<80xi32, #tpu.memory_space<vmem>>) target_semaphore(%arg15 : memref<!tpu.dma_semaphore, #tpu.memory_space<semaphore_mem>>)
    %add3A_36 = arith.constant 80 : i32
    %add3A_37 = arith.addi %mul3A_2, %add3A_36 : i32
    %dma_start3A_38 = tpu.memref_slice %arg3[%add3A_37] : memref<320000xi32, #tpu.memory_space<hbm>> -> memref<80xi32, #tpu.memory_space<hbm>>
    %dma_start3A_39 = tpu.memref_slice %arg3[%add3A_37] : memref<320000xi32, #tpu.memory_space<hbm>> -> memref<80xi32, #tpu.memory_space<hbm>>
    tpu.enqueue_dma source(%dma_start3A_39 : memref<80xi32, #tpu.memory_space<hbm>>) target(%arg9 : memref<80xi32, #tpu.memory_space<vmem>>) target_semaphore(%arg16 : memref<!tpu.dma_semaphore, #tpu.memory_space<semaphore_mem>>)
    %add3A_40 = arith.constant 160 : i32
    %add3A_41 = arith.addi %mul3A_2, %add3A_40 : i32
    %dma_start3A_42 = tpu.memref_slice %arg3[%add3A_41] : memref<320000xi32, #tpu.memory_space<hbm>> -> memref<80xi32, #tpu.memory_space<hbm>>
    %dma_start3A_43 = tpu.memref_slice %arg3[%add3A_41] : memref<320000xi32, #tpu.memory_space<hbm>> -> memref<80xi32, #tpu.memory_space<hbm>>
    tpu.enqueue_dma source(%dma_start3A_43 : memref<80xi32, #tpu.memory_space<hbm>>) target(%arg10 : memref<80xi32, #tpu.memory_space<vmem>>) target_semaphore(%arg17 : memref<!tpu.dma_semaphore, #tpu.memory_space<semaphore_mem>>)
    %add3A_44 = arith.constant 240 : i32
    %add3A_45 = arith.addi %mul3A_2, %add3A_44 : i32
    %dma_start3A_46 = tpu.memref_slice %arg3[%add3A_45] : memref<320000xi32, #tpu.memory_space<hbm>> -> memref<80xi32, #tpu.memory_space<hbm>>
    %dma_start3A_47 = tpu.memref_slice %arg3[%add3A_45] : memref<320000xi32, #tpu.memory_space<hbm>> -> memref<80xi32, #tpu.memory_space<hbm>>
    tpu.enqueue_dma source(%dma_start3A_47 : memref<80xi32, #tpu.memory_space<hbm>>) target(%arg11 : memref<80xi32, #tpu.memory_space<vmem>>) target_semaphore(%arg18 : memref<!tpu.dma_semaphore, #tpu.memory_space<semaphore_mem>>)
    %dma_wait3A = tpu.memref_slice %arg3[%mul3A_2] : memref<320000xi32, #tpu.memory_space<hbm>> -> memref<80xi32, #tpu.memory_space<hbm>>
    %dma_wait3A_48 = tpu.memref_slice %arg3[%mul3A_2] : memref<320000xi32, #tpu.memory_space<hbm>> -> memref<80xi32, #tpu.memory_space<hbm>>
    tpu.wait_dma2 semaphore(%arg15 : memref<!tpu.dma_semaphore, #tpu.memory_space<semaphore_mem>>) src(%dma_wait3A_48 : memref<80xi32, #tpu.memory_space<hbm>>) dst(%arg8 : memref<80xi32, #tpu.memory_space<vmem>>)
    %dma_start3A_49 = arith.constant 0 : i32
    %dma_start3A_50 = arith.constant 0 : i32
    %dma_start3A_51 = tpu.memref_slice %arg2[%dma_start3A_49, %dma_start3A_50] : memref<10000x128xf32, #tpu.memory_space<hbm>> -> memref<10000x128xf32, #tpu.memory_space<hbm>>
    tpu.enqueue_indirect_dma source(%dma_start3A_51 : memref<10000x128xf32, #tpu.memory_space<hbm>>) target(%arg12 : memref<80x128xf32, #tpu.memory_space<vmem>>) offsets(%arg8 : memref<80xi32, #tpu.memory_space<vmem>>) semaphore(%arg19 : memref<!tpu.dma_semaphore, #tpu.memory_space<semaphore_mem>>)
    %broadcast_in_dim3A_52 = arith.constant 1.000000e+00 : f32
    %broadcast_in_dim3A_53 = vector.broadcast %broadcast_in_dim3A_52 : f32 to vector<16xf32>
    %scan3A_54 = arith.constant 0 : i32
    %scan3A_55 = arith.constant 0 : i32
    %scan3A_56 = arith.constant 32 : i32
    %scan3A_57 = arith.addi %scan3A_55, %scan3A_56 : i32
    %scan3A_58 = arith.constant 1 : i32
    scf.for %scan3A_93 = %scan3A_55 to %scan3A_57 step %scan3A_58  : i32 {
      %mul3A_94 = arith.constant 4 : i32
      %mul3A_95 = arith.muli %mul3A_94, %scan3A_93 : i32
      %add3A_96 = arith.constant 0 : i32
      %add3A_97 = arith.addi %mul3A_95, %add3A_96 : i32
      %add3A_98 = arith.constant 1 : i32
      %add3A_99 = arith.addi %add3A_97, %add3A_98 : i32
      %lt3A = arith.constant 125 : i32
      %lt3A_100 = arith.cmpi slt, %add3A_99, %lt3A : i32
      %convert_element_type3A = arith.extui %lt3A_100 : i1 to i32
      %cond3A = arith.constant 0 : i32
      %cond3A_101 = arith.cmpi ne, %convert_element_type3A, %cond3A : i32
      scf.if %cond3A_101 {
        %add3A_155 = arith.constant 1 : i32
        %add3A_156 = arith.addi %add3A_97, %add3A_155 : i32
        %mul3A_157 = arith.constant 80 : i32
        %mul3A_158 = arith.muli %add3A_156, %mul3A_157 : i32
        %add3A_159 = arith.addi %mul3A_2, %mul3A_158 : i32
        %dma_wait3A_160 = tpu.memref_slice %arg3[%add3A_159] : memref<320000xi32, #tpu.memory_space<hbm>> -> memref<80xi32, #tpu.memory_space<hbm>>
        %dma_wait3A_161 = tpu.memref_slice %arg3[%add3A_159] : memref<320000xi32, #tpu.memory_space<hbm>> -> memref<80xi32, #tpu.memory_space<hbm>>
        tpu.wait_dma2 semaphore(%arg16 : memref<!tpu.dma_semaphore, #tpu.memory_space<semaphore_mem>>) src(%dma_wait3A_161 : memref<80xi32, #tpu.memory_space<hbm>>) dst(%arg9 : memref<80xi32, #tpu.memory_space<vmem>>)
        %ge3A = arith.constant 1 : i32
        %ge3A_162 = arith.cmpi sge, %add3A_97, %ge3A : i32
        %convert_element_type3A_163 = arith.extui %ge3A_162 : i1 to i32
        %cond3A_164 = arith.constant 0 : i32
        %cond3A_165 = arith.cmpi ne, %convert_element_type3A_163, %cond3A_164 : i32
        scf.if %cond3A_165 {
          %dma_wait3A_169 = arith.constant 0 : i32
          %dma_wait3A_170 = tpu.memref_slice %arg7[%add3A_97, %dma_wait3A_169] : memref<125x80xi32, #tpu.memory_space<vmem>> -> memref<1x80xi32, #tpu.memory_space<vmem>>
          %dma_wait3A_171 = tpu.memref_squeeze %dma_wait3A_170 : memref<1x80xi32, #tpu.memory_space<vmem>> -> memref<80xi32, #tpu.memory_space<vmem>>
          %dma_wait3A_172 = arith.constant 0 : i32
          %dma_wait3A_173 = arith.constant 0 : i32
          %dma_wait3A_174 = tpu.memref_slice %arg14[%dma_wait3A_172, %dma_wait3A_173] : memref<10240x128xf32, #tpu.memory_space<vmem_shared>> -> memref<10240x128xf32, #tpu.memory_space<vmem_shared>>
          tpu.wait_indirect_dma semaphore(%arg22 : memref<!tpu.dma_semaphore, #tpu.memory_space<semaphore_mem>>) src(%arg13 : memref<80x128xf32, #tpu.memory_space<vmem>>) dst(%dma_wait3A_174 : memref<10240x128xf32, #tpu.memory_space<vmem_shared>>)
        } else {
        }
        %dma_start3A_166 = arith.constant 0 : i32
        %dma_start3A_167 = arith.constant 0 : i32
        %dma_start3A_168 = tpu.memref_slice %arg2[%dma_start3A_166, %dma_start3A_167] : memref<10000x128xf32, #tpu.memory_space<hbm>> -> memref<10000x128xf32, #tpu.memory_space<hbm>>
        tpu.enqueue_indirect_dma source(%dma_start3A_168 : memref<10000x128xf32, #tpu.memory_space<hbm>>) target(%arg13 : memref<80x128xf32, #tpu.memory_space<vmem>>) offsets(%arg9 : memref<80xi32, #tpu.memory_space<vmem>>) semaphore(%arg20 : memref<!tpu.dma_semaphore, #tpu.memory_space<semaphore_mem>>)
      } else {
      }
      %lt3A_102 = arith.constant 125 : i32
      %lt3A_103 = arith.cmpi slt, %add3A_97, %lt3A_102 : i32
      %convert_element_type3A_104 = arith.extui %lt3A_103 : i1 to i32
      %cond3A_105 = arith.constant 0 : i32
      %cond3A_106 = arith.cmpi ne, %convert_element_type3A_104, %cond3A_105 : i32
      scf.if %cond3A_106 {
        %dma_wait3A_155 = arith.constant 0 : i32
        %dma_wait3A_156 = arith.constant 0 : i32
        %dma_wait3A_157 = tpu.memref_slice %arg2[%dma_wait3A_155, %dma_wait3A_156] : memref<10000x128xf32, #tpu.memory_space<hbm>> -> memref<10000x128xf32, #tpu.memory_space<hbm>>
        tpu.wait_indirect_dma semaphore(%arg19 : memref<!tpu.dma_semaphore, #tpu.memory_space<semaphore_mem>>) src(%dma_wait3A_157 : memref<10000x128xf32, #tpu.memory_space<hbm>>) dst(%arg12 : memref<80x128xf32, #tpu.memory_space<vmem>>)
        %add3A_158 = arith.constant 4 : i32
        %add3A_159 = arith.addi %add3A_97, %add3A_158 : i32
        %lt3A_160 = arith.constant 125 : i32
        %lt3A_161 = arith.cmpi slt, %add3A_159, %lt3A_160 : i32
        %convert_element_type3A_162 = arith.extui %lt3A_161 : i1 to i32
        %cond3A_163 = arith.constant 0 : i32
        %cond3A_164 = arith.cmpi ne, %convert_element_type3A_162, %cond3A_163 : i32
        scf.if %cond3A_164 {
          %add3A_185 = arith.constant 4 : i32
          %add3A_186 = arith.addi %add3A_97, %add3A_185 : i32
          %mul3A_187 = arith.constant 80 : i32
          %mul3A_188 = arith.muli %add3A_186, %mul3A_187 : i32
          %add3A_189 = arith.addi %mul3A_2, %mul3A_188 : i32
          %dma_start3A_190 = tpu.memref_slice %arg3[%add3A_189] : memref<320000xi32, #tpu.memory_space<hbm>> -> memref<80xi32, #tpu.memory_space<hbm>>
          %dma_start3A_191 = tpu.memref_slice %arg3[%add3A_189] : memref<320000xi32, #tpu.memory_space<hbm>> -> memref<80xi32, #tpu.memory_space<hbm>>
          tpu.enqueue_dma source(%dma_start3A_191 : memref<80xi32, #tpu.memory_space<hbm>>) target(%arg8 : memref<80xi32, #tpu.memory_space<vmem>>) target_semaphore(%arg15 : memref<!tpu.dma_semaphore, #tpu.memory_space<semaphore_mem>>)
        } else {
        }
        %dma_start3A_165 = arith.constant 0 : i32
        %dma_start3A_166 = tpu.memref_slice %arg7[%add3A_97, %dma_start3A_165] : memref<125x80xi32, #tpu.memory_space<vmem>> -> memref<1x80xi32, #tpu.memory_space<vmem>>
        %dma_start3A_167 = tpu.memref_squeeze %dma_start3A_166 : memref<1x80xi32, #tpu.memory_space<vmem>> -> memref<80xi32, #tpu.memory_space<vmem>>
        %dma_start3A_168 = arith.constant 0 : i32
        %dma_start3A_169 = arith.constant 0 : i32
        %dma_start3A_170 = tpu.memref_slice %arg14[%dma_start3A_168, %dma_start3A_169] : memref<10240x128xf32, #tpu.memory_space<vmem_shared>> -> memref<10240x128xf32, #tpu.memory_space<vmem_shared>>
        tpu.enqueue_indirect_dma source(%arg12 : memref<80x128xf32, #tpu.memory_space<vmem>>) target(%dma_start3A_170 : memref<10240x128xf32, #tpu.memory_space<vmem_shared>>) offsets(%dma_start3A_167 : memref<80xi32, #tpu.memory_space<vmem>>) semaphore(%arg21 : memref<!tpu.dma_semaphore, #tpu.memory_space<semaphore_mem>>) {add = true}
        %get3A = arith.index_cast %add3A_97 : i32 to index
        %get3A_171 = arith.constant 0 : index
        %get3A_172 = tpu.vector_load %arg7[%get3A, %get3A_171] {strides = array<i32>} : memref<125x80xi32, #tpu.memory_space<vmem>>, vector<16xi32>,
        tpu.vector_store_idx %arg23[%get3A_172], %broadcast_in_dim3A_53 {add = true} : memref<10000xf32, #tpu.memory_space<vmem>>[vector<16xi32>], vector<16xf32>,
        %get3A_173 = arith.index_cast %add3A_97 : i32 to index
        %get3A_174 = arith.constant 16 : index
        %get3A_175 = tpu.vector_load %arg7[%get3A_173, %get3A_174] {strides = array<i32>} : memref<125x80xi32, #tpu.memory_space<vmem>>, vector<16xi32>,
        tpu.vector_store_idx %arg23[%get3A_175], %broadcast_in_dim3A_53 {add = true} : memref<10000xf32, #tpu.memory_space<vmem>>[vector<16xi32>], vector<16xf32>,
        %get3A_176 = arith.index_cast %add3A_97 : i32 to index
        %get3A_177 = arith.constant 32 : index
        %get3A_178 = tpu.vector_load %arg7[%get3A_176, %get3A_177] {strides = array<i32>} : memref<125x80xi32, #tpu.memory_space<vmem>>, vector<16xi32>,
        tpu.vector_store_idx %arg23[%get3A_178], %broadcast_in_dim3A_53 {add = true} : memref<10000xf32, #tpu.memory_space<vmem>>[vector<16xi32>], vector<16xf32>,
        %get3A_179 = arith.index_cast %add3A_97 : i32 to index
        %get3A_180 = arith.constant 48 : index
        %get3A_181 = tpu.vector_load %arg7[%get3A_179, %get3A_180] {strides = array<i32>} : memref<125x80xi32, #tpu.memory_space<vmem>>, vector<16xi32>,
        tpu.vector_store_idx %arg23[%get3A_181], %broadcast_in_dim3A_53 {add = true} : memref<10000xf32, #tpu.memory_space<vmem>>[vector<16xi32>], vector<16xf32>,
        %get3A_182 = arith.index_cast %add3A_97 : i32 to index
        %get3A_183 = arith.constant 64 : index
        %get3A_184 = tpu.vector_load %arg7[%get3A_182, %get3A_183] {strides = array<i32>} : memref<125x80xi32, #tpu.memory_space<vmem>>, vector<16xi32>,
        tpu.vector_store_idx %arg23[%get3A_184], %broadcast_in_dim3A_53 {add = true} : memref<10000xf32, #tpu.memory_space<vmem>>[vector<16xi32>], vector<16xf32>,
      } else {
      }
      %mul3A_107 = arith.constant 4 : i32
      %mul3A_108 = arith.muli %mul3A_107, %scan3A_93 : i32
      %add3A_109 = arith.constant 1 : i32
      %add3A_110 = arith.addi %mul3A_108, %add3A_109 : i32
      %add3A_111 = arith.constant 1 : i32
      %add3A_112 = arith.addi %add3A_110, %add3A_111 : i32
      %lt3A_113 = arith.constant 125 : i32
      %lt3A_114 = arith.cmpi slt, %add3A_112, %lt3A_113 : i32
      %convert_element_type3A_115 = arith.extui %lt3A_114 : i1 to i32
      %cond3A_116 = arith.constant 0 : i32
      %cond3A_117 = arith.cmpi ne, %convert_element_type3A_115, %cond3A_116 : i32
      scf.if %cond3A_117 {
        %add3A_155 = arith.constant 1 : i32
        %add3A_156 = arith.addi %add3A_110, %add3A_155 : i32
        %mul3A_157 = arith.constant 80 : i32
        %mul3A_158 = arith.muli %add3A_156, %mul3A_157 : i32
        %add3A_159 = arith.addi %mul3A_2, %mul3A_158 : i32
        %dma_wait3A_160 = tpu.memref_slice %arg3[%add3A_159] : memref<320000xi32, #tpu.memory_space<hbm>> -> memref<80xi32, #tpu.memory_space<hbm>>
        %dma_wait3A_161 = tpu.memref_slice %arg3[%add3A_159] : memref<320000xi32, #tpu.memory_space<hbm>> -> memref<80xi32, #tpu.memory_space<hbm>>
        tpu.wait_dma2 semaphore(%arg17 : memref<!tpu.dma_semaphore, #tpu.memory_space<semaphore_mem>>) src(%dma_wait3A_161 : memref<80xi32, #tpu.memory_space<hbm>>) dst(%arg10 : memref<80xi32, #tpu.memory_space<vmem>>)
        %ge3A = arith.constant 1 : i32
        %ge3A_162 = arith.cmpi sge, %add3A_110, %ge3A : i32
        %convert_element_type3A_163 = arith.extui %ge3A_162 : i1 to i32
        %cond3A_164 = arith.constant 0 : i32
        %cond3A_165 = arith.cmpi ne, %convert_element_type3A_163, %cond3A_164 : i32
        scf.if %cond3A_165 {
          %dma_wait3A_169 = arith.constant 0 : i32
          %dma_wait3A_170 = tpu.memref_slice %arg7[%add3A_110, %dma_wait3A_169] : memref<125x80xi32, #tpu.memory_space<vmem>> -> memref<1x80xi32, #tpu.memory_space<vmem>>
          %dma_wait3A_171 = tpu.memref_squeeze %dma_wait3A_170 : memref<1x80xi32, #tpu.memory_space<vmem>> -> memref<80xi32, #tpu.memory_space<vmem>>
          %dma_wait3A_172 = arith.constant 0 : i32
          %dma_wait3A_173 = arith.constant 0 : i32
          %dma_wait3A_174 = tpu.memref_slice %arg14[%dma_wait3A_172, %dma_wait3A_173] : memref<10240x128xf32, #tpu.memory_space<vmem_shared>> -> memref<10240x128xf32, #tpu.memory_space<vmem_shared>>
          tpu.wait_indirect_dma semaphore(%arg21 : memref<!tpu.dma_semaphore, #tpu.memory_space<semaphore_mem>>) src(%arg12 : memref<80x128xf32, #tpu.memory_space<vmem>>) dst(%dma_wait3A_174 : memref<10240x128xf32, #tpu.memory_space<vmem_shared>>)
        } else {
        }
        %dma_start3A_166 = arith.constant 0 : i32
        %dma_start3A_167 = arith.constant 0 : i32
        %dma_start3A_168 = tpu.memref_slice %arg2[%dma_start3A_166, %dma_start3A_167] : memref<10000x128xf32, #tpu.memory_space<hbm>> -> memref<10000x128xf32, #tpu.memory_space<hbm>>
        tpu.enqueue_indirect_dma source(%dma_start3A_168 : memref<10000x128xf32, #tpu.memory_space<hbm>>) target(%arg12 : memref<80x128xf32, #tpu.memory_space<vmem>>) offsets(%arg10 : memref<80xi32, #tpu.memory_space<vmem>>) semaphore(%arg19 : memref<!tpu.dma_semaphore, #tpu.memory_space<semaphore_mem>>)
      } else {
      }
      %lt3A_118 = arith.constant 125 : i32
      %lt3A_119 = arith.cmpi slt, %add3A_110, %lt3A_118 : i32
      %convert_element_type3A_120 = arith.extui %lt3A_119 : i1 to i32
      %cond3A_121 = arith.constant 0 : i32
      %cond3A_122 = arith.cmpi ne, %convert_element_type3A_120, %cond3A_121 : i32
      scf.if %cond3A_122 {
        %dma_wait3A_155 = arith.constant 0 : i32
        %dma_wait3A_156 = arith.constant 0 : i32
        %dma_wait3A_157 = tpu.memref_slice %arg2[%dma_wait3A_155, %dma_wait3A_156] : memref<10000x128xf32, #tpu.memory_space<hbm>> -> memref<10000x128xf32, #tpu.memory_space<hbm>>
        tpu.wait_indirect_dma semaphore(%arg20 : memref<!tpu.dma_semaphore, #tpu.memory_space<semaphore_mem>>) src(%dma_wait3A_157 : memref<10000x128xf32, #tpu.memory_space<hbm>>) dst(%arg13 : memref<80x128xf32, #tpu.memory_space<vmem>>)
        %add3A_158 = arith.constant 4 : i32
        %add3A_159 = arith.addi %add3A_110, %add3A_158 : i32
        %lt3A_160 = arith.constant 125 : i32
        %lt3A_161 = arith.cmpi slt, %add3A_159, %lt3A_160 : i32
        %convert_element_type3A_162 = arith.extui %lt3A_161 : i1 to i32
        %cond3A_163 = arith.constant 0 : i32
        %cond3A_164 = arith.cmpi ne, %convert_element_type3A_162, %cond3A_163 : i32
        scf.if %cond3A_164 {
          %add3A_185 = arith.constant 4 : i32
          %add3A_186 = arith.addi %add3A_110, %add3A_185 : i32
          %mul3A_187 = arith.constant 80 : i32
          %mul3A_188 = arith.muli %add3A_186, %mul3A_187 : i32
          %add3A_189 = arith.addi %mul3A_2, %mul3A_188 : i32
          %dma_start3A_190 = tpu.memref_slice %arg3[%add3A_189] : memref<320000xi32, #tpu.memory_space<hbm>> -> memref<80xi32, #tpu.memory_space<hbm>>
          %dma_start3A_191 = tpu.memref_slice %arg3[%add3A_189] : memref<320000xi32, #tpu.memory_space<hbm>> -> memref<80xi32, #tpu.memory_space<hbm>>
          tpu.enqueue_dma source(%dma_start3A_191 : memref<80xi32, #tpu.memory_space<hbm>>) target(%arg9 : memref<80xi32, #tpu.memory_space<vmem>>) target_semaphore(%arg16 : memref<!tpu.dma_semaphore, #tpu.memory_space<semaphore_mem>>)
        } else {
        }
        %dma_start3A_165 = arith.constant 0 : i32
        %dma_start3A_166 = tpu.memref_slice %arg7[%add3A_110, %dma_start3A_165] : memref<125x80xi32, #tpu.memory_space<vmem>> -> memref<1x80xi32, #tpu.memory_space<vmem>>
        %dma_start3A_167 = tpu.memref_squeeze %dma_start3A_166 : memref<1x80xi32, #tpu.memory_space<vmem>> -> memref<80xi32, #tpu.memory_space<vmem>>
        %dma_start3A_168 = arith.constant 0 : i32
        %dma_start3A_169 = arith.constant 0 : i32
        %dma_start3A_170 = tpu.memref_slice %arg14[%dma_start3A_168, %dma_start3A_169] : memref<10240x128xf32, #tpu.memory_space<vmem_shared>> -> memref<10240x128xf32, #tpu.memory_space<vmem_shared>>
        tpu.enqueue_indirect_dma source(%arg13 : memref<80x128xf32, #tpu.memory_space<vmem>>) target(%dma_start3A_170 : memref<10240x128xf32, #tpu.memory_space<vmem_shared>>) offsets(%dma_start3A_167 : memref<80xi32, #tpu.memory_space<vmem>>) semaphore(%arg22 : memref<!tpu.dma_semaphore, #tpu.memory_space<semaphore_mem>>) {add = true}
        %get3A = arith.index_cast %add3A_110 : i32 to index
        %get3A_171 = arith.constant 0 : index
        %get3A_172 = tpu.vector_load %arg7[%get3A, %get3A_171] {strides = array<i32>} : memref<125x80xi32, #tpu.memory_space<vmem>>, vector<16xi32>,
        tpu.vector_store_idx %arg23[%get3A_172], %broadcast_in_dim3A_53 {add = true} : memref<10000xf32, #tpu.memory_space<vmem>>[vector<16xi32>], vector<16xf32>,
        %get3A_173 = arith.index_cast %add3A_110 : i32 to index
        %get3A_174 = arith.constant 16 : index
        %get3A_175 = tpu.vector_load %arg7[%get3A_173, %get3A_174] {strides = array<i32>} : memref<125x80xi32, #tpu.memory_space<vmem>>, vector<16xi32>,
        tpu.vector_store_idx %arg23[%get3A_175], %broadcast_in_dim3A_53 {add = true} : memref<10000xf32, #tpu.memory_space<vmem>>[vector<16xi32>], vector<16xf32>,
        %get3A_176 = arith.index_cast %add3A_110 : i32 to index
        %get3A_177 = arith.constant 32 : index
        %get3A_178 = tpu.vector_load %arg7[%get3A_176, %get3A_177] {strides = array<i32>} : memref<125x80xi32, #tpu.memory_space<vmem>>, vector<16xi32>,
        tpu.vector_store_idx %arg23[%get3A_178], %broadcast_in_dim3A_53 {add = true} : memref<10000xf32, #tpu.memory_space<vmem>>[vector<16xi32>], vector<16xf32>,
        %get3A_179 = arith.index_cast %add3A_110 : i32 to index
        %get3A_180 = arith.constant 48 : index
        %get3A_181 = tpu.vector_load %arg7[%get3A_179, %get3A_180] {strides = array<i32>} : memref<125x80xi32, #tpu.memory_space<vmem>>, vector<16xi32>,
        tpu.vector_store_idx %arg23[%get3A_181], %broadcast_in_dim3A_53 {add = true} : memref<10000xf32, #tpu.memory_space<vmem>>[vector<16xi32>], vector<16xf32>,
        %get3A_182 = arith.index_cast %add3A_110 : i32 to index
        %get3A_183 = arith.constant 64 : index
        %get3A_184 = tpu.vector_load %arg7[%get3A_182, %get3A_183] {strides = array<i32>} : memref<125x80xi32, #tpu.memory_space<vmem>>, vector<16xi32>,
        tpu.vector_store_idx %arg23[%get3A_184], %broadcast_in_dim3A_53 {add = true} : memref<10000xf32, #tpu.memory_space<vmem>>[vector<16xi32>], vector<16xf32>,
      } else {
      }
      %mul3A_123 = arith.constant 4 : i32
      %mul3A_124 = arith.muli %mul3A_123, %scan3A_93 : i32
      %add3A_125 = arith.constant 2 : i32
      %add3A_126 = arith.addi %mul3A_124, %add3A_125 : i32
      %add3A_127 = arith.constant 1 : i32
      %add3A_128 = arith.addi %add3A_126, %add3A_127 : i32
      %lt3A_129 = arith.constant 125 : i32
      %lt3A_130 = arith.cmpi slt, %add3A_128, %lt3A_129 : i32
      %convert_element_type3A_131 = arith.extui %lt3A_130 : i1 to i32
      %cond3A_132 = arith.constant 0 : i32
      %cond3A_133 = arith.cmpi ne, %convert_element_type3A_131, %cond3A_132 : i32
      scf.if %cond3A_133 {
        %add3A_155 = arith.constant 1 : i32
        %add3A_156 = arith.addi %add3A_126, %add3A_155 : i32
        %mul3A_157 = arith.constant 80 : i32
        %mul3A_158 = arith.muli %add3A_156, %mul3A_157 : i32
        %add3A_159 = arith.addi %mul3A_2, %mul3A_158 : i32
        %dma_wait3A_160 = tpu.memref_slice %arg3[%add3A_159] : memref<320000xi32, #tpu.memory_space<hbm>> -> memref<80xi32, #tpu.memory_space<hbm>>
        %dma_wait3A_161 = tpu.memref_slice %arg3[%add3A_159] : memref<320000xi32, #tpu.memory_space<hbm>> -> memref<80xi32, #tpu.memory_space<hbm>>
        tpu.wait_dma2 semaphore(%arg18 : memref<!tpu.dma_semaphore, #tpu.memory_space<semaphore_mem>>) src(%dma_wait3A_161 : memref<80xi32, #tpu.memory_space<hbm>>) dst(%arg11 : memref<80xi32, #tpu.memory_space<vmem>>)
        %ge3A = arith.constant 1 : i32
        %ge3A_162 = arith.cmpi sge, %add3A_126, %ge3A : i32
        %convert_element_type3A_163 = arith.extui %ge3A_162 : i1 to i32
        %cond3A_164 = arith.constant 0 : i32
        %cond3A_165 = arith.cmpi ne, %convert_element_type3A_163, %cond3A_164 : i32
        scf.if %cond3A_165 {
          %dma_wait3A_169 = arith.constant 0 : i32
          %dma_wait3A_170 = tpu.memref_slice %arg7[%add3A_126, %dma_wait3A_169] : memref<125x80xi32, #tpu.memory_space<vmem>> -> memref<1x80xi32, #tpu.memory_space<vmem>>
          %dma_wait3A_171 = tpu.memref_squeeze %dma_wait3A_170 : memref<1x80xi32, #tpu.memory_space<vmem>> -> memref<80xi32, #tpu.memory_space<vmem>>
          %dma_wait3A_172 = arith.constant 0 : i32
          %dma_wait3A_173 = arith.constant 0 : i32
          %dma_wait3A_174 = tpu.memref_slice %arg14[%dma_wait3A_172, %dma_wait3A_173] : memref<10240x128xf32, #tpu.memory_space<vmem_shared>> -> memref<10240x128xf32, #tpu.memory_space<vmem_shared>>
          tpu.wait_indirect_dma semaphore(%arg22 : memref<!tpu.dma_semaphore, #tpu.memory_space<semaphore_mem>>) src(%arg13 : memref<80x128xf32, #tpu.memory_space<vmem>>) dst(%dma_wait3A_174 : memref<10240x128xf32, #tpu.memory_space<vmem_shared>>)
        } else {
        }
        %dma_start3A_166 = arith.constant 0 : i32
        %dma_start3A_167 = arith.constant 0 : i32
        %dma_start3A_168 = tpu.memref_slice %arg2[%dma_start3A_166, %dma_start3A_167] : memref<10000x128xf32, #tpu.memory_space<hbm>> -> memref<10000x128xf32, #tpu.memory_space<hbm>>
        tpu.enqueue_indirect_dma source(%dma_start3A_168 : memref<10000x128xf32, #tpu.memory_space<hbm>>) target(%arg13 : memref<80x128xf32, #tpu.memory_space<vmem>>) offsets(%arg11 : memref<80xi32, #tpu.memory_space<vmem>>) semaphore(%arg20 : memref<!tpu.dma_semaphore, #tpu.memory_space<semaphore_mem>>)
      } else {
      }
      %lt3A_134 = arith.constant 125 : i32
      %lt3A_135 = arith.cmpi slt, %add3A_126, %lt3A_134 : i32
      %convert_element_type3A_136 = arith.extui %lt3A_135 : i1 to i32
      %cond3A_137 = arith.constant 0 : i32
      %cond3A_138 = arith.cmpi ne, %convert_element_type3A_136, %cond3A_137 : i32
      scf.if %cond3A_138 {
        %dma_wait3A_155 = arith.constant 0 : i32
        %dma_wait3A_156 = arith.constant 0 : i32
        %dma_wait3A_157 = tpu.memref_slice %arg2[%dma_wait3A_155, %dma_wait3A_156] : memref<10000x128xf32, #tpu.memory_space<hbm>> -> memref<10000x128xf32, #tpu.memory_space<hbm>>
        tpu.wait_indirect_dma semaphore(%arg19 : memref<!tpu.dma_semaphore, #tpu.memory_space<semaphore_mem>>) src(%dma_wait3A_157 : memref<10000x128xf32, #tpu.memory_space<hbm>>) dst(%arg12 : memref<80x128xf32, #tpu.memory_space<vmem>>)
        %add3A_158 = arith.constant 4 : i32
        %add3A_159 = arith.addi %add3A_126, %add3A_158 : i32
        %lt3A_160 = arith.constant 125 : i32
        %lt3A_161 = arith.cmpi slt, %add3A_159, %lt3A_160 : i32
        %convert_element_type3A_162 = arith.extui %lt3A_161 : i1 to i32
        %cond3A_163 = arith.constant 0 : i32
        %cond3A_164 = arith.cmpi ne, %convert_element_type3A_162, %cond3A_163 : i32
        scf.if %cond3A_164 {
          %add3A_185 = arith.constant 4 : i32
          %add3A_186 = arith.addi %add3A_126, %add3A_185 : i32
          %mul3A_187 = arith.constant 80 : i32
          %mul3A_188 = arith.muli %add3A_186, %mul3A_187 : i32
          %add3A_189 = arith.addi %mul3A_2, %mul3A_188 : i32
          %dma_start3A_190 = tpu.memref_slice %arg3[%add3A_189] : memref<320000xi32, #tpu.memory_space<hbm>> -> memref<80xi32, #tpu.memory_space<hbm>>
          %dma_start3A_191 = tpu.memref_slice %arg3[%add3A_189] : memref<320000xi32, #tpu.memory_space<hbm>> -> memref<80xi32, #tpu.memory_space<hbm>>
          tpu.enqueue_dma source(%dma_start3A_191 : memref<80xi32, #tpu.memory_space<hbm>>) target(%arg10 : memref<80xi32, #tpu.memory_space<vmem>>) target_semaphore(%arg17 : memref<!tpu.dma_semaphore, #tpu.memory_space<semaphore_mem>>)
        } else {
        }
        %dma_start3A_165 = arith.constant 0 : i32
        %dma_start3A_166 = tpu.memref_slice %arg7[%add3A_126, %dma_start3A_165] : memref<125x80xi32, #tpu.memory_space<vmem>> -> memref<1x80xi32, #tpu.memory_space<vmem>>
        %dma_start3A_167 = tpu.memref_squeeze %dma_start3A_166 : memref<1x80xi32, #tpu.memory_space<vmem>> -> memref<80xi32, #tpu.memory_space<vmem>>
        %dma_start3A_168 = arith.constant 0 : i32
        %dma_start3A_169 = arith.constant 0 : i32
        %dma_start3A_170 = tpu.memref_slice %arg14[%dma_start3A_168, %dma_start3A_169] : memref<10240x128xf32, #tpu.memory_space<vmem_shared>> -> memref<10240x128xf32, #tpu.memory_space<vmem_shared>>
        tpu.enqueue_indirect_dma source(%arg12 : memref<80x128xf32, #tpu.memory_space<vmem>>) target(%dma_start3A_170 : memref<10240x128xf32, #tpu.memory_space<vmem_shared>>) offsets(%dma_start3A_167 : memref<80xi32, #tpu.memory_space<vmem>>) semaphore(%arg21 : memref<!tpu.dma_semaphore, #tpu.memory_space<semaphore_mem>>) {add = true}
        %get3A = arith.index_cast %add3A_126 : i32 to index
        %get3A_171 = arith.constant 0 : index
        %get3A_172 = tpu.vector_load %arg7[%get3A, %get3A_171] {strides = array<i32>} : memref<125x80xi32, #tpu.memory_space<vmem>>, vector<16xi32>,
        tpu.vector_store_idx %arg23[%get3A_172], %broadcast_in_dim3A_53 {add = true} : memref<10000xf32, #tpu.memory_space<vmem>>[vector<16xi32>], vector<16xf32>,
        %get3A_173 = arith.index_cast %add3A_126 : i32 to index
        %get3A_174 = arith.constant 16 : index
        %get3A_175 = tpu.vector_load %arg7[%get3A_173, %get3A_174] {strides = array<i32>} : memref<125x80xi32, #tpu.memory_space<vmem>>, vector<16xi32>,
        tpu.vector_store_idx %arg23[%get3A_175], %broadcast_in_dim3A_53 {add = true} : memref<10000xf32, #tpu.memory_space<vmem>>[vector<16xi32>], vector<16xf32>,
        %get3A_176 = arith.index_cast %add3A_126 : i32 to index
        %get3A_177 = arith.constant 32 : index
        %get3A_178 = tpu.vector_load %arg7[%get3A_176, %get3A_177] {strides = array<i32>} : memref<125x80xi32, #tpu.memory_space<vmem>>, vector<16xi32>,
        tpu.vector_store_idx %arg23[%get3A_178], %broadcast_in_dim3A_53 {add = true} : memref<10000xf32, #tpu.memory_space<vmem>>[vector<16xi32>], vector<16xf32>,
        %get3A_179 = arith.index_cast %add3A_126 : i32 to index
        %get3A_180 = arith.constant 48 : index
        %get3A_181 = tpu.vector_load %arg7[%get3A_179, %get3A_180] {strides = array<i32>} : memref<125x80xi32, #tpu.memory_space<vmem>>, vector<16xi32>,
        tpu.vector_store_idx %arg23[%get3A_181], %broadcast_in_dim3A_53 {add = true} : memref<10000xf32, #tpu.memory_space<vmem>>[vector<16xi32>], vector<16xf32>,
        %get3A_182 = arith.index_cast %add3A_126 : i32 to index
        %get3A_183 = arith.constant 64 : index
        %get3A_184 = tpu.vector_load %arg7[%get3A_182, %get3A_183] {strides = array<i32>} : memref<125x80xi32, #tpu.memory_space<vmem>>, vector<16xi32>,
        tpu.vector_store_idx %arg23[%get3A_184], %broadcast_in_dim3A_53 {add = true} : memref<10000xf32, #tpu.memory_space<vmem>>[vector<16xi32>], vector<16xf32>,
      } else {
      }
      %mul3A_139 = arith.constant 4 : i32
      %mul3A_140 = arith.muli %mul3A_139, %scan3A_93 : i32
      %add3A_141 = arith.constant 3 : i32
      %add3A_142 = arith.addi %mul3A_140, %add3A_141 : i32
      %add3A_143 = arith.constant 1 : i32
      %add3A_144 = arith.addi %add3A_142, %add3A_143 : i32
      %lt3A_145 = arith.constant 125 : i32
      %lt3A_146 = arith.cmpi slt, %add3A_144, %lt3A_145 : i32
      %convert_element_type3A_147 = arith.extui %lt3A_146 : i1 to i32
      %cond3A_148 = arith.constant 0 : i32
      %cond3A_149 = arith.cmpi ne, %convert_element_type3A_147, %cond3A_148 : i32
      scf.if %cond3A_149 {
        %add3A_155 = arith.constant 1 : i32
        %add3A_156 = arith.addi %add3A_142, %add3A_155 : i32
        %mul3A_157 = arith.constant 80 : i32
        %mul3A_158 = arith.muli %add3A_156, %mul3A_157 : i32
        %add3A_159 = arith.addi %mul3A_2, %mul3A_158 : i32
        %dma_wait3A_160 = tpu.memref_slice %arg3[%add3A_159] : memref<320000xi32, #tpu.memory_space<hbm>> -> memref<80xi32, #tpu.memory_space<hbm>>
        %dma_wait3A_161 = tpu.memref_slice %arg3[%add3A_159] : memref<320000xi32, #tpu.memory_space<hbm>> -> memref<80xi32, #tpu.memory_space<hbm>>
        tpu.wait_dma2 semaphore(%arg15 : memref<!tpu.dma_semaphore, #tpu.memory_space<semaphore_mem>>) src(%dma_wait3A_161 : memref<80xi32, #tpu.memory_space<hbm>>) dst(%arg8 : memref<80xi32, #tpu.memory_space<vmem>>)
        %ge3A = arith.constant 1 : i32
        %ge3A_162 = arith.cmpi sge, %add3A_142, %ge3A : i32
        %convert_element_type3A_163 = arith.extui %ge3A_162 : i1 to i32
        %cond3A_164 = arith.constant 0 : i32
        %cond3A_165 = arith.cmpi ne, %convert_element_type3A_163, %cond3A_164 : i32
        scf.if %cond3A_165 {
          %dma_wait3A_169 = arith.constant 0 : i32
          %dma_wait3A_170 = tpu.memref_slice %arg7[%add3A_142, %dma_wait3A_169] : memref<125x80xi32, #tpu.memory_space<vmem>> -> memref<1x80xi32, #tpu.memory_space<vmem>>
          %dma_wait3A_171 = tpu.memref_squeeze %dma_wait3A_170 : memref<1x80xi32, #tpu.memory_space<vmem>> -> memref<80xi32, #tpu.memory_space<vmem>>
          %dma_wait3A_172 = arith.constant 0 : i32
          %dma_wait3A_173 = arith.constant 0 : i32
          %dma_wait3A_174 = tpu.memref_slice %arg14[%dma_wait3A_172, %dma_wait3A_173] : memref<10240x128xf32, #tpu.memory_space<vmem_shared>> -> memref<10240x128xf32, #tpu.memory_space<vmem_shared>>
          tpu.wait_indirect_dma semaphore(%arg21 : memref<!tpu.dma_semaphore, #tpu.memory_space<semaphore_mem>>) src(%arg12 : memref<80x128xf32, #tpu.memory_space<vmem>>) dst(%dma_wait3A_174 : memref<10240x128xf32, #tpu.memory_space<vmem_shared>>)
        } else {
        }
        %dma_start3A_166 = arith.constant 0 : i32
        %dma_start3A_167 = arith.constant 0 : i32
        %dma_start3A_168 = tpu.memref_slice %arg2[%dma_start3A_166, %dma_start3A_167] : memref<10000x128xf32, #tpu.memory_space<hbm>> -> memref<10000x128xf32, #tpu.memory_space<hbm>>
        tpu.enqueue_indirect_dma source(%dma_start3A_168 : memref<10000x128xf32, #tpu.memory_space<hbm>>) target(%arg12 : memref<80x128xf32, #tpu.memory_space<vmem>>) offsets(%arg8 : memref<80xi32, #tpu.memory_space<vmem>>) semaphore(%arg19 : memref<!tpu.dma_semaphore, #tpu.memory_space<semaphore_mem>>)
      } else {
      }
      %lt3A_150 = arith.constant 125 : i32
      %lt3A_151 = arith.cmpi slt, %add3A_142, %lt3A_150 : i32
      %convert_element_type3A_152 = arith.extui %lt3A_151 : i1 to i32
      %cond3A_153 = arith.constant 0 : i32
      %cond3A_154 = arith.cmpi ne, %convert_element_type3A_152, %cond3A_153 : i32
      scf.if %cond3A_154 {
        %dma_wait3A_155 = arith.constant 0 : i32
        %dma_wait3A_156 = arith.constant 0 : i32
        %dma_wait3A_157 = tpu.memref_slice %arg2[%dma_wait3A_155, %dma_wait3A_156] : memref<10000x128xf32, #tpu.memory_space<hbm>> -> memref<10000x128xf32, #tpu.memory_space<hbm>>
        tpu.wait_indirect_dma semaphore(%arg20 : memref<!tpu.dma_semaphore, #tpu.memory_space<semaphore_mem>>) src(%dma_wait3A_157 : memref<10000x128xf32, #tpu.memory_space<hbm>>) dst(%arg13 : memref<80x128xf32, #tpu.memory_space<vmem>>)
        %add3A_158 = arith.constant 4 : i32
        %add3A_159 = arith.addi %add3A_142, %add3A_158 : i32
        %lt3A_160 = arith.constant 125 : i32
        %lt3A_161 = arith.cmpi slt, %add3A_159, %lt3A_160 : i32
        %convert_element_type3A_162 = arith.extui %lt3A_161 : i1 to i32
        %cond3A_163 = arith.constant 0 : i32
        %cond3A_164 = arith.cmpi ne, %convert_element_type3A_162, %cond3A_163 : i32
        scf.if %cond3A_164 {
          %add3A_185 = arith.constant 4 : i32
          %add3A_186 = arith.addi %add3A_142, %add3A_185 : i32
          %mul3A_187 = arith.constant 80 : i32
          %mul3A_188 = arith.muli %add3A_186, %mul3A_187 : i32
          %add3A_189 = arith.addi %mul3A_2, %mul3A_188 : i32
          %dma_start3A_190 = tpu.memref_slice %arg3[%add3A_189] : memref<320000xi32, #tpu.memory_space<hbm>> -> memref<80xi32, #tpu.memory_space<hbm>>
          %dma_start3A_191 = tpu.memref_slice %arg3[%add3A_189] : memref<320000xi32, #tpu.memory_space<hbm>> -> memref<80xi32, #tpu.memory_space<hbm>>
          tpu.enqueue_dma source(%dma_start3A_191 : memref<80xi32, #tpu.memory_space<hbm>>) target(%arg11 : memref<80xi32, #tpu.memory_space<vmem>>) target_semaphore(%arg18 : memref<!tpu.dma_semaphore, #tpu.memory_space<semaphore_mem>>)
        } else {
        }
        %dma_start3A_165 = arith.constant 0 : i32
        %dma_start3A_166 = tpu.memref_slice %arg7[%add3A_142, %dma_start3A_165] : memref<125x80xi32, #tpu.memory_space<vmem>> -> memref<1x80xi32, #tpu.memory_space<vmem>>
        %dma_start3A_167 = tpu.memref_squeeze %dma_start3A_166 : memref<1x80xi32, #tpu.memory_space<vmem>> -> memref<80xi32, #tpu.memory_space<vmem>>
        %dma_start3A_168 = arith.constant 0 : i32
        %dma_start3A_169 = arith.constant 0 : i32
        %dma_start3A_170 = tpu.memref_slice %arg14[%dma_start3A_168, %dma_start3A_169] : memref<10240x128xf32, #tpu.memory_space<vmem_shared>> -> memref<10240x128xf32, #tpu.memory_space<vmem_shared>>
        tpu.enqueue_indirect_dma source(%arg13 : memref<80x128xf32, #tpu.memory_space<vmem>>) target(%dma_start3A_170 : memref<10240x128xf32, #tpu.memory_space<vmem_shared>>) offsets(%dma_start3A_167 : memref<80xi32, #tpu.memory_space<vmem>>) semaphore(%arg22 : memref<!tpu.dma_semaphore, #tpu.memory_space<semaphore_mem>>) {add = true}
        %get3A = arith.index_cast %add3A_142 : i32 to index
        %get3A_171 = arith.constant 0 : index
        %get3A_172 = tpu.vector_load %arg7[%get3A, %get3A_171] {strides = array<i32>} : memref<125x80xi32, #tpu.memory_space<vmem>>, vector<16xi32>,
        tpu.vector_store_idx %arg23[%get3A_172], %broadcast_in_dim3A_53 {add = true} : memref<10000xf32, #tpu.memory_space<vmem>>[vector<16xi32>], vector<16xf32>,
        %get3A_173 = arith.index_cast %add3A_142 : i32 to index
        %get3A_174 = arith.constant 16 : index
        %get3A_175 = tpu.vector_load %arg7[%get3A_173, %get3A_174] {strides = array<i32>} : memref<125x80xi32, #tpu.memory_space<vmem>>, vector<16xi32>,
        tpu.vector_store_idx %arg23[%get3A_175], %broadcast_in_dim3A_53 {add = true} : memref<10000xf32, #tpu.memory_space<vmem>>[vector<16xi32>], vector<16xf32>,
        %get3A_176 = arith.index_cast %add3A_142 : i32 to index
        %get3A_177 = arith.constant 32 : index
        %get3A_178 = tpu.vector_load %arg7[%get3A_176, %get3A_177] {strides = array<i32>} : memref<125x80xi32, #tpu.memory_space<vmem>>, vector<16xi32>,
        tpu.vector_store_idx %arg23[%get3A_178], %broadcast_in_dim3A_53 {add = true} : memref<10000xf32, #tpu.memory_space<vmem>>[vector<16xi32>], vector<16xf32>,
        %get3A_179 = arith.index_cast %add3A_142 : i32 to index
        %get3A_180 = arith.constant 48 : index
        %get3A_181 = tpu.vector_load %arg7[%get3A_179, %get3A_180] {strides = array<i32>} : memref<125x80xi32, #tpu.memory_space<vmem>>, vector<16xi32>,
        tpu.vector_store_idx %arg23[%get3A_181], %broadcast_in_dim3A_53 {add = true} : memref<10000xf32, #tpu.memory_space<vmem>>[vector<16xi32>], vector<16xf32>,
        %get3A_182 = arith.index_cast %add3A_142 : i32 to index
        %get3A_183 = arith.constant 64 : index
        %get3A_184 = tpu.vector_load %arg7[%get3A_182, %get3A_183] {strides = array<i32>} : memref<125x80xi32, #tpu.memory_space<vmem>>, vector<16xi32>,
        tpu.vector_store_idx %arg23[%get3A_184], %broadcast_in_dim3A_53 {add = true} : memref<10000xf32, #tpu.memory_space<vmem>>[vector<16xi32>], vector<16xf32>,
      } else {
      }
    }
    %scan3A_59 = arith.constant 32 : i32
    %dma_wait3A_60 = arith.constant 123 : i32
    %dma_wait3A_61 = arith.constant 0 : i32
    %dma_wait3A_62 = tpu.memref_slice %arg7[%dma_wait3A_60, %dma_wait3A_61] : memref<125x80xi32, #tpu.memory_space<vmem>> -> memref<1x80xi32, #tpu.memory_space<vmem>>
    %dma_wait3A_63 = tpu.memref_squeeze %dma_wait3A_62 : memref<1x80xi32, #tpu.memory_space<vmem>> -> memref<80xi32, #tpu.memory_space<vmem>>
    %dma_wait3A_64 = arith.constant 0 : i32
    %dma_wait3A_65 = arith.constant 0 : i32
    %dma_wait3A_66 = tpu.memref_slice %arg14[%dma_wait3A_64, %dma_wait3A_65] : memref<10240x128xf32, #tpu.memory_space<vmem_shared>> -> memref<10240x128xf32, #tpu.memory_space<vmem_shared>>
    tpu.wait_indirect_dma semaphore(%arg22 : memref<!tpu.dma_semaphore, #tpu.memory_space<semaphore_mem>>) src(%arg13 : memref<80x128xf32, #tpu.memory_space<vmem>>) dst(%dma_wait3A_66 : memref<10240x128xf32, #tpu.memory_space<vmem_shared>>)
    %dma_wait3A_67 = arith.constant 124 : i32
    %dma_wait3A_68 = arith.constant 0 : i32
    %dma_wait3A_69 = tpu.memref_slice %arg7[%dma_wait3A_67, %dma_wait3A_68] : memref<125x80xi32, #tpu.memory_space<vmem>> -> memref<1x80xi32, #tpu.memory_space<vmem>>
    %dma_wait3A_70 = tpu.memref_squeeze %dma_wait3A_69 : memref<1x80xi32, #tpu.memory_space<vmem>> -> memref<80xi32, #tpu.memory_space<vmem>>
    %dma_wait3A_71 = arith.constant 0 : i32
    %dma_wait3A_72 = arith.constant 0 : i32
    %dma_wait3A_73 = tpu.memref_slice %arg14[%dma_wait3A_71, %dma_wait3A_72] : memref<10240x128xf32, #tpu.memory_space<vmem_shared>> -> memref<10240x128xf32, #tpu.memory_space<vmem_shared>>
    tpu.wait_indirect_dma semaphore(%arg21 : memref<!tpu.dma_semaphore, #tpu.memory_space<semaphore_mem>>) src(%arg12 : memref<80x128xf32, #tpu.memory_space<vmem>>) dst(%dma_wait3A_73 : memref<10240x128xf32, #tpu.memory_space<vmem_shared>>)
    %barrier3A_74 = arith.constant 0 : index
    tpu.barrier barrier_id(%barrier3A_74)
    %add3A_75 = arith.constant 0 : i32
    %add3A_76 = arith.addi %mul3A_10, %add3A_75 : i32
    "tpu.region"() ({
      %run_scoped3A = tpu.sem_alloc : memref<!tpu.dma_semaphore, #tpu.memory_space<semaphore_mem>>
      %dma_start3A_93 = arith.constant 0 : i32
      %dma_start3A_94 = tpu.memref_slice %arg14[%add3A_76, %dma_start3A_93] : memref<10240x128xf32, #tpu.memory_space<vmem_shared>> -> memref<80x128xf32, #tpu.memory_space<vmem_shared>>
      %dma_start3A_95 = arith.constant 0 : i32
      %dma_start3A_96 = tpu.memref_slice %arg14[%add3A_76, %dma_start3A_95] : memref<10240x128xf32, #tpu.memory_space<vmem_shared>> -> memref<80x128xf32, #tpu.memory_space<vmem_shared>>
      tpu.enqueue_dma source(%dma_start3A_96 : memref<80x128xf32, #tpu.memory_space<vmem_shared>>) target(%arg12 : memref<80x128xf32, #tpu.memory_space<vmem>>) target_semaphore(%run_scoped3A : memref<!tpu.dma_semaphore, #tpu.memory_space<semaphore_mem>>)
      %dma_wait3A_97 = arith.constant 0 : i32
      %dma_wait3A_98 = tpu.memref_slice %arg14[%add3A_76, %dma_wait3A_97] : memref<10240x128xf32, #tpu.memory_space<vmem_shared>> -> memref<80x128xf32, #tpu.memory_space<vmem_shared>>
      %dma_wait3A_99 = arith.constant 0 : i32
      %dma_wait3A_100 = tpu.memref_slice %arg14[%add3A_76, %dma_wait3A_99] : memref<10240x128xf32, #tpu.memory_space<vmem_shared>> -> memref<80x128xf32, #tpu.memory_space<vmem_shared>>
      tpu.wait_dma2 semaphore(%run_scoped3A : memref<!tpu.dma_semaphore, #tpu.memory_space<semaphore_mem>>) src(%dma_wait3A_100 : memref<80x128xf32, #tpu.memory_space<vmem_shared>>) dst(%arg12 : memref<80x128xf32, #tpu.memory_space<vmem>>)
      tpu.yield
    }) : () -> ()
    "tpu.region"() ({
      %run_scoped3A = tpu.sem_alloc : memref<!tpu.dma_semaphore, #tpu.memory_space<semaphore_mem>>
      %dma_start3A_93 = arith.constant 0 : i32
      %dma_start3A_94 = tpu.memref_slice %arg5[%arg0, %add3A_76, %dma_start3A_93] : memref<2x10240x128xf32, #tpu.memory_space<hbm>> -> memref<1x80x128xf32, #tpu.memory_space<hbm>>
      %dma_start3A_95 = tpu.memref_squeeze %dma_start3A_94 : memref<1x80x128xf32, #tpu.memory_space<hbm>> -> memref<80x128xf32, #tpu.memory_space<hbm>>
      %dma_start3A_96 = arith.constant 0 : i32
      %dma_start3A_97 = tpu.memref_slice %arg5[%arg0, %add3A_76, %dma_start3A_96] : memref<2x10240x128xf32, #tpu.memory_space<hbm>> -> memref<1x80x128xf32, #tpu.memory_space<hbm>>
      %dma_start3A_98 = tpu.memref_squeeze %dma_start3A_97 : memref<1x80x128xf32, #tpu.memory_space<hbm>> -> memref<80x128xf32, #tpu.memory_space<hbm>>
      tpu.enqueue_dma source(%arg12 : memref<80x128xf32, #tpu.memory_space<vmem>>) target(%dma_start3A_98 : memref<80x128xf32, #tpu.memory_space<hbm>>) target_semaphore(%run_scoped3A : memref<!tpu.dma_semaphore, #tpu.memory_space<semaphore_mem>>)
      %dma_wait3A_99 = arith.constant 0 : i32
      %dma_wait3A_100 = tpu.memref_slice %arg5[%arg0, %add3A_76, %dma_wait3A_99] : memref<2x10240x128xf32, #tpu.memory_space<hbm>> -> memref<1x80x128xf32, #tpu.memory_space<hbm>>
      %dma_wait3A_101 = tpu.memref_squeeze %dma_wait3A_100 : memref<1x80x128xf32, #tpu.memory_space<hbm>> -> memref<80x128xf32, #tpu.memory_space<hbm>>
      %dma_wait3A_102 = arith.constant 0 : i32
      %dma_wait3A_103 = tpu.memref_slice %arg5[%arg0, %add3A_76, %dma_wait3A_102] : memref<2x10240x128xf32, #tpu.memory_space<hbm>> -> memref<1x80x128xf32, #tpu.memory_space<hbm>>
      %dma_wait3A_104 = tpu.memref_squeeze %dma_wait3A_103 : memref<1x80x128xf32, #tpu.memory_space<hbm>> -> memref<80x128xf32, #tpu.memory_space<hbm>>
      tpu.wait_dma2 semaphore(%run_scoped3A : memref<!tpu.dma_semaphore, #tpu.memory_space<semaphore_mem>>) src(%arg12 : memref<80x128xf32, #tpu.memory_space<vmem>>) dst(%dma_wait3A_104 : memref<80x128xf32, #tpu.memory_space<hbm>>)
      tpu.yield
    }) : () -> ()
    %add3A_77 = arith.constant 80 : i32
    %add3A_78 = arith.addi %mul3A_10, %add3A_77 : i32
    "tpu.region"() ({
      %run_scoped3A = tpu.sem_alloc : memref<!tpu.dma_semaphore, #tpu.memory_space<semaphore_mem>>
      %dma_start3A_93 = arith.constant 0 : i32
      %dma_start3A_94 = tpu.memref_slice %arg14[%add3A_78, %dma_start3A_93] : memref<10240x128xf32, #tpu.memory_space<vmem_shared>> -> memref<80x128xf32, #tpu.memory_space<vmem_shared>>
      %dma_start3A_95 = arith.constant 0 : i32
      %dma_start3A_96 = tpu.memref_slice %arg14[%add3A_78, %dma_start3A_95] : memref<10240x128xf32, #tpu.memory_space<vmem_shared>> -> memref<80x128xf32, #tpu.memory_space<vmem_shared>>
      tpu.enqueue_dma source(%dma_start3A_96 : memref<80x128xf32, #tpu.memory_space<vmem_shared>>) target(%arg12 : memref<80x128xf32, #tpu.memory_space<vmem>>) target_semaphore(%run_scoped3A : memref<!tpu.dma_semaphore, #tpu.memory_space<semaphore_mem>>)
      %dma_wait3A_97 = arith.constant 0 : i32
      %dma_wait3A_98 = tpu.memref_slice %arg14[%add3A_78, %dma_wait3A_97] : memref<10240x128xf32, #tpu.memory_space<vmem_shared>> -> memref<80x128xf32, #tpu.memory_space<vmem_shared>>
      %dma_wait3A_99 = arith.constant 0 : i32
      %dma_wait3A_100 = tpu.memref_slice %arg14[%add3A_78, %dma_wait3A_99] : memref<10240x128xf32, #tpu.memory_space<vmem_shared>> -> memref<80x128xf32, #tpu.memory_space<vmem_shared>>
      tpu.wait_dma2 semaphore(%run_scoped3A : memref<!tpu.dma_semaphore, #tpu.memory_space<semaphore_mem>>) src(%dma_wait3A_100 : memref<80x128xf32, #tpu.memory_space<vmem_shared>>) dst(%arg12 : memref<80x128xf32, #tpu.memory_space<vmem>>)
      tpu.yield
    }) : () -> ()
    "tpu.region"() ({
      %run_scoped3A = tpu.sem_alloc : memref<!tpu.dma_semaphore, #tpu.memory_space<semaphore_mem>>
      %dma_start3A_93 = arith.constant 0 : i32
      %dma_start3A_94 = tpu.memref_slice %arg5[%arg0, %add3A_78, %dma_start3A_93] : memref<2x10240x128xf32, #tpu.memory_space<hbm>> -> memref<1x80x128xf32, #tpu.memory_space<hbm>>
      %dma_start3A_95 = tpu.memref_squeeze %dma_start3A_94 : memref<1x80x128xf32, #tpu.memory_space<hbm>> -> memref<80x128xf32, #tpu.memory_space<hbm>>
      %dma_start3A_96 = arith.constant 0 : i32
      %dma_start3A_97 = tpu.memref_slice %arg5[%arg0, %add3A_78, %dma_start3A_96] : memref<2x10240x128xf32, #tpu.memory_space<hbm>> -> memref<1x80x128xf32, #tpu.memory_space<hbm>>
      %dma_start3A_98 = tpu.memref_squeeze %dma_start3A_97 : memref<1x80x128xf32, #tpu.memory_space<hbm>> -> memref<80x128xf32, #tpu.memory_space<hbm>>
      tpu.enqueue_dma source(%arg12 : memref<80x128xf32, #tpu.memory_space<vmem>>) target(%dma_start3A_98 : memref<80x128xf32, #tpu.memory_space<hbm>>) target_semaphore(%run_scoped3A : memref<!tpu.dma_semaphore, #tpu.memory_space<semaphore_mem>>)
      %dma_wait3A_99 = arith.constant 0 : i32
      %dma_wait3A_100 = tpu.memref_slice %arg5[%arg0, %add3A_78, %dma_wait3A_99] : memref<2x10240x128xf32, #tpu.memory_space<hbm>> -> memref<1x80x128xf32, #tpu.memory_space<hbm>>
      %dma_wait3A_101 = tpu.memref_squeeze %dma_wait3A_100 : memref<1x80x128xf32, #tpu.memory_space<hbm>> -> memref<80x128xf32, #tpu.memory_space<hbm>>
      %dma_wait3A_102 = arith.constant 0 : i32
      %dma_wait3A_103 = tpu.memref_slice %arg5[%arg0, %add3A_78, %dma_wait3A_102] : memref<2x10240x128xf32, #tpu.memory_space<hbm>> -> memref<1x80x128xf32, #tpu.memory_space<hbm>>
      %dma_wait3A_104 = tpu.memref_squeeze %dma_wait3A_103 : memref<1x80x128xf32, #tpu.memory_space<hbm>> -> memref<80x128xf32, #tpu.memory_space<hbm>>
      tpu.wait_dma2 semaphore(%run_scoped3A : memref<!tpu.dma_semaphore, #tpu.memory_space<semaphore_mem>>) src(%arg12 : memref<80x128xf32, #tpu.memory_space<vmem>>) dst(%dma_wait3A_104 : memref<80x128xf32, #tpu.memory_space<hbm>>)
      tpu.yield
    }) : () -> ()
    %add3A_79 = arith.constant 160 : i32
    %add3A_80 = arith.addi %mul3A_10, %add3A_79 : i32
    "tpu.region"() ({
      %run_scoped3A = tpu.sem_alloc : memref<!tpu.dma_semaphore, #tpu.memory_space<semaphore_mem>>
      %dma_start3A_93 = arith.constant 0 : i32
      %dma_start3A_94 = tpu.memref_slice %arg14[%add3A_80, %dma_start3A_93] : memref<10240x128xf32, #tpu.memory_space<vmem_shared>> -> memref<80x128xf32, #tpu.memory_space<vmem_shared>>
      %dma_start3A_95 = arith.constant 0 : i32
      %dma_start3A_96 = tpu.memref_slice %arg14[%add3A_80, %dma_start3A_95] : memref<10240x128xf32, #tpu.memory_space<vmem_shared>> -> memref<80x128xf32, #tpu.memory_space<vmem_shared>>
      tpu.enqueue_dma source(%dma_start3A_96 : memref<80x128xf32, #tpu.memory_space<vmem_shared>>) target(%arg12 : memref<80x128xf32, #tpu.memory_space<vmem>>) target_semaphore(%run_scoped3A : memref<!tpu.dma_semaphore, #tpu.memory_space<semaphore_mem>>)
      %dma_wait3A_97 = arith.constant 0 : i32
      %dma_wait3A_98 = tpu.memref_slice %arg14[%add3A_80, %dma_wait3A_97] : memref<10240x128xf32, #tpu.memory_space<vmem_shared>> -> memref<80x128xf32, #tpu.memory_space<vmem_shared>>
      %dma_wait3A_99 = arith.constant 0 : i32
      %dma_wait3A_100 = tpu.memref_slice %arg14[%add3A_80, %dma_wait3A_99] : memref<10240x128xf32, #tpu.memory_space<vmem_shared>> -> memref<80x128xf32, #tpu.memory_space<vmem_shared>>
      tpu.wait_dma2 semaphore(%run_scoped3A : memref<!tpu.dma_semaphore, #tpu.memory_space<semaphore_mem>>) src(%dma_wait3A_100 : memref<80x128xf32, #tpu.memory_space<vmem_shared>>) dst(%arg12 : memref<80x128xf32, #tpu.memory_space<vmem>>)
      tpu.yield
    }) : () -> ()
    "tpu.region"() ({
      %run_scoped3A = tpu.sem_alloc : memref<!tpu.dma_semaphore, #tpu.memory_space<semaphore_mem>>
      %dma_start3A_93 = arith.constant 0 : i32
      %dma_start3A_94 = tpu.memref_slice %arg5[%arg0, %add3A_80, %dma_start3A_93] : memref<2x10240x128xf32, #tpu.memory_space<hbm>> -> memref<1x80x128xf32, #tpu.memory_space<hbm>>
      %dma_start3A_95 = tpu.memref_squeeze %dma_start3A_94 : memref<1x80x128xf32, #tpu.memory_space<hbm>> -> memref<80x128xf32, #tpu.memory_space<hbm>>
      %dma_start3A_96 = arith.constant 0 : i32
      %dma_start3A_97 = tpu.memref_slice %arg5[%arg0, %add3A_80, %dma_start3A_96] : memref<2x10240x128xf32, #tpu.memory_space<hbm>> -> memref<1x80x128xf32, #tpu.memory_space<hbm>>
      %dma_start3A_98 = tpu.memref_squeeze %dma_start3A_97 : memref<1x80x128xf32, #tpu.memory_space<hbm>> -> memref<80x128xf32, #tpu.memory_space<hbm>>
      tpu.enqueue_dma source(%arg12 : memref<80x128xf32, #tpu.memory_space<vmem>>) target(%dma_start3A_98 : memref<80x128xf32, #tpu.memory_space<hbm>>) target_semaphore(%run_scoped3A : memref<!tpu.dma_semaphore, #tpu.memory_space<semaphore_mem>>)
      %dma_wait3A_99 = arith.constant 0 : i32
      %dma_wait3A_100 = tpu.memref_slice %arg5[%arg0, %add3A_80, %dma_wait3A_99] : memref<2x10240x128xf32, #tpu.memory_space<hbm>> -> memref<1x80x128xf32, #tpu.memory_space<hbm>>
      %dma_wait3A_101 = tpu.memref_squeeze %dma_wait3A_100 : memref<1x80x128xf32, #tpu.memory_space<hbm>> -> memref<80x128xf32, #tpu.memory_space<hbm>>
      %dma_wait3A_102 = arith.constant 0 : i32
      %dma_wait3A_103 = tpu.memref_slice %arg5[%arg0, %add3A_80, %dma_wait3A_102] : memref<2x10240x128xf32, #tpu.memory_space<hbm>> -> memref<1x80x128xf32, #tpu.memory_space<hbm>>
      %dma_wait3A_104 = tpu.memref_squeeze %dma_wait3A_103 : memref<1x80x128xf32, #tpu.memory_space<hbm>> -> memref<80x128xf32, #tpu.memory_space<hbm>>
      tpu.wait_dma2 semaphore(%run_scoped3A : memref<!tpu.dma_semaphore, #tpu.memory_space<semaphore_mem>>) src(%arg12 : memref<80x128xf32, #tpu.memory_space<vmem>>) dst(%dma_wait3A_104 : memref<80x128xf32, #tpu.memory_space<hbm>>)
      tpu.yield
    }) : () -> ()
    %add3A_81 = arith.constant 240 : i32
    %add3A_82 = arith.addi %mul3A_10, %add3A_81 : i32
    "tpu.region"() ({
      %run_scoped3A = tpu.sem_alloc : memref<!tpu.dma_semaphore, #tpu.memory_space<semaphore_mem>>
      %dma_start3A_93 = arith.constant 0 : i32
      %dma_start3A_94 = tpu.memref_slice %arg14[%add3A_82, %dma_start3A_93] : memref<10240x128xf32, #tpu.memory_space<vmem_shared>> -> memref<80x128xf32, #tpu.memory_space<vmem_shared>>
      %dma_start3A_95 = arith.constant 0 : i32
      %dma_start3A_96 = tpu.memref_slice %arg14[%add3A_82, %dma_start3A_95] : memref<10240x128xf32, #tpu.memory_space<vmem_shared>> -> memref<80x128xf32, #tpu.memory_space<vmem_shared>>
      tpu.enqueue_dma source(%dma_start3A_96 : memref<80x128xf32, #tpu.memory_space<vmem_shared>>) target(%arg12 : memref<80x128xf32, #tpu.memory_space<vmem>>) target_semaphore(%run_scoped3A : memref<!tpu.dma_semaphore, #tpu.memory_space<semaphore_mem>>)
      %dma_wait3A_97 = arith.constant 0 : i32
      %dma_wait3A_98 = tpu.memref_slice %arg14[%add3A_82, %dma_wait3A_97] : memref<10240x128xf32, #tpu.memory_space<vmem_shared>> -> memref<80x128xf32, #tpu.memory_space<vmem_shared>>
      %dma_wait3A_99 = arith.constant 0 : i32
      %dma_wait3A_100 = tpu.memref_slice %arg14[%add3A_82, %dma_wait3A_99] : memref<10240x128xf32, #tpu.memory_space<vmem_shared>> -> memref<80x128xf32, #tpu.memory_space<vmem_shared>>
      tpu.wait_dma2 semaphore(%run_scoped3A : memref<!tpu.dma_semaphore, #tpu.memory_space<semaphore_mem>>) src(%dma_wait3A_100 : memref<80x128xf32, #tpu.memory_space<vmem_shared>>) dst(%arg12 : memref<80x128xf32, #tpu.memory_space<vmem>>)
      tpu.yield
    }) : () -> ()
    "tpu.region"() ({
      %run_scoped3A = tpu.sem_alloc : memref<!tpu.dma_semaphore, #tpu.memory_space<semaphore_mem>>
      %dma_start3A_93 = arith.constant 0 : i32
      %dma_start3A_94 = tpu.memref_slice %arg5[%arg0, %add3A_82, %dma_start3A_93] : memref<2x10240x128xf32, #tpu.memory_space<hbm>> -> memref<1x80x128xf32, #tpu.memory_space<hbm>>
      %dma_start3A_95 = tpu.memref_squeeze %dma_start3A_94 : memref<1x80x128xf32, #tpu.memory_space<hbm>> -> memref<80x128xf32, #tpu.memory_space<hbm>>
      %dma_start3A_96 = arith.constant 0 : i32
      %dma_start3A_97 = tpu.memref_slice %arg5[%arg0, %add3A_82, %dma_start3A_96] : memref<2x10240x128xf32, #tpu.memory_space<hbm>> -> memref<1x80x128xf32, #tpu.memory_space<hbm>>
      %dma_start3A_98 = tpu.memref_squeeze %dma_start3A_97 : memref<1x80x128xf32, #tpu.memory_space<hbm>> -> memref<80x128xf32, #tpu.memory_space<hbm>>
      tpu.enqueue_dma source(%arg12 : memref<80x128xf32, #tpu.memory_space<vmem>>) target(%dma_start3A_98 : memref<80x128xf32, #tpu.memory_space<hbm>>) target_semaphore(%run_scoped3A : memref<!tpu.dma_semaphore, #tpu.memory_space<semaphore_mem>>)
      %dma_wait3A_99 = arith.constant 0 : i32
      %dma_wait3A_100 = tpu.memref_slice %arg5[%arg0, %add3A_82, %dma_wait3A_99] : memref<2x10240x128xf32, #tpu.memory_space<hbm>> -> memref<1x80x128xf32, #tpu.memory_space<hbm>>
      %dma_wait3A_101 = tpu.memref_squeeze %dma_wait3A_100 : memref<1x80x128xf32, #tpu.memory_space<hbm>> -> memref<80x128xf32, #tpu.memory_space<hbm>>
      %dma_wait3A_102 = arith.constant 0 : i32
      %dma_wait3A_103 = tpu.memref_slice %arg5[%arg0, %add3A_82, %dma_wait3A_102] : memref<2x10240x128xf32, #tpu.memory_space<hbm>> -> memref<1x80x128xf32, #tpu.memory_space<hbm>>
      %dma_wait3A_104 = tpu.memref_squeeze %dma_wait3A_103 : memref<1x80x128xf32, #tpu.memory_space<hbm>> -> memref<80x128xf32, #tpu.memory_space<hbm>>
      tpu.wait_dma2 semaphore(%run_scoped3A : memref<!tpu.dma_semaphore, #tpu.memory_space<semaphore_mem>>) src(%arg12 : memref<80x128xf32, #tpu.memory_space<vmem>>) dst(%dma_wait3A_104 : memref<80x128xf32, #tpu.memory_space<hbm>>)
      tpu.yield
    }) : () -> ()
    %add3A_83 = arith.constant 320 : i32
    %add3A_84 = arith.addi %mul3A_10, %add3A_83 : i32
    "tpu.region"() ({
      %run_scoped3A = tpu.sem_alloc : memref<!tpu.dma_semaphore, #tpu.memory_space<semaphore_mem>>
      %dma_start3A_93 = arith.constant 0 : i32
      %dma_start3A_94 = tpu.memref_slice %arg14[%add3A_84, %dma_start3A_93] : memref<10240x128xf32, #tpu.memory_space<vmem_shared>> -> memref<80x128xf32, #tpu.memory_space<vmem_shared>>
      %dma_start3A_95 = arith.constant 0 : i32
      %dma_start3A_96 = tpu.memref_slice %arg14[%add3A_84, %dma_start3A_95] : memref<10240x128xf32, #tpu.memory_space<vmem_shared>> -> memref<80x128xf32, #tpu.memory_space<vmem_shared>>
      tpu.enqueue_dma source(%dma_start3A_96 : memref<80x128xf32, #tpu.memory_space<vmem_shared>>) target(%arg12 : memref<80x128xf32, #tpu.memory_space<vmem>>) target_semaphore(%run_scoped3A : memref<!tpu.dma_semaphore, #tpu.memory_space<semaphore_mem>>)
      %dma_wait3A_97 = arith.constant 0 : i32
      %dma_wait3A_98 = tpu.memref_slice %arg14[%add3A_84, %dma_wait3A_97] : memref<10240x128xf32, #tpu.memory_space<vmem_shared>> -> memref<80x128xf32, #tpu.memory_space<vmem_shared>>
      %dma_wait3A_99 = arith.constant 0 : i32
      %dma_wait3A_100 = tpu.memref_slice %arg14[%add3A_84, %dma_wait3A_99] : memref<10240x128xf32, #tpu.memory_space<vmem_shared>> -> memref<80x128xf32, #tpu.memory_space<vmem_shared>>
      tpu.wait_dma2 semaphore(%run_scoped3A : memref<!tpu.dma_semaphore, #tpu.memory_space<semaphore_mem>>) src(%dma_wait3A_100 : memref<80x128xf32, #tpu.memory_space<vmem_shared>>) dst(%arg12 : memref<80x128xf32, #tpu.memory_space<vmem>>)
      tpu.yield
    }) : () -> ()
    "tpu.region"() ({
      %run_scoped3A = tpu.sem_alloc : memref<!tpu.dma_semaphore, #tpu.memory_space<semaphore_mem>>
      %dma_start3A_93 = arith.constant 0 : i32
      %dma_start3A_94 = tpu.memref_slice %arg5[%arg0, %add3A_84, %dma_start3A_93] : memref<2x10240x128xf32, #tpu.memory_space<hbm>> -> memref<1x80x128xf32, #tpu.memory_space<hbm>>
      %dma_start3A_95 = tpu.memref_squeeze %dma_start3A_94 : memref<1x80x128xf32, #tpu.memory_space<hbm>> -> memref<80x128xf32, #tpu.memory_space<hbm>>
      %dma_start3A_96 = arith.constant 0 : i32
      %dma_start3A_97 = tpu.memref_slice %arg5[%arg0, %add3A_84, %dma_start3A_96] : memref<2x10240x128xf32, #tpu.memory_space<hbm>> -> memref<1x80x128xf32, #tpu.memory_space<hbm>>
      %dma_start3A_98 = tpu.memref_squeeze %dma_start3A_97 : memref<1x80x128xf32, #tpu.memory_space<hbm>> -> memref<80x128xf32, #tpu.memory_space<hbm>>
      tpu.enqueue_dma source(%arg12 : memref<80x128xf32, #tpu.memory_space<vmem>>) target(%dma_start3A_98 : memref<80x128xf32, #tpu.memory_space<hbm>>) target_semaphore(%run_scoped3A : memref<!tpu.dma_semaphore, #tpu.memory_space<semaphore_mem>>)
      %dma_wait3A_99 = arith.constant 0 : i32
      %dma_wait3A_100 = tpu.memref_slice %arg5[%arg0, %add3A_84, %dma_wait3A_99] : memref<2x10240x128xf32, #tpu.memory_space<hbm>> -> memref<1x80x128xf32, #tpu.memory_space<hbm>>
      %dma_wait3A_101 = tpu.memref_squeeze %dma_wait3A_100 : memref<1x80x128xf32, #tpu.memory_space<hbm>> -> memref<80x128xf32, #tpu.memory_space<hbm>>
      %dma_wait3A_102 = arith.constant 0 : i32
      %dma_wait3A_103 = tpu.memref_slice %arg5[%arg0, %add3A_84, %dma_wait3A_102] : memref<2x10240x128xf32, #tpu.memory_space<hbm>> -> memref<1x80x128xf32, #tpu.memory_space<hbm>>
      %dma_wait3A_104 = tpu.memref_squeeze %dma_wait3A_103 : memref<1x80x128xf32, #tpu.memory_space<hbm>> -> memref<80x128xf32, #tpu.memory_space<hbm>>
      tpu.wait_dma2 semaphore(%run_scoped3A : memref<!tpu.dma_semaphore, #tpu.memory_space<semaphore_mem>>) src(%arg12 : memref<80x128xf32, #tpu.memory_space<vmem>>) dst(%dma_wait3A_104 : memref<80x128xf32, #tpu.memory_space<hbm>>)
      tpu.yield
    }) : () -> ()
    %add3A_85 = arith.constant 400 : i32
    %add3A_86 = arith.addi %mul3A_10, %add3A_85 : i32
    "tpu.region"() ({
      %run_scoped3A = tpu.sem_alloc : memref<!tpu.dma_semaphore, #tpu.memory_space<semaphore_mem>>
      %dma_start3A_93 = arith.constant 0 : i32
      %dma_start3A_94 = tpu.memref_slice %arg14[%add3A_86, %dma_start3A_93] : memref<10240x128xf32, #tpu.memory_space<vmem_shared>> -> memref<80x128xf32, #tpu.memory_space<vmem_shared>>
      %dma_start3A_95 = arith.constant 0 : i32
      %dma_start3A_96 = tpu.memref_slice %arg14[%add3A_86, %dma_start3A_95] : memref<10240x128xf32, #tpu.memory_space<vmem_shared>> -> memref<80x128xf32, #tpu.memory_space<vmem_shared>>
      tpu.enqueue_dma source(%dma_start3A_96 : memref<80x128xf32, #tpu.memory_space<vmem_shared>>) target(%arg12 : memref<80x128xf32, #tpu.memory_space<vmem>>) target_semaphore(%run_scoped3A : memref<!tpu.dma_semaphore, #tpu.memory_space<semaphore_mem>>)
      %dma_wait3A_97 = arith.constant 0 : i32
      %dma_wait3A_98 = tpu.memref_slice %arg14[%add3A_86, %dma_wait3A_97] : memref<10240x128xf32, #tpu.memory_space<vmem_shared>> -> memref<80x128xf32, #tpu.memory_space<vmem_shared>>
      %dma_wait3A_99 = arith.constant 0 : i32
      %dma_wait3A_100 = tpu.memref_slice %arg14[%add3A_86, %dma_wait3A_99] : memref<10240x128xf32, #tpu.memory_space<vmem_shared>> -> memref<80x128xf32, #tpu.memory_space<vmem_shared>>
      tpu.wait_dma2 semaphore(%run_scoped3A : memref<!tpu.dma_semaphore, #tpu.memory_space<semaphore_mem>>) src(%dma_wait3A_100 : memref<80x128xf32, #tpu.memory_space<vmem_shared>>) dst(%arg12 : memref<80x128xf32, #tpu.memory_space<vmem>>)
      tpu.yield
    }) : () -> ()
    "tpu.region"() ({
      %run_scoped3A = tpu.sem_alloc : memref<!tpu.dma_semaphore, #tpu.memory_space<semaphore_mem>>
      %dma_start3A_93 = arith.constant 0 : i32
      %dma_start3A_94 = tpu.memref_slice %arg5[%arg0, %add3A_86, %dma_start3A_93] : memref<2x10240x128xf32, #tpu.memory_space<hbm>> -> memref<1x80x128xf32, #tpu.memory_space<hbm>>
      %dma_start3A_95 = tpu.memref_squeeze %dma_start3A_94 : memref<1x80x128xf32, #tpu.memory_space<hbm>> -> memref<80x128xf32, #tpu.memory_space<hbm>>
      %dma_start3A_96 = arith.constant 0 : i32
      %dma_start3A_97 = tpu.memref_slice %arg5[%arg0, %add3A_86, %dma_start3A_96] : memref<2x10240x128xf32, #tpu.memory_space<hbm>> -> memref<1x80x128xf32, #tpu.memory_space<hbm>>
      %dma_start3A_98 = tpu.memref_squeeze %dma_start3A_97 : memref<1x80x128xf32, #tpu.memory_space<hbm>> -> memref<80x128xf32, #tpu.memory_space<hbm>>
      tpu.enqueue_dma source(%arg12 : memref<80x128xf32, #tpu.memory_space<vmem>>) target(%dma_start3A_98 : memref<80x128xf32, #tpu.memory_space<hbm>>) target_semaphore(%run_scoped3A : memref<!tpu.dma_semaphore, #tpu.memory_space<semaphore_mem>>)
      %dma_wait3A_99 = arith.constant 0 : i32
      %dma_wait3A_100 = tpu.memref_slice %arg5[%arg0, %add3A_86, %dma_wait3A_99] : memref<2x10240x128xf32, #tpu.memory_space<hbm>> -> memref<1x80x128xf32, #tpu.memory_space<hbm>>
      %dma_wait3A_101 = tpu.memref_squeeze %dma_wait3A_100 : memref<1x80x128xf32, #tpu.memory_space<hbm>> -> memref<80x128xf32, #tpu.memory_space<hbm>>
      %dma_wait3A_102 = arith.constant 0 : i32
      %dma_wait3A_103 = tpu.memref_slice %arg5[%arg0, %add3A_86, %dma_wait3A_102] : memref<2x10240x128xf32, #tpu.memory_space<hbm>> -> memref<1x80x128xf32, #tpu.memory_space<hbm>>
      %dma_wait3A_104 = tpu.memref_squeeze %dma_wait3A_103 : memref<1x80x128xf32, #tpu.memory_space<hbm>> -> memref<80x128xf32, #tpu.memory_space<hbm>>
      tpu.wait_dma2 semaphore(%run_scoped3A : memref<!tpu.dma_semaphore, #tpu.memory_space<semaphore_mem>>) src(%arg12 : memref<80x128xf32, #tpu.memory_space<vmem>>) dst(%dma_wait3A_104 : memref<80x128xf32, #tpu.memory_space<hbm>>)
      tpu.yield
    }) : () -> ()
    %add3A_87 = arith.constant 480 : i32
    %add3A_88 = arith.addi %mul3A_10, %add3A_87 : i32
    "tpu.region"() ({
      %run_scoped3A = tpu.sem_alloc : memref<!tpu.dma_semaphore, #tpu.memory_space<semaphore_mem>>
      %dma_start3A_93 = arith.constant 0 : i32
      %dma_start3A_94 = tpu.memref_slice %arg14[%add3A_88, %dma_start3A_93] : memref<10240x128xf32, #tpu.memory_space<vmem_shared>> -> memref<80x128xf32, #tpu.memory_space<vmem_shared>>
      %dma_start3A_95 = arith.constant 0 : i32
      %dma_start3A_96 = tpu.memref_slice %arg14[%add3A_88, %dma_start3A_95] : memref<10240x128xf32, #tpu.memory_space<vmem_shared>> -> memref<80x128xf32, #tpu.memory_space<vmem_shared>>
      tpu.enqueue_dma source(%dma_start3A_96 : memref<80x128xf32, #tpu.memory_space<vmem_shared>>) target(%arg12 : memref<80x128xf32, #tpu.memory_space<vmem>>) target_semaphore(%run_scoped3A : memref<!tpu.dma_semaphore, #tpu.memory_space<semaphore_mem>>)
      %dma_wait3A_97 = arith.constant 0 : i32
      %dma_wait3A_98 = tpu.memref_slice %arg14[%add3A_88, %dma_wait3A_97] : memref<10240x128xf32, #tpu.memory_space<vmem_shared>> -> memref<80x128xf32, #tpu.memory_space<vmem_shared>>
      %dma_wait3A_99 = arith.constant 0 : i32
      %dma_wait3A_100 = tpu.memref_slice %arg14[%add3A_88, %dma_wait3A_99] : memref<10240x128xf32, #tpu.memory_space<vmem_shared>> -> memref<80x128xf32, #tpu.memory_space<vmem_shared>>
      tpu.wait_dma2 semaphore(%run_scoped3A : memref<!tpu.dma_semaphore, #tpu.memory_space<semaphore_mem>>) src(%dma_wait3A_100 : memref<80x128xf32, #tpu.memory_space<vmem_shared>>) dst(%arg12 : memref<80x128xf32, #tpu.memory_space<vmem>>)
      tpu.yield
    }) : () -> ()
    "tpu.region"() ({
      %run_scoped3A = tpu.sem_alloc : memref<!tpu.dma_semaphore, #tpu.memory_space<semaphore_mem>>
      %dma_start3A_93 = arith.constant 0 : i32
      %dma_start3A_94 = tpu.memref_slice %arg5[%arg0, %add3A_88, %dma_start3A_93] : memref<2x10240x128xf32, #tpu.memory_space<hbm>> -> memref<1x80x128xf32, #tpu.memory_space<hbm>>
      %dma_start3A_95 = tpu.memref_squeeze %dma_start3A_94 : memref<1x80x128xf32, #tpu.memory_space<hbm>> -> memref<80x128xf32, #tpu.memory_space<hbm>>
      %dma_start3A_96 = arith.constant 0 : i32
      %dma_start3A_97 = tpu.memref_slice %arg5[%arg0, %add3A_88, %dma_start3A_96] : memref<2x10240x128xf32, #tpu.memory_space<hbm>> -> memref<1x80x128xf32, #tpu.memory_space<hbm>>
      %dma_start3A_98 = tpu.memref_squeeze %dma_start3A_97 : memref<1x80x128xf32, #tpu.memory_space<hbm>> -> memref<80x128xf32, #tpu.memory_space<hbm>>
      tpu.enqueue_dma source(%arg12 : memref<80x128xf32, #tpu.memory_space<vmem>>) target(%dma_start3A_98 : memref<80x128xf32, #tpu.memory_space<hbm>>) target_semaphore(%run_scoped3A : memref<!tpu.dma_semaphore, #tpu.memory_space<semaphore_mem>>)
      %dma_wait3A_99 = arith.constant 0 : i32
      %dma_wait3A_100 = tpu.memref_slice %arg5[%arg0, %add3A_88, %dma_wait3A_99] : memref<2x10240x128xf32, #tpu.memory_space<hbm>> -> memref<1x80x128xf32, #tpu.memory_space<hbm>>
      %dma_wait3A_101 = tpu.memref_squeeze %dma_wait3A_100 : memref<1x80x128xf32, #tpu.memory_space<hbm>> -> memref<80x128xf32, #tpu.memory_space<hbm>>
      %dma_wait3A_102 = arith.constant 0 : i32
      %dma_wait3A_103 = tpu.memref_slice %arg5[%arg0, %add3A_88, %dma_wait3A_102] : memref<2x10240x128xf32, #tpu.memory_space<hbm>> -> memref<1x80x128xf32, #tpu.memory_space<hbm>>
      %dma_wait3A_104 = tpu.memref_squeeze %dma_wait3A_103 : memref<1x80x128xf32, #tpu.memory_space<hbm>> -> memref<80x128xf32, #tpu.memory_space<hbm>>
      tpu.wait_dma2 semaphore(%run_scoped3A : memref<!tpu.dma_semaphore, #tpu.memory_space<semaphore_mem>>) src(%arg12 : memref<80x128xf32, #tpu.memory_space<vmem>>) dst(%dma_wait3A_104 : memref<80x128xf32, #tpu.memory_space<hbm>>)
      tpu.yield
    }) : () -> ()
    %add3A_89 = arith.constant 560 : i32
    %add3A_90 = arith.addi %mul3A_10, %add3A_89 : i32
    "tpu.region"() ({
      %run_scoped3A = tpu.sem_alloc : memref<!tpu.dma_semaphore, #tpu.memory_space<semaphore_mem>>
      %dma_start3A_93 = arith.constant 0 : i32
      %dma_start3A_94 = tpu.memref_slice %arg14[%add3A_90, %dma_start3A_93] : memref<10240x128xf32, #tpu.memory_space<vmem_shared>> -> memref<80x128xf32, #tpu.memory_space<vmem_shared>>
      %dma_start3A_95 = arith.constant 0 : i32
      %dma_start3A_96 = tpu.memref_slice %arg14[%add3A_90, %dma_start3A_95] : memref<10240x128xf32, #tpu.memory_space<vmem_shared>> -> memref<80x128xf32, #tpu.memory_space<vmem_shared>>
      tpu.enqueue_dma source(%dma_start3A_96 : memref<80x128xf32, #tpu.memory_space<vmem_shared>>) target(%arg12 : memref<80x128xf32, #tpu.memory_space<vmem>>) target_semaphore(%run_scoped3A : memref<!tpu.dma_semaphore, #tpu.memory_space<semaphore_mem>>)
      %dma_wait3A_97 = arith.constant 0 : i32
      %dma_wait3A_98 = tpu.memref_slice %arg14[%add3A_90, %dma_wait3A_97] : memref<10240x128xf32, #tpu.memory_space<vmem_shared>> -> memref<80x128xf32, #tpu.memory_space<vmem_shared>>
      %dma_wait3A_99 = arith.constant 0 : i32
      %dma_wait3A_100 = tpu.memref_slice %arg14[%add3A_90, %dma_wait3A_99] : memref<10240x128xf32, #tpu.memory_space<vmem_shared>> -> memref<80x128xf32, #tpu.memory_space<vmem_shared>>
      tpu.wait_dma2 semaphore(%run_scoped3A : memref<!tpu.dma_semaphore, #tpu.memory_space<semaphore_mem>>) src(%dma_wait3A_100 : memref<80x128xf32, #tpu.memory_space<vmem_shared>>) dst(%arg12 : memref<80x128xf32, #tpu.memory_space<vmem>>)
      tpu.yield
    }) : () -> ()
    "tpu.region"() ({
      %run_scoped3A = tpu.sem_alloc : memref<!tpu.dma_semaphore, #tpu.memory_space<semaphore_mem>>
      %dma_start3A_93 = arith.constant 0 : i32
      %dma_start3A_94 = tpu.memref_slice %arg5[%arg0, %add3A_90, %dma_start3A_93] : memref<2x10240x128xf32, #tpu.memory_space<hbm>> -> memref<1x80x128xf32, #tpu.memory_space<hbm>>
      %dma_start3A_95 = tpu.memref_squeeze %dma_start3A_94 : memref<1x80x128xf32, #tpu.memory_space<hbm>> -> memref<80x128xf32, #tpu.memory_space<hbm>>
      %dma_start3A_96 = arith.constant 0 : i32
      %dma_start3A_97 = tpu.memref_slice %arg5[%arg0, %add3A_90, %dma_start3A_96] : memref<2x10240x128xf32, #tpu.memory_space<hbm>> -> memref<1x80x128xf32, #tpu.memory_space<hbm>>
      %dma_start3A_98 = tpu.memref_squeeze %dma_start3A_97 : memref<1x80x128xf32, #tpu.memory_space<hbm>> -> memref<80x128xf32, #tpu.memory_space<hbm>>
      tpu.enqueue_dma source(%arg12 : memref<80x128xf32, #tpu.memory_space<vmem>>) target(%dma_start3A_98 : memref<80x128xf32, #tpu.memory_space<hbm>>) target_semaphore(%run_scoped3A : memref<!tpu.dma_semaphore, #tpu.memory_space<semaphore_mem>>)
      %dma_wait3A_99 = arith.constant 0 : i32
      %dma_wait3A_100 = tpu.memref_slice %arg5[%arg0, %add3A_90, %dma_wait3A_99] : memref<2x10240x128xf32, #tpu.memory_space<hbm>> -> memref<1x80x128xf32, #tpu.memory_space<hbm>>
      %dma_wait3A_101 = tpu.memref_squeeze %dma_wait3A_100 : memref<1x80x128xf32, #tpu.memory_space<hbm>> -> memref<80x128xf32, #tpu.memory_space<hbm>>
      %dma_wait3A_102 = arith.constant 0 : i32
      %dma_wait3A_103 = tpu.memref_slice %arg5[%arg0, %add3A_90, %dma_wait3A_102] : memref<2x10240x128xf32, #tpu.memory_space<hbm>> -> memref<1x80x128xf32, #tpu.memory_space<hbm>>
      %dma_wait3A_104 = tpu.memref_squeeze %dma_wait3A_103 : memref<1x80x128xf32, #tpu.memory_space<hbm>> -> memref<80x128xf32, #tpu.memory_space<hbm>>
      tpu.wait_dma2 semaphore(%run_scoped3A : memref<!tpu.dma_semaphore, #tpu.memory_space<semaphore_mem>>) src(%arg12 : memref<80x128xf32, #tpu.memory_space<vmem>>) dst(%dma_wait3A_104 : memref<80x128xf32, #tpu.memory_space<hbm>>)
      tpu.yield
    }) : () -> ()
    %mul3A_91 = arith.constant 10000 : i32
    %mul3A_92 = arith.muli %add3A, %mul3A_91 : i32
    "tpu.region"() ({
      %run_scoped3A = tpu.sem_alloc : memref<!tpu.dma_semaphore, #tpu.memory_space<semaphore_mem>>
      %dma_start3A_93 = tpu.memref_slice %arg6[%mul3A_92] : memref<320000xf32, #tpu.memory_space<hbm>> -> memref<10000xf32, #tpu.memory_space<hbm>>
      %dma_start3A_94 = tpu.memref_slice %arg6[%mul3A_92] : memref<320000xf32, #tpu.memory_space<hbm>> -> memref<10000xf32, #tpu.memory_space<hbm>>
      tpu.enqueue_dma source(%arg23 : memref<10000xf32, #tpu.memory_space<vmem>>) target(%dma_start3A_94 : memref<10000xf32, #tpu.memory_space<hbm>>) target_semaphore(%run_scoped3A : memref<!tpu.dma_semaphore, #tpu.memory_space<semaphore_mem>>)
      %dma_wait3A_95 = tpu.memref_slice %arg6[%mul3A_92] : memref<320000xf32, #tpu.memory_space<hbm>> -> memref<10000xf32, #tpu.memory_space<hbm>>
      %dma_wait3A_96 = tpu.memref_slice %arg6[%mul3A_92] : memref<320000xf32, #tpu.memory_space<hbm>> -> memref<10000xf32, #tpu.memory_space<hbm>>
      tpu.wait_dma2 semaphore(%run_scoped3A : memref<!tpu.dma_semaphore, #tpu.memory_space<semaphore_mem>>) src(%arg23 : memref<10000xf32, #tpu.memory_space<vmem>>) dst(%dma_wait3A_96 : memref<10000xf32, #tpu.memory_space<hbm>>)
      tpu.yield
    }) : () -> ()
    return
  }
}

#map = affine_map<(d0, d1) -> (0, 0)>
#map1 = affine_map<(d0, d1) -> (0)>
#map2 = affine_map<(d0, d1) -> (0, 0, 0)>
module attributes {stable_mosaic.version = 14 : i64} {
  func.func @body(%arg0: i32, %arg1: i32, %arg2: memref<10000x128xf32, #tpu.memory_space<hbm>>, %arg3: memref<320000xi32, #tpu.memory_space<hbm>>, %arg4: memref<32x125x80xi32, #tpu.memory_space<hbm>>, %arg5: memref<2x10240x128xf32, #tpu.memory_space<hbm>>, %arg6: memref<125x80xi32, #tpu.memory_space<vmem>>, %arg7: memref<80xi32, #tpu.memory_space<vmem>>, %arg8: memref<80xi32, #tpu.memory_space<vmem>>, %arg9: memref<80xi32, #tpu.memory_space<vmem>>, %arg10: memref<80xi32, #tpu.memory_space<vmem>>, %arg11: memref<80x128xf32, #tpu.memory_space<vmem>>, %arg12: memref<80x128xf32, #tpu.memory_space<vmem>>, %arg13: memref<10240x128xf32, #tpu.memory_space<vmem_shared>>, %arg14: memref<!tpu.dma_semaphore, #tpu.memory_space<semaphore_mem>>, %arg15: memref<!tpu.dma_semaphore, #tpu.memory_space<semaphore_mem>>, %arg16: memref<!tpu.dma_semaphore, #tpu.memory_space<semaphore_mem>>, %arg17: memref<!tpu.dma_semaphore, #tpu.memory_space<semaphore_mem>>, %arg18: memref<!tpu.dma_semaphore, #tpu.memory_space<semaphore_mem>>, %arg19: memref<!tpu.dma_semaphore, #tpu.memory_space<semaphore_mem>>, %arg20: memref<!tpu.dma_semaphore, #tpu.memory_space<semaphore_mem>>, %arg21: memref<!tpu.dma_semaphore, #tpu.memory_space<semaphore_mem>>) attributes {dimension_semantics = [#tpu.dimension_semantics<core_parallel>, #tpu.dimension_semantics<subcore_parallel>], iteration_bounds = array<i64: 2, 16>, scalar_prefetch = 0 : i64, scratch_operands = 16 : i64, tpu.core_type = #tpu.core_type<sc_vector_subcore>, window_params = [{transform_indices = #map}, {transform_indices = #map1}, {transform_indices = #map2}, {transform_indices = #map2}]} {
    %mul3A = arith.constant 2 : i32
    %mul3A_0 = arith.muli %arg1, %mul3A : i32
    %add3A = arith.addi %mul3A_0, %arg0 : i32
    %mul3A_1 = arith.constant 10000 : i32
    %mul3A_2 = arith.muli %add3A, %mul3A_1 : i32
    %broadcast_in_dim3A = arith.constant 0.000000e+00 : f32
    %broadcast_in_dim3A_3 = vector.broadcast %broadcast_in_dim3A : f32 to vector<16xf32>
    "tpu.region"() ({
      %run_scoped3A = tpu.sem_alloc : memref<!tpu.dma_semaphore, #tpu.memory_space<semaphore_mem>>
      %dma_start3A_85 = arith.constant 0 : i32
      %dma_start3A_86 = arith.constant 0 : i32
      %dma_start3A_87 = tpu.memref_slice %arg4[%add3A, %dma_start3A_85, %dma_start3A_86] : memref<32x125x80xi32, #tpu.memory_space<hbm>> -> memref<1x125x80xi32, #tpu.memory_space<hbm>>
      %dma_start3A_88 = tpu.memref_squeeze %dma_start3A_87 : memref<1x125x80xi32, #tpu.memory_space<hbm>> -> memref<125x80xi32, #tpu.memory_space<hbm>>
      %dma_start3A_89 = arith.constant 0 : i32
      %dma_start3A_90 = arith.constant 0 : i32
      %dma_start3A_91 = tpu.memref_slice %arg4[%add3A, %dma_start3A_89, %dma_start3A_90] : memref<32x125x80xi32, #tpu.memory_space<hbm>> -> memref<1x125x80xi32, #tpu.memory_space<hbm>>
      %dma_start3A_92 = tpu.memref_squeeze %dma_start3A_91 : memref<1x125x80xi32, #tpu.memory_space<hbm>> -> memref<125x80xi32, #tpu.memory_space<hbm>>
      tpu.enqueue_dma source(%dma_start3A_92 : memref<125x80xi32, #tpu.memory_space<hbm>>) target(%arg6 : memref<125x80xi32, #tpu.memory_space<vmem>>) target_semaphore(%run_scoped3A : memref<!tpu.dma_semaphore, #tpu.memory_space<semaphore_mem>>)
      %dma_wait3A_93 = arith.constant 0 : i32
      %dma_wait3A_94 = arith.constant 0 : i32
      %dma_wait3A_95 = tpu.memref_slice %arg4[%add3A, %dma_wait3A_93, %dma_wait3A_94] : memref<32x125x80xi32, #tpu.memory_space<hbm>> -> memref<1x125x80xi32, #tpu.memory_space<hbm>>
      %dma_wait3A_96 = tpu.memref_squeeze %dma_wait3A_95 : memref<1x125x80xi32, #tpu.memory_space<hbm>> -> memref<125x80xi32, #tpu.memory_space<hbm>>
      %dma_wait3A_97 = arith.constant 0 : i32
      %dma_wait3A_98 = arith.constant 0 : i32
      %dma_wait3A_99 = tpu.memref_slice %arg4[%add3A, %dma_wait3A_97, %dma_wait3A_98] : memref<32x125x80xi32, #tpu.memory_space<hbm>> -> memref<1x125x80xi32, #tpu.memory_space<hbm>>
      %dma_wait3A_100 = tpu.memref_squeeze %dma_wait3A_99 : memref<1x125x80xi32, #tpu.memory_space<hbm>> -> memref<125x80xi32, #tpu.memory_space<hbm>>
      tpu.wait_dma2 semaphore(%run_scoped3A : memref<!tpu.dma_semaphore, #tpu.memory_space<semaphore_mem>>) src(%dma_wait3A_100 : memref<125x80xi32, #tpu.memory_space<hbm>>) dst(%arg6 : memref<125x80xi32, #tpu.memory_space<vmem>>)
      tpu.yield
    }) : () -> ()
    %scan3A = arith.constant 0 : i32
    %scan3A_4 = arith.constant 0 : i32
    %scan3A_5 = arith.constant 80 : i32
    %scan3A_6 = arith.addi %scan3A_4, %scan3A_5 : i32
    %scan3A_7 = arith.constant 1 : i32
    scf.for %scan3A_85 = %scan3A_4 to %scan3A_6 step %scan3A_7  : i32 {
      %swap3A = arith.index_cast %scan3A_85 : i32 to index
      %swap3A_86 = arith.constant 0 : index
      %swap3A_87 = tpu.vector_load %arg11[%swap3A, %swap3A_86] {strides = array<i32>} : memref<80x128xf32, #tpu.memory_space<vmem>>, vector<16xf32>,
      tpu.vector_store %arg11[%swap3A, %swap3A_86], %broadcast_in_dim3A_3 {strides = array<i32>} : memref<80x128xf32, #tpu.memory_space<vmem>>, vector<16xf32>,
      %swap3A_88 = arith.index_cast %scan3A_85 : i32 to index
      %swap3A_89 = arith.constant 16 : index
      %swap3A_90 = tpu.vector_load %arg11[%swap3A_88, %swap3A_89] {strides = array<i32>} : memref<80x128xf32, #tpu.memory_space<vmem>>, vector<16xf32>,
      tpu.vector_store %arg11[%swap3A_88, %swap3A_89], %broadcast_in_dim3A_3 {strides = array<i32>} : memref<80x128xf32, #tpu.memory_space<vmem>>, vector<16xf32>,
      %swap3A_91 = arith.index_cast %scan3A_85 : i32 to index
      %swap3A_92 = arith.constant 32 : index
      %swap3A_93 = tpu.vector_load %arg11[%swap3A_91, %swap3A_92] {strides = array<i32>} : memref<80x128xf32, #tpu.memory_space<vmem>>, vector<16xf32>,
      tpu.vector_store %arg11[%swap3A_91, %swap3A_92], %broadcast_in_dim3A_3 {strides = array<i32>} : memref<80x128xf32, #tpu.memory_space<vmem>>, vector<16xf32>,
      %swap3A_94 = arith.index_cast %scan3A_85 : i32 to index
      %swap3A_95 = arith.constant 48 : index
      %swap3A_96 = tpu.vector_load %arg11[%swap3A_94, %swap3A_95] {strides = array<i32>} : memref<80x128xf32, #tpu.memory_space<vmem>>, vector<16xf32>,
      tpu.vector_store %arg11[%swap3A_94, %swap3A_95], %broadcast_in_dim3A_3 {strides = array<i32>} : memref<80x128xf32, #tpu.memory_space<vmem>>, vector<16xf32>,
      %swap3A_97 = arith.index_cast %scan3A_85 : i32 to index
      %swap3A_98 = arith.constant 64 : index
      %swap3A_99 = tpu.vector_load %arg11[%swap3A_97, %swap3A_98] {strides = array<i32>} : memref<80x128xf32, #tpu.memory_space<vmem>>, vector<16xf32>,
      tpu.vector_store %arg11[%swap3A_97, %swap3A_98], %broadcast_in_dim3A_3 {strides = array<i32>} : memref<80x128xf32, #tpu.memory_space<vmem>>, vector<16xf32>,
      %swap3A_100 = arith.index_cast %scan3A_85 : i32 to index
      %swap3A_101 = arith.constant 80 : index
      %swap3A_102 = tpu.vector_load %arg11[%swap3A_100, %swap3A_101] {strides = array<i32>} : memref<80x128xf32, #tpu.memory_space<vmem>>, vector<16xf32>,
      tpu.vector_store %arg11[%swap3A_100, %swap3A_101], %broadcast_in_dim3A_3 {strides = array<i32>} : memref<80x128xf32, #tpu.memory_space<vmem>>, vector<16xf32>,
      %swap3A_103 = arith.index_cast %scan3A_85 : i32 to index
      %swap3A_104 = arith.constant 96 : index
      %swap3A_105 = tpu.vector_load %arg11[%swap3A_103, %swap3A_104] {strides = array<i32>} : memref<80x128xf32, #tpu.memory_space<vmem>>, vector<16xf32>,
      tpu.vector_store %arg11[%swap3A_103, %swap3A_104], %broadcast_in_dim3A_3 {strides = array<i32>} : memref<80x128xf32, #tpu.memory_space<vmem>>, vector<16xf32>,
      %swap3A_106 = arith.index_cast %scan3A_85 : i32 to index
      %swap3A_107 = arith.constant 112 : index
      %swap3A_108 = tpu.vector_load %arg11[%swap3A_106, %swap3A_107] {strides = array<i32>} : memref<80x128xf32, #tpu.memory_space<vmem>>, vector<16xf32>,
      tpu.vector_store %arg11[%swap3A_106, %swap3A_107], %broadcast_in_dim3A_3 {strides = array<i32>} : memref<80x128xf32, #tpu.memory_space<vmem>>, vector<16xf32>,
    }
    %scan3A_8 = arith.constant 80 : i32
    %mul3A_9 = arith.constant 640 : i32
    %mul3A_10 = arith.muli %arg1, %mul3A_9 : i32
    %add3A_11 = arith.constant 0 : i32
    %add3A_12 = arith.addi %mul3A_10, %add3A_11 : i32
    "tpu.region"() ({
      %run_scoped3A = tpu.sem_alloc : memref<!tpu.dma_semaphore, #tpu.memory_space<semaphore_mem>>
      %dma_start3A_85 = arith.constant 0 : i32
      %dma_start3A_86 = tpu.memref_slice %arg13[%add3A_12, %dma_start3A_85] : memref<10240x128xf32, #tpu.memory_space<vmem_shared>> -> memref<80x128xf32, #tpu.memory_space<vmem_shared>>
      %dma_start3A_87 = arith.constant 0 : i32
      %dma_start3A_88 = tpu.memref_slice %arg13[%add3A_12, %dma_start3A_87] : memref<10240x128xf32, #tpu.memory_space<vmem_shared>> -> memref<80x128xf32, #tpu.memory_space<vmem_shared>>
      tpu.enqueue_dma source(%arg11 : memref<80x128xf32, #tpu.memory_space<vmem>>) target(%dma_start3A_88 : memref<80x128xf32, #tpu.memory_space<vmem_shared>>) target_semaphore(%run_scoped3A : memref<!tpu.dma_semaphore, #tpu.memory_space<semaphore_mem>>)
      %dma_wait3A_89 = arith.constant 0 : i32
      %dma_wait3A_90 = tpu.memref_slice %arg13[%add3A_12, %dma_wait3A_89] : memref<10240x128xf32, #tpu.memory_space<vmem_shared>> -> memref<80x128xf32, #tpu.memory_space<vmem_shared>>
      %dma_wait3A_91 = arith.constant 0 : i32
      %dma_wait3A_92 = tpu.memref_slice %arg13[%add3A_12, %dma_wait3A_91] : memref<10240x128xf32, #tpu.memory_space<vmem_shared>> -> memref<80x128xf32, #tpu.memory_space<vmem_shared>>
      tpu.wait_dma2 semaphore(%run_scoped3A : memref<!tpu.dma_semaphore, #tpu.memory_space<semaphore_mem>>) src(%arg11 : memref<80x128xf32, #tpu.memory_space<vmem>>) dst(%dma_wait3A_92 : memref<80x128xf32, #tpu.memory_space<vmem_shared>>)
      tpu.yield
    }) : () -> ()
    %add3A_13 = arith.constant 80 : i32
    %add3A_14 = arith.addi %mul3A_10, %add3A_13 : i32
    "tpu.region"() ({
      %run_scoped3A = tpu.sem_alloc : memref<!tpu.dma_semaphore, #tpu.memory_space<semaphore_mem>>
      %dma_start3A_85 = arith.constant 0 : i32
      %dma_start3A_86 = tpu.memref_slice %arg13[%add3A_14, %dma_start3A_85] : memref<10240x128xf32, #tpu.memory_space<vmem_shared>> -> memref<80x128xf32, #tpu.memory_space<vmem_shared>>
      %dma_start3A_87 = arith.constant 0 : i32
      %dma_start3A_88 = tpu.memref_slice %arg13[%add3A_14, %dma_start3A_87] : memref<10240x128xf32, #tpu.memory_space<vmem_shared>> -> memref<80x128xf32, #tpu.memory_space<vmem_shared>>
      tpu.enqueue_dma source(%arg11 : memref<80x128xf32, #tpu.memory_space<vmem>>) target(%dma_start3A_88 : memref<80x128xf32, #tpu.memory_space<vmem_shared>>) target_semaphore(%run_scoped3A : memref<!tpu.dma_semaphore, #tpu.memory_space<semaphore_mem>>)
      %dma_wait3A_89 = arith.constant 0 : i32
      %dma_wait3A_90 = tpu.memref_slice %arg13[%add3A_14, %dma_wait3A_89] : memref<10240x128xf32, #tpu.memory_space<vmem_shared>> -> memref<80x128xf32, #tpu.memory_space<vmem_shared>>
      %dma_wait3A_91 = arith.constant 0 : i32
      %dma_wait3A_92 = tpu.memref_slice %arg13[%add3A_14, %dma_wait3A_91] : memref<10240x128xf32, #tpu.memory_space<vmem_shared>> -> memref<80x128xf32, #tpu.memory_space<vmem_shared>>
      tpu.wait_dma2 semaphore(%run_scoped3A : memref<!tpu.dma_semaphore, #tpu.memory_space<semaphore_mem>>) src(%arg11 : memref<80x128xf32, #tpu.memory_space<vmem>>) dst(%dma_wait3A_92 : memref<80x128xf32, #tpu.memory_space<vmem_shared>>)
      tpu.yield
    }) : () -> ()
    %add3A_15 = arith.constant 160 : i32
    %add3A_16 = arith.addi %mul3A_10, %add3A_15 : i32
    "tpu.region"() ({
      %run_scoped3A = tpu.sem_alloc : memref<!tpu.dma_semaphore, #tpu.memory_space<semaphore_mem>>
      %dma_start3A_85 = arith.constant 0 : i32
      %dma_start3A_86 = tpu.memref_slice %arg13[%add3A_16, %dma_start3A_85] : memref<10240x128xf32, #tpu.memory_space<vmem_shared>> -> memref<80x128xf32, #tpu.memory_space<vmem_shared>>
      %dma_start3A_87 = arith.constant 0 : i32
      %dma_start3A_88 = tpu.memref_slice %arg13[%add3A_16, %dma_start3A_87] : memref<10240x128xf32, #tpu.memory_space<vmem_shared>> -> memref<80x128xf32, #tpu.memory_space<vmem_shared>>
      tpu.enqueue_dma source(%arg11 : memref<80x128xf32, #tpu.memory_space<vmem>>) target(%dma_start3A_88 : memref<80x128xf32, #tpu.memory_space<vmem_shared>>) target_semaphore(%run_scoped3A : memref<!tpu.dma_semaphore, #tpu.memory_space<semaphore_mem>>)
      %dma_wait3A_89 = arith.constant 0 : i32
      %dma_wait3A_90 = tpu.memref_slice %arg13[%add3A_16, %dma_wait3A_89] : memref<10240x128xf32, #tpu.memory_space<vmem_shared>> -> memref<80x128xf32, #tpu.memory_space<vmem_shared>>
      %dma_wait3A_91 = arith.constant 0 : i32
      %dma_wait3A_92 = tpu.memref_slice %arg13[%add3A_16, %dma_wait3A_91] : memref<10240x128xf32, #tpu.memory_space<vmem_shared>> -> memref<80x128xf32, #tpu.memory_space<vmem_shared>>
      tpu.wait_dma2 semaphore(%run_scoped3A : memref<!tpu.dma_semaphore, #tpu.memory_space<semaphore_mem>>) src(%arg11 : memref<80x128xf32, #tpu.memory_space<vmem>>) dst(%dma_wait3A_92 : memref<80x128xf32, #tpu.memory_space<vmem_shared>>)
      tpu.yield
    }) : () -> ()
    %add3A_17 = arith.constant 240 : i32
    %add3A_18 = arith.addi %mul3A_10, %add3A_17 : i32
    "tpu.region"() ({
      %run_scoped3A = tpu.sem_alloc : memref<!tpu.dma_semaphore, #tpu.memory_space<semaphore_mem>>
      %dma_start3A_85 = arith.constant 0 : i32
      %dma_start3A_86 = tpu.memref_slice %arg13[%add3A_18, %dma_start3A_85] : memref<10240x128xf32, #tpu.memory_space<vmem_shared>> -> memref<80x128xf32, #tpu.memory_space<vmem_shared>>
      %dma_start3A_87 = arith.constant 0 : i32
      %dma_start3A_88 = tpu.memref_slice %arg13[%add3A_18, %dma_start3A_87] : memref<10240x128xf32, #tpu.memory_space<vmem_shared>> -> memref<80x128xf32, #tpu.memory_space<vmem_shared>>
      tpu.enqueue_dma source(%arg11 : memref<80x128xf32, #tpu.memory_space<vmem>>) target(%dma_start3A_88 : memref<80x128xf32, #tpu.memory_space<vmem_shared>>) target_semaphore(%run_scoped3A : memref<!tpu.dma_semaphore, #tpu.memory_space<semaphore_mem>>)
      %dma_wait3A_89 = arith.constant 0 : i32
      %dma_wait3A_90 = tpu.memref_slice %arg13[%add3A_18, %dma_wait3A_89] : memref<10240x128xf32, #tpu.memory_space<vmem_shared>> -> memref<80x128xf32, #tpu.memory_space<vmem_shared>>
      %dma_wait3A_91 = arith.constant 0 : i32
      %dma_wait3A_92 = tpu.memref_slice %arg13[%add3A_18, %dma_wait3A_91] : memref<10240x128xf32, #tpu.memory_space<vmem_shared>> -> memref<80x128xf32, #tpu.memory_space<vmem_shared>>
      tpu.wait_dma2 semaphore(%run_scoped3A : memref<!tpu.dma_semaphore, #tpu.memory_space<semaphore_mem>>) src(%arg11 : memref<80x128xf32, #tpu.memory_space<vmem>>) dst(%dma_wait3A_92 : memref<80x128xf32, #tpu.memory_space<vmem_shared>>)
      tpu.yield
    }) : () -> ()
    %add3A_19 = arith.constant 320 : i32
    %add3A_20 = arith.addi %mul3A_10, %add3A_19 : i32
    "tpu.region"() ({
      %run_scoped3A = tpu.sem_alloc : memref<!tpu.dma_semaphore, #tpu.memory_space<semaphore_mem>>
      %dma_start3A_85 = arith.constant 0 : i32
      %dma_start3A_86 = tpu.memref_slice %arg13[%add3A_20, %dma_start3A_85] : memref<10240x128xf32, #tpu.memory_space<vmem_shared>> -> memref<80x128xf32, #tpu.memory_space<vmem_shared>>
      %dma_start3A_87 = arith.constant 0 : i32
      %dma_start3A_88 = tpu.memref_slice %arg13[%add3A_20, %dma_start3A_87] : memref<10240x128xf32, #tpu.memory_space<vmem_shared>> -> memref<80x128xf32, #tpu.memory_space<vmem_shared>>
      tpu.enqueue_dma source(%arg11 : memref<80x128xf32, #tpu.memory_space<vmem>>) target(%dma_start3A_88 : memref<80x128xf32, #tpu.memory_space<vmem_shared>>) target_semaphore(%run_scoped3A : memref<!tpu.dma_semaphore, #tpu.memory_space<semaphore_mem>>)
      %dma_wait3A_89 = arith.constant 0 : i32
      %dma_wait3A_90 = tpu.memref_slice %arg13[%add3A_20, %dma_wait3A_89] : memref<10240x128xf32, #tpu.memory_space<vmem_shared>> -> memref<80x128xf32, #tpu.memory_space<vmem_shared>>
      %dma_wait3A_91 = arith.constant 0 : i32
      %dma_wait3A_92 = tpu.memref_slice %arg13[%add3A_20, %dma_wait3A_91] : memref<10240x128xf32, #tpu.memory_space<vmem_shared>> -> memref<80x128xf32, #tpu.memory_space<vmem_shared>>
      tpu.wait_dma2 semaphore(%run_scoped3A : memref<!tpu.dma_semaphore, #tpu.memory_space<semaphore_mem>>) src(%arg11 : memref<80x128xf32, #tpu.memory_space<vmem>>) dst(%dma_wait3A_92 : memref<80x128xf32, #tpu.memory_space<vmem_shared>>)
      tpu.yield
    }) : () -> ()
    %add3A_21 = arith.constant 400 : i32
    %add3A_22 = arith.addi %mul3A_10, %add3A_21 : i32
    "tpu.region"() ({
      %run_scoped3A = tpu.sem_alloc : memref<!tpu.dma_semaphore, #tpu.memory_space<semaphore_mem>>
      %dma_start3A_85 = arith.constant 0 : i32
      %dma_start3A_86 = tpu.memref_slice %arg13[%add3A_22, %dma_start3A_85] : memref<10240x128xf32, #tpu.memory_space<vmem_shared>> -> memref<80x128xf32, #tpu.memory_space<vmem_shared>>
      %dma_start3A_87 = arith.constant 0 : i32
      %dma_start3A_88 = tpu.memref_slice %arg13[%add3A_22, %dma_start3A_87] : memref<10240x128xf32, #tpu.memory_space<vmem_shared>> -> memref<80x128xf32, #tpu.memory_space<vmem_shared>>
      tpu.enqueue_dma source(%arg11 : memref<80x128xf32, #tpu.memory_space<vmem>>) target(%dma_start3A_88 : memref<80x128xf32, #tpu.memory_space<vmem_shared>>) target_semaphore(%run_scoped3A : memref<!tpu.dma_semaphore, #tpu.memory_space<semaphore_mem>>)
      %dma_wait3A_89 = arith.constant 0 : i32
      %dma_wait3A_90 = tpu.memref_slice %arg13[%add3A_22, %dma_wait3A_89] : memref<10240x128xf32, #tpu.memory_space<vmem_shared>> -> memref<80x128xf32, #tpu.memory_space<vmem_shared>>
      %dma_wait3A_91 = arith.constant 0 : i32
      %dma_wait3A_92 = tpu.memref_slice %arg13[%add3A_22, %dma_wait3A_91] : memref<10240x128xf32, #tpu.memory_space<vmem_shared>> -> memref<80x128xf32, #tpu.memory_space<vmem_shared>>
      tpu.wait_dma2 semaphore(%run_scoped3A : memref<!tpu.dma_semaphore, #tpu.memory_space<semaphore_mem>>) src(%arg11 : memref<80x128xf32, #tpu.memory_space<vmem>>) dst(%dma_wait3A_92 : memref<80x128xf32, #tpu.memory_space<vmem_shared>>)
      tpu.yield
    }) : () -> ()
    %add3A_23 = arith.constant 480 : i32
    %add3A_24 = arith.addi %mul3A_10, %add3A_23 : i32
    "tpu.region"() ({
      %run_scoped3A = tpu.sem_alloc : memref<!tpu.dma_semaphore, #tpu.memory_space<semaphore_mem>>
      %dma_start3A_85 = arith.constant 0 : i32
      %dma_start3A_86 = tpu.memref_slice %arg13[%add3A_24, %dma_start3A_85] : memref<10240x128xf32, #tpu.memory_space<vmem_shared>> -> memref<80x128xf32, #tpu.memory_space<vmem_shared>>
      %dma_start3A_87 = arith.constant 0 : i32
      %dma_start3A_88 = tpu.memref_slice %arg13[%add3A_24, %dma_start3A_87] : memref<10240x128xf32, #tpu.memory_space<vmem_shared>> -> memref<80x128xf32, #tpu.memory_space<vmem_shared>>
      tpu.enqueue_dma source(%arg11 : memref<80x128xf32, #tpu.memory_space<vmem>>) target(%dma_start3A_88 : memref<80x128xf32, #tpu.memory_space<vmem_shared>>) target_semaphore(%run_scoped3A : memref<!tpu.dma_semaphore, #tpu.memory_space<semaphore_mem>>)
      %dma_wait3A_89 = arith.constant 0 : i32
      %dma_wait3A_90 = tpu.memref_slice %arg13[%add3A_24, %dma_wait3A_89] : memref<10240x128xf32, #tpu.memory_space<vmem_shared>> -> memref<80x128xf32, #tpu.memory_space<vmem_shared>>
      %dma_wait3A_91 = arith.constant 0 : i32
      %dma_wait3A_92 = tpu.memref_slice %arg13[%add3A_24, %dma_wait3A_91] : memref<10240x128xf32, #tpu.memory_space<vmem_shared>> -> memref<80x128xf32, #tpu.memory_space<vmem_shared>>
      tpu.wait_dma2 semaphore(%run_scoped3A : memref<!tpu.dma_semaphore, #tpu.memory_space<semaphore_mem>>) src(%arg11 : memref<80x128xf32, #tpu.memory_space<vmem>>) dst(%dma_wait3A_92 : memref<80x128xf32, #tpu.memory_space<vmem_shared>>)
      tpu.yield
    }) : () -> ()
    %add3A_25 = arith.constant 560 : i32
    %add3A_26 = arith.addi %mul3A_10, %add3A_25 : i32
    "tpu.region"() ({
      %run_scoped3A = tpu.sem_alloc : memref<!tpu.dma_semaphore, #tpu.memory_space<semaphore_mem>>
      %dma_start3A_85 = arith.constant 0 : i32
      %dma_start3A_86 = tpu.memref_slice %arg13[%add3A_26, %dma_start3A_85] : memref<10240x128xf32, #tpu.memory_space<vmem_shared>> -> memref<80x128xf32, #tpu.memory_space<vmem_shared>>
      %dma_start3A_87 = arith.constant 0 : i32
      %dma_start3A_88 = tpu.memref_slice %arg13[%add3A_26, %dma_start3A_87] : memref<10240x128xf32, #tpu.memory_space<vmem_shared>> -> memref<80x128xf32, #tpu.memory_space<vmem_shared>>
      tpu.enqueue_dma source(%arg11 : memref<80x128xf32, #tpu.memory_space<vmem>>) target(%dma_start3A_88 : memref<80x128xf32, #tpu.memory_space<vmem_shared>>) target_semaphore(%run_scoped3A : memref<!tpu.dma_semaphore, #tpu.memory_space<semaphore_mem>>)
      %dma_wait3A_89 = arith.constant 0 : i32
      %dma_wait3A_90 = tpu.memref_slice %arg13[%add3A_26, %dma_wait3A_89] : memref<10240x128xf32, #tpu.memory_space<vmem_shared>> -> memref<80x128xf32, #tpu.memory_space<vmem_shared>>
      %dma_wait3A_91 = arith.constant 0 : i32
      %dma_wait3A_92 = tpu.memref_slice %arg13[%add3A_26, %dma_wait3A_91] : memref<10240x128xf32, #tpu.memory_space<vmem_shared>> -> memref<80x128xf32, #tpu.memory_space<vmem_shared>>
      tpu.wait_dma2 semaphore(%run_scoped3A : memref<!tpu.dma_semaphore, #tpu.memory_space<semaphore_mem>>) src(%arg11 : memref<80x128xf32, #tpu.memory_space<vmem>>) dst(%dma_wait3A_92 : memref<80x128xf32, #tpu.memory_space<vmem_shared>>)
      tpu.yield
    }) : () -> ()
    %barrier3A = arith.constant 0 : index
    tpu.barrier barrier_id(%barrier3A)
    %add3A_27 = arith.constant 0 : i32
    %add3A_28 = arith.addi %mul3A_2, %add3A_27 : i32
    %dma_start3A = tpu.memref_slice %arg3[%add3A_28] : memref<320000xi32, #tpu.memory_space<hbm>> -> memref<80xi32, #tpu.memory_space<hbm>>
    %dma_start3A_29 = tpu.memref_slice %arg3[%add3A_28] : memref<320000xi32, #tpu.memory_space<hbm>> -> memref<80xi32, #tpu.memory_space<hbm>>
    tpu.enqueue_dma source(%dma_start3A_29 : memref<80xi32, #tpu.memory_space<hbm>>) target(%arg7 : memref<80xi32, #tpu.memory_space<vmem>>) target_semaphore(%arg14 : memref<!tpu.dma_semaphore, #tpu.memory_space<semaphore_mem>>)
    %add3A_30 = arith.constant 80 : i32
    %add3A_31 = arith.addi %mul3A_2, %add3A_30 : i32
    %dma_start3A_32 = tpu.memref_slice %arg3[%add3A_31] : memref<320000xi32, #tpu.memory_space<hbm>> -> memref<80xi32, #tpu.memory_space<hbm>>
    %dma_start3A_33 = tpu.memref_slice %arg3[%add3A_31] : memref<320000xi32, #tpu.memory_space<hbm>> -> memref<80xi32, #tpu.memory_space<hbm>>
    tpu.enqueue_dma source(%dma_start3A_33 : memref<80xi32, #tpu.memory_space<hbm>>) target(%arg8 : memref<80xi32, #tpu.memory_space<vmem>>) target_semaphore(%arg15 : memref<!tpu.dma_semaphore, #tpu.memory_space<semaphore_mem>>)
    %add3A_34 = arith.constant 160 : i32
    %add3A_35 = arith.addi %mul3A_2, %add3A_34 : i32
    %dma_start3A_36 = tpu.memref_slice %arg3[%add3A_35] : memref<320000xi32, #tpu.memory_space<hbm>> -> memref<80xi32, #tpu.memory_space<hbm>>
    %dma_start3A_37 = tpu.memref_slice %arg3[%add3A_35] : memref<320000xi32, #tpu.memory_space<hbm>> -> memref<80xi32, #tpu.memory_space<hbm>>
    tpu.enqueue_dma source(%dma_start3A_37 : memref<80xi32, #tpu.memory_space<hbm>>) target(%arg9 : memref<80xi32, #tpu.memory_space<vmem>>) target_semaphore(%arg16 : memref<!tpu.dma_semaphore, #tpu.memory_space<semaphore_mem>>)
    %add3A_38 = arith.constant 240 : i32
    %add3A_39 = arith.addi %mul3A_2, %add3A_38 : i32
    %dma_start3A_40 = tpu.memref_slice %arg3[%add3A_39] : memref<320000xi32, #tpu.memory_space<hbm>> -> memref<80xi32, #tpu.memory_space<hbm>>
    %dma_start3A_41 = tpu.memref_slice %arg3[%add3A_39] : memref<320000xi32, #tpu.memory_space<hbm>> -> memref<80xi32, #tpu.memory_space<hbm>>
    tpu.enqueue_dma source(%dma_start3A_41 : memref<80xi32, #tpu.memory_space<hbm>>) target(%arg10 : memref<80xi32, #tpu.memory_space<vmem>>) target_semaphore(%arg17 : memref<!tpu.dma_semaphore, #tpu.memory_space<semaphore_mem>>)
    %dma_wait3A = tpu.memref_slice %arg3[%mul3A_2] : memref<320000xi32, #tpu.memory_space<hbm>> -> memref<80xi32, #tpu.memory_space<hbm>>
    %dma_wait3A_42 = tpu.memref_slice %arg3[%mul3A_2] : memref<320000xi32, #tpu.memory_space<hbm>> -> memref<80xi32, #tpu.memory_space<hbm>>
    tpu.wait_dma2 semaphore(%arg14 : memref<!tpu.dma_semaphore, #tpu.memory_space<semaphore_mem>>) src(%dma_wait3A_42 : memref<80xi32, #tpu.memory_space<hbm>>) dst(%arg7 : memref<80xi32, #tpu.memory_space<vmem>>)
    %dma_start3A_43 = arith.constant 0 : i32
    %dma_start3A_44 = arith.constant 0 : i32
    %dma_start3A_45 = tpu.memref_slice %arg2[%dma_start3A_43, %dma_start3A_44] : memref<10000x128xf32, #tpu.memory_space<hbm>> -> memref<10000x128xf32, #tpu.memory_space<hbm>>
    tpu.enqueue_indirect_dma source(%dma_start3A_45 : memref<10000x128xf32, #tpu.memory_space<hbm>>) target(%arg11 : memref<80x128xf32, #tpu.memory_space<vmem>>) offsets(%arg7 : memref<80xi32, #tpu.memory_space<vmem>>) semaphore(%arg18 : memref<!tpu.dma_semaphore, #tpu.memory_space<semaphore_mem>>)
    %broadcast_in_dim3A_46 = arith.constant 1.000000e+00 : f32
    %broadcast_in_dim3A_47 = vector.broadcast %broadcast_in_dim3A_46 : f32 to vector<16xf32>
    %scan3A_48 = arith.constant 0 : i32
    %scan3A_49 = arith.constant 0 : i32
    %scan3A_50 = arith.constant 32 : i32
    %scan3A_51 = arith.addi %scan3A_49, %scan3A_50 : i32
    %scan3A_52 = arith.constant 1 : i32
    scf.for %scan3A_85 = %scan3A_49 to %scan3A_51 step %scan3A_52  : i32 {
      %mul3A_86 = arith.constant 4 : i32
      %mul3A_87 = arith.muli %mul3A_86, %scan3A_85 : i32
      %add3A_88 = arith.constant 0 : i32
      %add3A_89 = arith.addi %mul3A_87, %add3A_88 : i32
      %add3A_90 = arith.constant 1 : i32
      %add3A_91 = arith.addi %add3A_89, %add3A_90 : i32
      %lt3A = arith.constant 125 : i32
      %lt3A_92 = arith.cmpi slt, %add3A_91, %lt3A : i32
      %convert_element_type3A = arith.extui %lt3A_92 : i1 to i32
      %cond3A = arith.constant 0 : i32
      %cond3A_93 = arith.cmpi ne, %convert_element_type3A, %cond3A : i32
      scf.if %cond3A_93 {
        %add3A_147 = arith.constant 1 : i32
        %add3A_148 = arith.addi %add3A_89, %add3A_147 : i32
        %mul3A_149 = arith.constant 80 : i32
        %mul3A_150 = arith.muli %add3A_148, %mul3A_149 : i32
        %add3A_151 = arith.addi %mul3A_2, %mul3A_150 : i32
        %dma_wait3A_152 = tpu.memref_slice %arg3[%add3A_151] : memref<320000xi32, #tpu.memory_space<hbm>> -> memref<80xi32, #tpu.memory_space<hbm>>
        %dma_wait3A_153 = tpu.memref_slice %arg3[%add3A_151] : memref<320000xi32, #tpu.memory_space<hbm>> -> memref<80xi32, #tpu.memory_space<hbm>>
        tpu.wait_dma2 semaphore(%arg15 : memref<!tpu.dma_semaphore, #tpu.memory_space<semaphore_mem>>) src(%dma_wait3A_153 : memref<80xi32, #tpu.memory_space<hbm>>) dst(%arg8 : memref<80xi32, #tpu.memory_space<vmem>>)
        %ge3A = arith.constant 1 : i32
        %ge3A_154 = arith.cmpi sge, %add3A_89, %ge3A : i32
        %convert_element_type3A_155 = arith.extui %ge3A_154 : i1 to i32
        %cond3A_156 = arith.constant 0 : i32
        %cond3A_157 = arith.cmpi ne, %convert_element_type3A_155, %cond3A_156 : i32
        scf.if %cond3A_157 {
          %dma_wait3A_161 = arith.constant 0 : i32
          %dma_wait3A_162 = tpu.memref_slice %arg6[%add3A_89, %dma_wait3A_161] : memref<125x80xi32, #tpu.memory_space<vmem>> -> memref<1x80xi32, #tpu.memory_space<vmem>>
          %dma_wait3A_163 = tpu.memref_squeeze %dma_wait3A_162 : memref<1x80xi32, #tpu.memory_space<vmem>> -> memref<80xi32, #tpu.memory_space<vmem>>
          %dma_wait3A_164 = arith.constant 0 : i32
          %dma_wait3A_165 = arith.constant 0 : i32
          %dma_wait3A_166 = tpu.memref_slice %arg13[%dma_wait3A_164, %dma_wait3A_165] : memref<10240x128xf32, #tpu.memory_space<vmem_shared>> -> memref<10240x128xf32, #tpu.memory_space<vmem_shared>>
          tpu.wait_indirect_dma semaphore(%arg21 : memref<!tpu.dma_semaphore, #tpu.memory_space<semaphore_mem>>) src(%arg12 : memref<80x128xf32, #tpu.memory_space<vmem>>) dst(%dma_wait3A_166 : memref<10240x128xf32, #tpu.memory_space<vmem_shared>>)
        } else {
        }
        %dma_start3A_158 = arith.constant 0 : i32
        %dma_start3A_159 = arith.constant 0 : i32
        %dma_start3A_160 = tpu.memref_slice %arg2[%dma_start3A_158, %dma_start3A_159] : memref<10000x128xf32, #tpu.memory_space<hbm>> -> memref<10000x128xf32, #tpu.memory_space<hbm>>
        tpu.enqueue_indirect_dma source(%dma_start3A_160 : memref<10000x128xf32, #tpu.memory_space<hbm>>) target(%arg12 : memref<80x128xf32, #tpu.memory_space<vmem>>) offsets(%arg8 : memref<80xi32, #tpu.memory_space<vmem>>) semaphore(%arg19 : memref<!tpu.dma_semaphore, #tpu.memory_space<semaphore_mem>>)
      } else {
      }
      %lt3A_94 = arith.constant 125 : i32
      %lt3A_95 = arith.cmpi slt, %add3A_89, %lt3A_94 : i32
      %convert_element_type3A_96 = arith.extui %lt3A_95 : i1 to i32
      %cond3A_97 = arith.constant 0 : i32
      %cond3A_98 = arith.cmpi ne, %convert_element_type3A_96, %cond3A_97 : i32
      scf.if %cond3A_98 {
        %dma_wait3A_147 = arith.constant 0 : i32
        %dma_wait3A_148 = arith.constant 0 : i32
        %dma_wait3A_149 = tpu.memref_slice %arg2[%dma_wait3A_147, %dma_wait3A_148] : memref<10000x128xf32, #tpu.memory_space<hbm>> -> memref<10000x128xf32, #tpu.memory_space<hbm>>
        tpu.wait_indirect_dma semaphore(%arg18 : memref<!tpu.dma_semaphore, #tpu.memory_space<semaphore_mem>>) src(%dma_wait3A_149 : memref<10000x128xf32, #tpu.memory_space<hbm>>) dst(%arg11 : memref<80x128xf32, #tpu.memory_space<vmem>>)
        %add3A_150 = arith.constant 4 : i32
        %add3A_151 = arith.addi %add3A_89, %add3A_150 : i32
        %lt3A_152 = arith.constant 125 : i32
        %lt3A_153 = arith.cmpi slt, %add3A_151, %lt3A_152 : i32
        %convert_element_type3A_154 = arith.extui %lt3A_153 : i1 to i32
        %cond3A_155 = arith.constant 0 : i32
        %cond3A_156 = arith.cmpi ne, %convert_element_type3A_154, %cond3A_155 : i32
        scf.if %cond3A_156 {
          %add3A_163 = arith.constant 4 : i32
          %add3A_164 = arith.addi %add3A_89, %add3A_163 : i32
          %mul3A_165 = arith.constant 80 : i32
          %mul3A_166 = arith.muli %add3A_164, %mul3A_165 : i32
          %add3A_167 = arith.addi %mul3A_2, %mul3A_166 : i32
          %dma_start3A_168 = tpu.memref_slice %arg3[%add3A_167] : memref<320000xi32, #tpu.memory_space<hbm>> -> memref<80xi32, #tpu.memory_space<hbm>>
          %dma_start3A_169 = tpu.memref_slice %arg3[%add3A_167] : memref<320000xi32, #tpu.memory_space<hbm>> -> memref<80xi32, #tpu.memory_space<hbm>>
          tpu.enqueue_dma source(%dma_start3A_169 : memref<80xi32, #tpu.memory_space<hbm>>) target(%arg7 : memref<80xi32, #tpu.memory_space<vmem>>) target_semaphore(%arg14 : memref<!tpu.dma_semaphore, #tpu.memory_space<semaphore_mem>>)
        } else {
        }
        %dma_start3A_157 = arith.constant 0 : i32
        %dma_start3A_158 = tpu.memref_slice %arg6[%add3A_89, %dma_start3A_157] : memref<125x80xi32, #tpu.memory_space<vmem>> -> memref<1x80xi32, #tpu.memory_space<vmem>>
        %dma_start3A_159 = tpu.memref_squeeze %dma_start3A_158 : memref<1x80xi32, #tpu.memory_space<vmem>> -> memref<80xi32, #tpu.memory_space<vmem>>
        %dma_start3A_160 = arith.constant 0 : i32
        %dma_start3A_161 = arith.constant 0 : i32
        %dma_start3A_162 = tpu.memref_slice %arg13[%dma_start3A_160, %dma_start3A_161] : memref<10240x128xf32, #tpu.memory_space<vmem_shared>> -> memref<10240x128xf32, #tpu.memory_space<vmem_shared>>
        tpu.enqueue_indirect_dma source(%arg11 : memref<80x128xf32, #tpu.memory_space<vmem>>) target(%dma_start3A_162 : memref<10240x128xf32, #tpu.memory_space<vmem_shared>>) offsets(%dma_start3A_159 : memref<80xi32, #tpu.memory_space<vmem>>) semaphore(%arg20 : memref<!tpu.dma_semaphore, #tpu.memory_space<semaphore_mem>>) {add = true}
      } else {
      }
      %mul3A_99 = arith.constant 4 : i32
      %mul3A_100 = arith.muli %mul3A_99, %scan3A_85 : i32
      %add3A_101 = arith.constant 1 : i32
      %add3A_102 = arith.addi %mul3A_100, %add3A_101 : i32
      %add3A_103 = arith.constant 1 : i32
      %add3A_104 = arith.addi %add3A_102, %add3A_103 : i32
      %lt3A_105 = arith.constant 125 : i32
      %lt3A_106 = arith.cmpi slt, %add3A_104, %lt3A_105 : i32
      %convert_element_type3A_107 = arith.extui %lt3A_106 : i1 to i32
      %cond3A_108 = arith.constant 0 : i32
      %cond3A_109 = arith.cmpi ne, %convert_element_type3A_107, %cond3A_108 : i32
      scf.if %cond3A_109 {
        %add3A_147 = arith.constant 1 : i32
        %add3A_148 = arith.addi %add3A_102, %add3A_147 : i32
        %mul3A_149 = arith.constant 80 : i32
        %mul3A_150 = arith.muli %add3A_148, %mul3A_149 : i32
        %add3A_151 = arith.addi %mul3A_2, %mul3A_150 : i32
        %dma_wait3A_152 = tpu.memref_slice %arg3[%add3A_151] : memref<320000xi32, #tpu.memory_space<hbm>> -> memref<80xi32, #tpu.memory_space<hbm>>
        %dma_wait3A_153 = tpu.memref_slice %arg3[%add3A_151] : memref<320000xi32, #tpu.memory_space<hbm>> -> memref<80xi32, #tpu.memory_space<hbm>>
        tpu.wait_dma2 semaphore(%arg16 : memref<!tpu.dma_semaphore, #tpu.memory_space<semaphore_mem>>) src(%dma_wait3A_153 : memref<80xi32, #tpu.memory_space<hbm>>) dst(%arg9 : memref<80xi32, #tpu.memory_space<vmem>>)
        %ge3A = arith.constant 1 : i32
        %ge3A_154 = arith.cmpi sge, %add3A_102, %ge3A : i32
        %convert_element_type3A_155 = arith.extui %ge3A_154 : i1 to i32
        %cond3A_156 = arith.constant 0 : i32
        %cond3A_157 = arith.cmpi ne, %convert_element_type3A_155, %cond3A_156 : i32
        scf.if %cond3A_157 {
          %dma_wait3A_161 = arith.constant 0 : i32
          %dma_wait3A_162 = tpu.memref_slice %arg6[%add3A_102, %dma_wait3A_161] : memref<125x80xi32, #tpu.memory_space<vmem>> -> memref<1x80xi32, #tpu.memory_space<vmem>>
          %dma_wait3A_163 = tpu.memref_squeeze %dma_wait3A_162 : memref<1x80xi32, #tpu.memory_space<vmem>> -> memref<80xi32, #tpu.memory_space<vmem>>
          %dma_wait3A_164 = arith.constant 0 : i32
          %dma_wait3A_165 = arith.constant 0 : i32
          %dma_wait3A_166 = tpu.memref_slice %arg13[%dma_wait3A_164, %dma_wait3A_165] : memref<10240x128xf32, #tpu.memory_space<vmem_shared>> -> memref<10240x128xf32, #tpu.memory_space<vmem_shared>>
          tpu.wait_indirect_dma semaphore(%arg20 : memref<!tpu.dma_semaphore, #tpu.memory_space<semaphore_mem>>) src(%arg11 : memref<80x128xf32, #tpu.memory_space<vmem>>) dst(%dma_wait3A_166 : memref<10240x128xf32, #tpu.memory_space<vmem_shared>>)
        } else {
        }
        %dma_start3A_158 = arith.constant 0 : i32
        %dma_start3A_159 = arith.constant 0 : i32
        %dma_start3A_160 = tpu.memref_slice %arg2[%dma_start3A_158, %dma_start3A_159] : memref<10000x128xf32, #tpu.memory_space<hbm>> -> memref<10000x128xf32, #tpu.memory_space<hbm>>
        tpu.enqueue_indirect_dma source(%dma_start3A_160 : memref<10000x128xf32, #tpu.memory_space<hbm>>) target(%arg11 : memref<80x128xf32, #tpu.memory_space<vmem>>) offsets(%arg9 : memref<80xi32, #tpu.memory_space<vmem>>) semaphore(%arg18 : memref<!tpu.dma_semaphore, #tpu.memory_space<semaphore_mem>>)
      } else {
      }
      %lt3A_110 = arith.constant 125 : i32
      %lt3A_111 = arith.cmpi slt, %add3A_102, %lt3A_110 : i32
      %convert_element_type3A_112 = arith.extui %lt3A_111 : i1 to i32
      %cond3A_113 = arith.constant 0 : i32
      %cond3A_114 = arith.cmpi ne, %convert_element_type3A_112, %cond3A_113 : i32
      scf.if %cond3A_114 {
        %dma_wait3A_147 = arith.constant 0 : i32
        %dma_wait3A_148 = arith.constant 0 : i32
        %dma_wait3A_149 = tpu.memref_slice %arg2[%dma_wait3A_147, %dma_wait3A_148] : memref<10000x128xf32, #tpu.memory_space<hbm>> -> memref<10000x128xf32, #tpu.memory_space<hbm>>
        tpu.wait_indirect_dma semaphore(%arg19 : memref<!tpu.dma_semaphore, #tpu.memory_space<semaphore_mem>>) src(%dma_wait3A_149 : memref<10000x128xf32, #tpu.memory_space<hbm>>) dst(%arg12 : memref<80x128xf32, #tpu.memory_space<vmem>>)
        %add3A_150 = arith.constant 4 : i32
        %add3A_151 = arith.addi %add3A_102, %add3A_150 : i32
        %lt3A_152 = arith.constant 125 : i32
        %lt3A_153 = arith.cmpi slt, %add3A_151, %lt3A_152 : i32
        %convert_element_type3A_154 = arith.extui %lt3A_153 : i1 to i32
        %cond3A_155 = arith.constant 0 : i32
        %cond3A_156 = arith.cmpi ne, %convert_element_type3A_154, %cond3A_155 : i32
        scf.if %cond3A_156 {
          %add3A_163 = arith.constant 4 : i32
          %add3A_164 = arith.addi %add3A_102, %add3A_163 : i32
          %mul3A_165 = arith.constant 80 : i32
          %mul3A_166 = arith.muli %add3A_164, %mul3A_165 : i32
          %add3A_167 = arith.addi %mul3A_2, %mul3A_166 : i32
          %dma_start3A_168 = tpu.memref_slice %arg3[%add3A_167] : memref<320000xi32, #tpu.memory_space<hbm>> -> memref<80xi32, #tpu.memory_space<hbm>>
          %dma_start3A_169 = tpu.memref_slice %arg3[%add3A_167] : memref<320000xi32, #tpu.memory_space<hbm>> -> memref<80xi32, #tpu.memory_space<hbm>>
          tpu.enqueue_dma source(%dma_start3A_169 : memref<80xi32, #tpu.memory_space<hbm>>) target(%arg8 : memref<80xi32, #tpu.memory_space<vmem>>) target_semaphore(%arg15 : memref<!tpu.dma_semaphore, #tpu.memory_space<semaphore_mem>>)
        } else {
        }
        %dma_start3A_157 = arith.constant 0 : i32
        %dma_start3A_158 = tpu.memref_slice %arg6[%add3A_102, %dma_start3A_157] : memref<125x80xi32, #tpu.memory_space<vmem>> -> memref<1x80xi32, #tpu.memory_space<vmem>>
        %dma_start3A_159 = tpu.memref_squeeze %dma_start3A_158 : memref<1x80xi32, #tpu.memory_space<vmem>> -> memref<80xi32, #tpu.memory_space<vmem>>
        %dma_start3A_160 = arith.constant 0 : i32
        %dma_start3A_161 = arith.constant 0 : i32
        %dma_start3A_162 = tpu.memref_slice %arg13[%dma_start3A_160, %dma_start3A_161] : memref<10240x128xf32, #tpu.memory_space<vmem_shared>> -> memref<10240x128xf32, #tpu.memory_space<vmem_shared>>
        tpu.enqueue_indirect_dma source(%arg12 : memref<80x128xf32, #tpu.memory_space<vmem>>) target(%dma_start3A_162 : memref<10240x128xf32, #tpu.memory_space<vmem_shared>>) offsets(%dma_start3A_159 : memref<80xi32, #tpu.memory_space<vmem>>) semaphore(%arg21 : memref<!tpu.dma_semaphore, #tpu.memory_space<semaphore_mem>>) {add = true}
      } else {
      }
      %mul3A_115 = arith.constant 4 : i32
      %mul3A_116 = arith.muli %mul3A_115, %scan3A_85 : i32
      %add3A_117 = arith.constant 2 : i32
      %add3A_118 = arith.addi %mul3A_116, %add3A_117 : i32
      %add3A_119 = arith.constant 1 : i32
      %add3A_120 = arith.addi %add3A_118, %add3A_119 : i32
      %lt3A_121 = arith.constant 125 : i32
      %lt3A_122 = arith.cmpi slt, %add3A_120, %lt3A_121 : i32
      %convert_element_type3A_123 = arith.extui %lt3A_122 : i1 to i32
      %cond3A_124 = arith.constant 0 : i32
      %cond3A_125 = arith.cmpi ne, %convert_element_type3A_123, %cond3A_124 : i32
      scf.if %cond3A_125 {
        %add3A_147 = arith.constant 1 : i32
        %add3A_148 = arith.addi %add3A_118, %add3A_147 : i32
        %mul3A_149 = arith.constant 80 : i32
        %mul3A_150 = arith.muli %add3A_148, %mul3A_149 : i32
        %add3A_151 = arith.addi %mul3A_2, %mul3A_150 : i32
        %dma_wait3A_152 = tpu.memref_slice %arg3[%add3A_151] : memref<320000xi32, #tpu.memory_space<hbm>> -> memref<80xi32, #tpu.memory_space<hbm>>
        %dma_wait3A_153 = tpu.memref_slice %arg3[%add3A_151] : memref<320000xi32, #tpu.memory_space<hbm>> -> memref<80xi32, #tpu.memory_space<hbm>>
        tpu.wait_dma2 semaphore(%arg17 : memref<!tpu.dma_semaphore, #tpu.memory_space<semaphore_mem>>) src(%dma_wait3A_153 : memref<80xi32, #tpu.memory_space<hbm>>) dst(%arg10 : memref<80xi32, #tpu.memory_space<vmem>>)
        %ge3A = arith.constant 1 : i32
        %ge3A_154 = arith.cmpi sge, %add3A_118, %ge3A : i32
        %convert_element_type3A_155 = arith.extui %ge3A_154 : i1 to i32
        %cond3A_156 = arith.constant 0 : i32
        %cond3A_157 = arith.cmpi ne, %convert_element_type3A_155, %cond3A_156 : i32
        scf.if %cond3A_157 {
          %dma_wait3A_161 = arith.constant 0 : i32
          %dma_wait3A_162 = tpu.memref_slice %arg6[%add3A_118, %dma_wait3A_161] : memref<125x80xi32, #tpu.memory_space<vmem>> -> memref<1x80xi32, #tpu.memory_space<vmem>>
          %dma_wait3A_163 = tpu.memref_squeeze %dma_wait3A_162 : memref<1x80xi32, #tpu.memory_space<vmem>> -> memref<80xi32, #tpu.memory_space<vmem>>
          %dma_wait3A_164 = arith.constant 0 : i32
          %dma_wait3A_165 = arith.constant 0 : i32
          %dma_wait3A_166 = tpu.memref_slice %arg13[%dma_wait3A_164, %dma_wait3A_165] : memref<10240x128xf32, #tpu.memory_space<vmem_shared>> -> memref<10240x128xf32, #tpu.memory_space<vmem_shared>>
          tpu.wait_indirect_dma semaphore(%arg21 : memref<!tpu.dma_semaphore, #tpu.memory_space<semaphore_mem>>) src(%arg12 : memref<80x128xf32, #tpu.memory_space<vmem>>) dst(%dma_wait3A_166 : memref<10240x128xf32, #tpu.memory_space<vmem_shared>>)
        } else {
        }
        %dma_start3A_158 = arith.constant 0 : i32
        %dma_start3A_159 = arith.constant 0 : i32
        %dma_start3A_160 = tpu.memref_slice %arg2[%dma_start3A_158, %dma_start3A_159] : memref<10000x128xf32, #tpu.memory_space<hbm>> -> memref<10000x128xf32, #tpu.memory_space<hbm>>
        tpu.enqueue_indirect_dma source(%dma_start3A_160 : memref<10000x128xf32, #tpu.memory_space<hbm>>) target(%arg12 : memref<80x128xf32, #tpu.memory_space<vmem>>) offsets(%arg10 : memref<80xi32, #tpu.memory_space<vmem>>) semaphore(%arg19 : memref<!tpu.dma_semaphore, #tpu.memory_space<semaphore_mem>>)
      } else {
      }
      %lt3A_126 = arith.constant 125 : i32
      %lt3A_127 = arith.cmpi slt, %add3A_118, %lt3A_126 : i32
      %convert_element_type3A_128 = arith.extui %lt3A_127 : i1 to i32
      %cond3A_129 = arith.constant 0 : i32
      %cond3A_130 = arith.cmpi ne, %convert_element_type3A_128, %cond3A_129 : i32
      scf.if %cond3A_130 {
        %dma_wait3A_147 = arith.constant 0 : i32
        %dma_wait3A_148 = arith.constant 0 : i32
        %dma_wait3A_149 = tpu.memref_slice %arg2[%dma_wait3A_147, %dma_wait3A_148] : memref<10000x128xf32, #tpu.memory_space<hbm>> -> memref<10000x128xf32, #tpu.memory_space<hbm>>
        tpu.wait_indirect_dma semaphore(%arg18 : memref<!tpu.dma_semaphore, #tpu.memory_space<semaphore_mem>>) src(%dma_wait3A_149 : memref<10000x128xf32, #tpu.memory_space<hbm>>) dst(%arg11 : memref<80x128xf32, #tpu.memory_space<vmem>>)
        %add3A_150 = arith.constant 4 : i32
        %add3A_151 = arith.addi %add3A_118, %add3A_150 : i32
        %lt3A_152 = arith.constant 125 : i32
        %lt3A_153 = arith.cmpi slt, %add3A_151, %lt3A_152 : i32
        %convert_element_type3A_154 = arith.extui %lt3A_153 : i1 to i32
        %cond3A_155 = arith.constant 0 : i32
        %cond3A_156 = arith.cmpi ne, %convert_element_type3A_154, %cond3A_155 : i32
        scf.if %cond3A_156 {
          %add3A_163 = arith.constant 4 : i32
          %add3A_164 = arith.addi %add3A_118, %add3A_163 : i32
          %mul3A_165 = arith.constant 80 : i32
          %mul3A_166 = arith.muli %add3A_164, %mul3A_165 : i32
          %add3A_167 = arith.addi %mul3A_2, %mul3A_166 : i32
          %dma_start3A_168 = tpu.memref_slice %arg3[%add3A_167] : memref<320000xi32, #tpu.memory_space<hbm>> -> memref<80xi32, #tpu.memory_space<hbm>>
          %dma_start3A_169 = tpu.memref_slice %arg3[%add3A_167] : memref<320000xi32, #tpu.memory_space<hbm>> -> memref<80xi32, #tpu.memory_space<hbm>>
          tpu.enqueue_dma source(%dma_start3A_169 : memref<80xi32, #tpu.memory_space<hbm>>) target(%arg9 : memref<80xi32, #tpu.memory_space<vmem>>) target_semaphore(%arg16 : memref<!tpu.dma_semaphore, #tpu.memory_space<semaphore_mem>>)
        } else {
        }
        %dma_start3A_157 = arith.constant 0 : i32
        %dma_start3A_158 = tpu.memref_slice %arg6[%add3A_118, %dma_start3A_157] : memref<125x80xi32, #tpu.memory_space<vmem>> -> memref<1x80xi32, #tpu.memory_space<vmem>>
        %dma_start3A_159 = tpu.memref_squeeze %dma_start3A_158 : memref<1x80xi32, #tpu.memory_space<vmem>> -> memref<80xi32, #tpu.memory_space<vmem>>
        %dma_start3A_160 = arith.constant 0 : i32
        %dma_start3A_161 = arith.constant 0 : i32
        %dma_start3A_162 = tpu.memref_slice %arg13[%dma_start3A_160, %dma_start3A_161] : memref<10240x128xf32, #tpu.memory_space<vmem_shared>> -> memref<10240x128xf32, #tpu.memory_space<vmem_shared>>
        tpu.enqueue_indirect_dma source(%arg11 : memref<80x128xf32, #tpu.memory_space<vmem>>) target(%dma_start3A_162 : memref<10240x128xf32, #tpu.memory_space<vmem_shared>>) offsets(%dma_start3A_159 : memref<80xi32, #tpu.memory_space<vmem>>) semaphore(%arg20 : memref<!tpu.dma_semaphore, #tpu.memory_space<semaphore_mem>>) {add = true}
      } else {
      }
      %mul3A_131 = arith.constant 4 : i32
      %mul3A_132 = arith.muli %mul3A_131, %scan3A_85 : i32
      %add3A_133 = arith.constant 3 : i32
      %add3A_134 = arith.addi %mul3A_132, %add3A_133 : i32
      %add3A_135 = arith.constant 1 : i32
      %add3A_136 = arith.addi %add3A_134, %add3A_135 : i32
      %lt3A_137 = arith.constant 125 : i32
      %lt3A_138 = arith.cmpi slt, %add3A_136, %lt3A_137 : i32
      %convert_element_type3A_139 = arith.extui %lt3A_138 : i1 to i32
      %cond3A_140 = arith.constant 0 : i32
      %cond3A_141 = arith.cmpi ne, %convert_element_type3A_139, %cond3A_140 : i32
      scf.if %cond3A_141 {
        %add3A_147 = arith.constant 1 : i32
        %add3A_148 = arith.addi %add3A_134, %add3A_147 : i32
        %mul3A_149 = arith.constant 80 : i32
        %mul3A_150 = arith.muli %add3A_148, %mul3A_149 : i32
        %add3A_151 = arith.addi %mul3A_2, %mul3A_150 : i32
        %dma_wait3A_152 = tpu.memref_slice %arg3[%add3A_151] : memref<320000xi32, #tpu.memory_space<hbm>> -> memref<80xi32, #tpu.memory_space<hbm>>
        %dma_wait3A_153 = tpu.memref_slice %arg3[%add3A_151] : memref<320000xi32, #tpu.memory_space<hbm>> -> memref<80xi32, #tpu.memory_space<hbm>>
        tpu.wait_dma2 semaphore(%arg14 : memref<!tpu.dma_semaphore, #tpu.memory_space<semaphore_mem>>) src(%dma_wait3A_153 : memref<80xi32, #tpu.memory_space<hbm>>) dst(%arg7 : memref<80xi32, #tpu.memory_space<vmem>>)
        %ge3A = arith.constant 1 : i32
        %ge3A_154 = arith.cmpi sge, %add3A_134, %ge3A : i32
        %convert_element_type3A_155 = arith.extui %ge3A_154 : i1 to i32
        %cond3A_156 = arith.constant 0 : i32
        %cond3A_157 = arith.cmpi ne, %convert_element_type3A_155, %cond3A_156 : i32
        scf.if %cond3A_157 {
          %dma_wait3A_161 = arith.constant 0 : i32
          %dma_wait3A_162 = tpu.memref_slice %arg6[%add3A_134, %dma_wait3A_161] : memref<125x80xi32, #tpu.memory_space<vmem>> -> memref<1x80xi32, #tpu.memory_space<vmem>>
          %dma_wait3A_163 = tpu.memref_squeeze %dma_wait3A_162 : memref<1x80xi32, #tpu.memory_space<vmem>> -> memref<80xi32, #tpu.memory_space<vmem>>
          %dma_wait3A_164 = arith.constant 0 : i32
          %dma_wait3A_165 = arith.constant 0 : i32
          %dma_wait3A_166 = tpu.memref_slice %arg13[%dma_wait3A_164, %dma_wait3A_165] : memref<10240x128xf32, #tpu.memory_space<vmem_shared>> -> memref<10240x128xf32, #tpu.memory_space<vmem_shared>>
          tpu.wait_indirect_dma semaphore(%arg20 : memref<!tpu.dma_semaphore, #tpu.memory_space<semaphore_mem>>) src(%arg11 : memref<80x128xf32, #tpu.memory_space<vmem>>) dst(%dma_wait3A_166 : memref<10240x128xf32, #tpu.memory_space<vmem_shared>>)
        } else {
        }
        %dma_start3A_158 = arith.constant 0 : i32
        %dma_start3A_159 = arith.constant 0 : i32
        %dma_start3A_160 = tpu.memref_slice %arg2[%dma_start3A_158, %dma_start3A_159] : memref<10000x128xf32, #tpu.memory_space<hbm>> -> memref<10000x128xf32, #tpu.memory_space<hbm>>
        tpu.enqueue_indirect_dma source(%dma_start3A_160 : memref<10000x128xf32, #tpu.memory_space<hbm>>) target(%arg11 : memref<80x128xf32, #tpu.memory_space<vmem>>) offsets(%arg7 : memref<80xi32, #tpu.memory_space<vmem>>) semaphore(%arg18 : memref<!tpu.dma_semaphore, #tpu.memory_space<semaphore_mem>>)
      } else {
      }
      %lt3A_142 = arith.constant 125 : i32
      %lt3A_143 = arith.cmpi slt, %add3A_134, %lt3A_142 : i32
      %convert_element_type3A_144 = arith.extui %lt3A_143 : i1 to i32
      %cond3A_145 = arith.constant 0 : i32
      %cond3A_146 = arith.cmpi ne, %convert_element_type3A_144, %cond3A_145 : i32
      scf.if %cond3A_146 {
        %dma_wait3A_147 = arith.constant 0 : i32
        %dma_wait3A_148 = arith.constant 0 : i32
        %dma_wait3A_149 = tpu.memref_slice %arg2[%dma_wait3A_147, %dma_wait3A_148] : memref<10000x128xf32, #tpu.memory_space<hbm>> -> memref<10000x128xf32, #tpu.memory_space<hbm>>
        tpu.wait_indirect_dma semaphore(%arg19 : memref<!tpu.dma_semaphore, #tpu.memory_space<semaphore_mem>>) src(%dma_wait3A_149 : memref<10000x128xf32, #tpu.memory_space<hbm>>) dst(%arg12 : memref<80x128xf32, #tpu.memory_space<vmem>>)
        %add3A_150 = arith.constant 4 : i32
        %add3A_151 = arith.addi %add3A_134, %add3A_150 : i32
        %lt3A_152 = arith.constant 125 : i32
        %lt3A_153 = arith.cmpi slt, %add3A_151, %lt3A_152 : i32
        %convert_element_type3A_154 = arith.extui %lt3A_153 : i1 to i32
        %cond3A_155 = arith.constant 0 : i32
        %cond3A_156 = arith.cmpi ne, %convert_element_type3A_154, %cond3A_155 : i32
        scf.if %cond3A_156 {
          %add3A_163 = arith.constant 4 : i32
          %add3A_164 = arith.addi %add3A_134, %add3A_163 : i32
          %mul3A_165 = arith.constant 80 : i32
          %mul3A_166 = arith.muli %add3A_164, %mul3A_165 : i32
          %add3A_167 = arith.addi %mul3A_2, %mul3A_166 : i32
          %dma_start3A_168 = tpu.memref_slice %arg3[%add3A_167] : memref<320000xi32, #tpu.memory_space<hbm>> -> memref<80xi32, #tpu.memory_space<hbm>>
          %dma_start3A_169 = tpu.memref_slice %arg3[%add3A_167] : memref<320000xi32, #tpu.memory_space<hbm>> -> memref<80xi32, #tpu.memory_space<hbm>>
          tpu.enqueue_dma source(%dma_start3A_169 : memref<80xi32, #tpu.memory_space<hbm>>) target(%arg10 : memref<80xi32, #tpu.memory_space<vmem>>) target_semaphore(%arg17 : memref<!tpu.dma_semaphore, #tpu.memory_space<semaphore_mem>>)
        } else {
        }
        %dma_start3A_157 = arith.constant 0 : i32
        %dma_start3A_158 = tpu.memref_slice %arg6[%add3A_134, %dma_start3A_157] : memref<125x80xi32, #tpu.memory_space<vmem>> -> memref<1x80xi32, #tpu.memory_space<vmem>>
        %dma_start3A_159 = tpu.memref_squeeze %dma_start3A_158 : memref<1x80xi32, #tpu.memory_space<vmem>> -> memref<80xi32, #tpu.memory_space<vmem>>
        %dma_start3A_160 = arith.constant 0 : i32
        %dma_start3A_161 = arith.constant 0 : i32
        %dma_start3A_162 = tpu.memref_slice %arg13[%dma_start3A_160, %dma_start3A_161] : memref<10240x128xf32, #tpu.memory_space<vmem_shared>> -> memref<10240x128xf32, #tpu.memory_space<vmem_shared>>
        tpu.enqueue_indirect_dma source(%arg12 : memref<80x128xf32, #tpu.memory_space<vmem>>) target(%dma_start3A_162 : memref<10240x128xf32, #tpu.memory_space<vmem_shared>>) offsets(%dma_start3A_159 : memref<80xi32, #tpu.memory_space<vmem>>) semaphore(%arg21 : memref<!tpu.dma_semaphore, #tpu.memory_space<semaphore_mem>>) {add = true}
      } else {
      }
    }
    %scan3A_53 = arith.constant 32 : i32
    %dma_wait3A_54 = arith.constant 123 : i32
    %dma_wait3A_55 = arith.constant 0 : i32
    %dma_wait3A_56 = tpu.memref_slice %arg6[%dma_wait3A_54, %dma_wait3A_55] : memref<125x80xi32, #tpu.memory_space<vmem>> -> memref<1x80xi32, #tpu.memory_space<vmem>>
    %dma_wait3A_57 = tpu.memref_squeeze %dma_wait3A_56 : memref<1x80xi32, #tpu.memory_space<vmem>> -> memref<80xi32, #tpu.memory_space<vmem>>
    %dma_wait3A_58 = arith.constant 0 : i32
    %dma_wait3A_59 = arith.constant 0 : i32
    %dma_wait3A_60 = tpu.memref_slice %arg13[%dma_wait3A_58, %dma_wait3A_59] : memref<10240x128xf32, #tpu.memory_space<vmem_shared>> -> memref<10240x128xf32, #tpu.memory_space<vmem_shared>>
    tpu.wait_indirect_dma semaphore(%arg21 : memref<!tpu.dma_semaphore, #tpu.memory_space<semaphore_mem>>) src(%arg12 : memref<80x128xf32, #tpu.memory_space<vmem>>) dst(%dma_wait3A_60 : memref<10240x128xf32, #tpu.memory_space<vmem_shared>>)
    %dma_wait3A_61 = arith.constant 124 : i32
    %dma_wait3A_62 = arith.constant 0 : i32
    %dma_wait3A_63 = tpu.memref_slice %arg6[%dma_wait3A_61, %dma_wait3A_62] : memref<125x80xi32, #tpu.memory_space<vmem>> -> memref<1x80xi32, #tpu.memory_space<vmem>>
    %dma_wait3A_64 = tpu.memref_squeeze %dma_wait3A_63 : memref<1x80xi32, #tpu.memory_space<vmem>> -> memref<80xi32, #tpu.memory_space<vmem>>
    %dma_wait3A_65 = arith.constant 0 : i32
    %dma_wait3A_66 = arith.constant 0 : i32
    %dma_wait3A_67 = tpu.memref_slice %arg13[%dma_wait3A_65, %dma_wait3A_66] : memref<10240x128xf32, #tpu.memory_space<vmem_shared>> -> memref<10240x128xf32, #tpu.memory_space<vmem_shared>>
    tpu.wait_indirect_dma semaphore(%arg20 : memref<!tpu.dma_semaphore, #tpu.memory_space<semaphore_mem>>) src(%arg11 : memref<80x128xf32, #tpu.memory_space<vmem>>) dst(%dma_wait3A_67 : memref<10240x128xf32, #tpu.memory_space<vmem_shared>>)
    %barrier3A_68 = arith.constant 0 : index
    tpu.barrier barrier_id(%barrier3A_68)
    %add3A_69 = arith.constant 0 : i32
    %add3A_70 = arith.addi %mul3A_10, %add3A_69 : i32
    "tpu.region"() ({
      %run_scoped3A = tpu.sem_alloc : memref<!tpu.dma_semaphore, #tpu.memory_space<semaphore_mem>>
      %dma_start3A_85 = arith.constant 0 : i32
      %dma_start3A_86 = tpu.memref_slice %arg13[%add3A_70, %dma_start3A_85] : memref<10240x128xf32, #tpu.memory_space<vmem_shared>> -> memref<80x128xf32, #tpu.memory_space<vmem_shared>>
      %dma_start3A_87 = arith.constant 0 : i32
      %dma_start3A_88 = tpu.memref_slice %arg13[%add3A_70, %dma_start3A_87] : memref<10240x128xf32, #tpu.memory_space<vmem_shared>> -> memref<80x128xf32, #tpu.memory_space<vmem_shared>>
      tpu.enqueue_dma source(%dma_start3A_88 : memref<80x128xf32, #tpu.memory_space<vmem_shared>>) target(%arg11 : memref<80x128xf32, #tpu.memory_space<vmem>>) target_semaphore(%run_scoped3A : memref<!tpu.dma_semaphore, #tpu.memory_space<semaphore_mem>>)
      %dma_wait3A_89 = arith.constant 0 : i32
      %dma_wait3A_90 = tpu.memref_slice %arg13[%add3A_70, %dma_wait3A_89] : memref<10240x128xf32, #tpu.memory_space<vmem_shared>> -> memref<80x128xf32, #tpu.memory_space<vmem_shared>>
      %dma_wait3A_91 = arith.constant 0 : i32
      %dma_wait3A_92 = tpu.memref_slice %arg13[%add3A_70, %dma_wait3A_91] : memref<10240x128xf32, #tpu.memory_space<vmem_shared>> -> memref<80x128xf32, #tpu.memory_space<vmem_shared>>
      tpu.wait_dma2 semaphore(%run_scoped3A : memref<!tpu.dma_semaphore, #tpu.memory_space<semaphore_mem>>) src(%dma_wait3A_92 : memref<80x128xf32, #tpu.memory_space<vmem_shared>>) dst(%arg11 : memref<80x128xf32, #tpu.memory_space<vmem>>)
      tpu.yield
    }) : () -> ()
    "tpu.region"() ({
      %run_scoped3A = tpu.sem_alloc : memref<!tpu.dma_semaphore, #tpu.memory_space<semaphore_mem>>
      %dma_start3A_85 = arith.constant 0 : i32
      %dma_start3A_86 = tpu.memref_slice %arg5[%arg0, %add3A_70, %dma_start3A_85] : memref<2x10240x128xf32, #tpu.memory_space<hbm>> -> memref<1x80x128xf32, #tpu.memory_space<hbm>>
      %dma_start3A_87 = tpu.memref_squeeze %dma_start3A_86 : memref<1x80x128xf32, #tpu.memory_space<hbm>> -> memref<80x128xf32, #tpu.memory_space<hbm>>
      %dma_start3A_88 = arith.constant 0 : i32
      %dma_start3A_89 = tpu.memref_slice %arg5[%arg0, %add3A_70, %dma_start3A_88] : memref<2x10240x128xf32, #tpu.memory_space<hbm>> -> memref<1x80x128xf32, #tpu.memory_space<hbm>>
      %dma_start3A_90 = tpu.memref_squeeze %dma_start3A_89 : memref<1x80x128xf32, #tpu.memory_space<hbm>> -> memref<80x128xf32, #tpu.memory_space<hbm>>
      tpu.enqueue_dma source(%arg11 : memref<80x128xf32, #tpu.memory_space<vmem>>) target(%dma_start3A_90 : memref<80x128xf32, #tpu.memory_space<hbm>>) target_semaphore(%run_scoped3A : memref<!tpu.dma_semaphore, #tpu.memory_space<semaphore_mem>>)
      %dma_wait3A_91 = arith.constant 0 : i32
      %dma_wait3A_92 = tpu.memref_slice %arg5[%arg0, %add3A_70, %dma_wait3A_91] : memref<2x10240x128xf32, #tpu.memory_space<hbm>> -> memref<1x80x128xf32, #tpu.memory_space<hbm>>
      %dma_wait3A_93 = tpu.memref_squeeze %dma_wait3A_92 : memref<1x80x128xf32, #tpu.memory_space<hbm>> -> memref<80x128xf32, #tpu.memory_space<hbm>>
      %dma_wait3A_94 = arith.constant 0 : i32
      %dma_wait3A_95 = tpu.memref_slice %arg5[%arg0, %add3A_70, %dma_wait3A_94] : memref<2x10240x128xf32, #tpu.memory_space<hbm>> -> memref<1x80x128xf32, #tpu.memory_space<hbm>>
      %dma_wait3A_96 = tpu.memref_squeeze %dma_wait3A_95 : memref<1x80x128xf32, #tpu.memory_space<hbm>> -> memref<80x128xf32, #tpu.memory_space<hbm>>
      tpu.wait_dma2 semaphore(%run_scoped3A : memref<!tpu.dma_semaphore, #tpu.memory_space<semaphore_mem>>) src(%arg11 : memref<80x128xf32, #tpu.memory_space<vmem>>) dst(%dma_wait3A_96 : memref<80x128xf32, #tpu.memory_space<hbm>>)
      tpu.yield
    }) : () -> ()
    %add3A_71 = arith.constant 80 : i32
    %add3A_72 = arith.addi %mul3A_10, %add3A_71 : i32
    "tpu.region"() ({
      %run_scoped3A = tpu.sem_alloc : memref<!tpu.dma_semaphore, #tpu.memory_space<semaphore_mem>>
      %dma_start3A_85 = arith.constant 0 : i32
      %dma_start3A_86 = tpu.memref_slice %arg13[%add3A_72, %dma_start3A_85] : memref<10240x128xf32, #tpu.memory_space<vmem_shared>> -> memref<80x128xf32, #tpu.memory_space<vmem_shared>>
      %dma_start3A_87 = arith.constant 0 : i32
      %dma_start3A_88 = tpu.memref_slice %arg13[%add3A_72, %dma_start3A_87] : memref<10240x128xf32, #tpu.memory_space<vmem_shared>> -> memref<80x128xf32, #tpu.memory_space<vmem_shared>>
      tpu.enqueue_dma source(%dma_start3A_88 : memref<80x128xf32, #tpu.memory_space<vmem_shared>>) target(%arg11 : memref<80x128xf32, #tpu.memory_space<vmem>>) target_semaphore(%run_scoped3A : memref<!tpu.dma_semaphore, #tpu.memory_space<semaphore_mem>>)
      %dma_wait3A_89 = arith.constant 0 : i32
      %dma_wait3A_90 = tpu.memref_slice %arg13[%add3A_72, %dma_wait3A_89] : memref<10240x128xf32, #tpu.memory_space<vmem_shared>> -> memref<80x128xf32, #tpu.memory_space<vmem_shared>>
      %dma_wait3A_91 = arith.constant 0 : i32
      %dma_wait3A_92 = tpu.memref_slice %arg13[%add3A_72, %dma_wait3A_91] : memref<10240x128xf32, #tpu.memory_space<vmem_shared>> -> memref<80x128xf32, #tpu.memory_space<vmem_shared>>
      tpu.wait_dma2 semaphore(%run_scoped3A : memref<!tpu.dma_semaphore, #tpu.memory_space<semaphore_mem>>) src(%dma_wait3A_92 : memref<80x128xf32, #tpu.memory_space<vmem_shared>>) dst(%arg11 : memref<80x128xf32, #tpu.memory_space<vmem>>)
      tpu.yield
    }) : () -> ()
    "tpu.region"() ({
      %run_scoped3A = tpu.sem_alloc : memref<!tpu.dma_semaphore, #tpu.memory_space<semaphore_mem>>
      %dma_start3A_85 = arith.constant 0 : i32
      %dma_start3A_86 = tpu.memref_slice %arg5[%arg0, %add3A_72, %dma_start3A_85] : memref<2x10240x128xf32, #tpu.memory_space<hbm>> -> memref<1x80x128xf32, #tpu.memory_space<hbm>>
      %dma_start3A_87 = tpu.memref_squeeze %dma_start3A_86 : memref<1x80x128xf32, #tpu.memory_space<hbm>> -> memref<80x128xf32, #tpu.memory_space<hbm>>
      %dma_start3A_88 = arith.constant 0 : i32
      %dma_start3A_89 = tpu.memref_slice %arg5[%arg0, %add3A_72, %dma_start3A_88] : memref<2x10240x128xf32, #tpu.memory_space<hbm>> -> memref<1x80x128xf32, #tpu.memory_space<hbm>>
      %dma_start3A_90 = tpu.memref_squeeze %dma_start3A_89 : memref<1x80x128xf32, #tpu.memory_space<hbm>> -> memref<80x128xf32, #tpu.memory_space<hbm>>
      tpu.enqueue_dma source(%arg11 : memref<80x128xf32, #tpu.memory_space<vmem>>) target(%dma_start3A_90 : memref<80x128xf32, #tpu.memory_space<hbm>>) target_semaphore(%run_scoped3A : memref<!tpu.dma_semaphore, #tpu.memory_space<semaphore_mem>>)
      %dma_wait3A_91 = arith.constant 0 : i32
      %dma_wait3A_92 = tpu.memref_slice %arg5[%arg0, %add3A_72, %dma_wait3A_91] : memref<2x10240x128xf32, #tpu.memory_space<hbm>> -> memref<1x80x128xf32, #tpu.memory_space<hbm>>
      %dma_wait3A_93 = tpu.memref_squeeze %dma_wait3A_92 : memref<1x80x128xf32, #tpu.memory_space<hbm>> -> memref<80x128xf32, #tpu.memory_space<hbm>>
      %dma_wait3A_94 = arith.constant 0 : i32
      %dma_wait3A_95 = tpu.memref_slice %arg5[%arg0, %add3A_72, %dma_wait3A_94] : memref<2x10240x128xf32, #tpu.memory_space<hbm>> -> memref<1x80x128xf32, #tpu.memory_space<hbm>>
      %dma_wait3A_96 = tpu.memref_squeeze %dma_wait3A_95 : memref<1x80x128xf32, #tpu.memory_space<hbm>> -> memref<80x128xf32, #tpu.memory_space<hbm>>
      tpu.wait_dma2 semaphore(%run_scoped3A : memref<!tpu.dma_semaphore, #tpu.memory_space<semaphore_mem>>) src(%arg11 : memref<80x128xf32, #tpu.memory_space<vmem>>) dst(%dma_wait3A_96 : memref<80x128xf32, #tpu.memory_space<hbm>>)
      tpu.yield
    }) : () -> ()
    %add3A_73 = arith.constant 160 : i32
    %add3A_74 = arith.addi %mul3A_10, %add3A_73 : i32
    "tpu.region"() ({
      %run_scoped3A = tpu.sem_alloc : memref<!tpu.dma_semaphore, #tpu.memory_space<semaphore_mem>>
      %dma_start3A_85 = arith.constant 0 : i32
      %dma_start3A_86 = tpu.memref_slice %arg13[%add3A_74, %dma_start3A_85] : memref<10240x128xf32, #tpu.memory_space<vmem_shared>> -> memref<80x128xf32, #tpu.memory_space<vmem_shared>>
      %dma_start3A_87 = arith.constant 0 : i32
      %dma_start3A_88 = tpu.memref_slice %arg13[%add3A_74, %dma_start3A_87] : memref<10240x128xf32, #tpu.memory_space<vmem_shared>> -> memref<80x128xf32, #tpu.memory_space<vmem_shared>>
      tpu.enqueue_dma source(%dma_start3A_88 : memref<80x128xf32, #tpu.memory_space<vmem_shared>>) target(%arg11 : memref<80x128xf32, #tpu.memory_space<vmem>>) target_semaphore(%run_scoped3A : memref<!tpu.dma_semaphore, #tpu.memory_space<semaphore_mem>>)
      %dma_wait3A_89 = arith.constant 0 : i32
      %dma_wait3A_90 = tpu.memref_slice %arg13[%add3A_74, %dma_wait3A_89] : memref<10240x128xf32, #tpu.memory_space<vmem_shared>> -> memref<80x128xf32, #tpu.memory_space<vmem_shared>>
      %dma_wait3A_91 = arith.constant 0 : i32
      %dma_wait3A_92 = tpu.memref_slice %arg13[%add3A_74, %dma_wait3A_91] : memref<10240x128xf32, #tpu.memory_space<vmem_shared>> -> memref<80x128xf32, #tpu.memory_space<vmem_shared>>
      tpu.wait_dma2 semaphore(%run_scoped3A : memref<!tpu.dma_semaphore, #tpu.memory_space<semaphore_mem>>) src(%dma_wait3A_92 : memref<80x128xf32, #tpu.memory_space<vmem_shared>>) dst(%arg11 : memref<80x128xf32, #tpu.memory_space<vmem>>)
      tpu.yield
    }) : () -> ()
    "tpu.region"() ({
      %run_scoped3A = tpu.sem_alloc : memref<!tpu.dma_semaphore, #tpu.memory_space<semaphore_mem>>
      %dma_start3A_85 = arith.constant 0 : i32
      %dma_start3A_86 = tpu.memref_slice %arg5[%arg0, %add3A_74, %dma_start3A_85] : memref<2x10240x128xf32, #tpu.memory_space<hbm>> -> memref<1x80x128xf32, #tpu.memory_space<hbm>>
      %dma_start3A_87 = tpu.memref_squeeze %dma_start3A_86 : memref<1x80x128xf32, #tpu.memory_space<hbm>> -> memref<80x128xf32, #tpu.memory_space<hbm>>
      %dma_start3A_88 = arith.constant 0 : i32
      %dma_start3A_89 = tpu.memref_slice %arg5[%arg0, %add3A_74, %dma_start3A_88] : memref<2x10240x128xf32, #tpu.memory_space<hbm>> -> memref<1x80x128xf32, #tpu.memory_space<hbm>>
      %dma_start3A_90 = tpu.memref_squeeze %dma_start3A_89 : memref<1x80x128xf32, #tpu.memory_space<hbm>> -> memref<80x128xf32, #tpu.memory_space<hbm>>
      tpu.enqueue_dma source(%arg11 : memref<80x128xf32, #tpu.memory_space<vmem>>) target(%dma_start3A_90 : memref<80x128xf32, #tpu.memory_space<hbm>>) target_semaphore(%run_scoped3A : memref<!tpu.dma_semaphore, #tpu.memory_space<semaphore_mem>>)
      %dma_wait3A_91 = arith.constant 0 : i32
      %dma_wait3A_92 = tpu.memref_slice %arg5[%arg0, %add3A_74, %dma_wait3A_91] : memref<2x10240x128xf32, #tpu.memory_space<hbm>> -> memref<1x80x128xf32, #tpu.memory_space<hbm>>
      %dma_wait3A_93 = tpu.memref_squeeze %dma_wait3A_92 : memref<1x80x128xf32, #tpu.memory_space<hbm>> -> memref<80x128xf32, #tpu.memory_space<hbm>>
      %dma_wait3A_94 = arith.constant 0 : i32
      %dma_wait3A_95 = tpu.memref_slice %arg5[%arg0, %add3A_74, %dma_wait3A_94] : memref<2x10240x128xf32, #tpu.memory_space<hbm>> -> memref<1x80x128xf32, #tpu.memory_space<hbm>>
      %dma_wait3A_96 = tpu.memref_squeeze %dma_wait3A_95 : memref<1x80x128xf32, #tpu.memory_space<hbm>> -> memref<80x128xf32, #tpu.memory_space<hbm>>
      tpu.wait_dma2 semaphore(%run_scoped3A : memref<!tpu.dma_semaphore, #tpu.memory_space<semaphore_mem>>) src(%arg11 : memref<80x128xf32, #tpu.memory_space<vmem>>) dst(%dma_wait3A_96 : memref<80x128xf32, #tpu.memory_space<hbm>>)
      tpu.yield
    }) : () -> ()
    %add3A_75 = arith.constant 240 : i32
    %add3A_76 = arith.addi %mul3A_10, %add3A_75 : i32
    "tpu.region"() ({
      %run_scoped3A = tpu.sem_alloc : memref<!tpu.dma_semaphore, #tpu.memory_space<semaphore_mem>>
      %dma_start3A_85 = arith.constant 0 : i32
      %dma_start3A_86 = tpu.memref_slice %arg13[%add3A_76, %dma_start3A_85] : memref<10240x128xf32, #tpu.memory_space<vmem_shared>> -> memref<80x128xf32, #tpu.memory_space<vmem_shared>>
      %dma_start3A_87 = arith.constant 0 : i32
      %dma_start3A_88 = tpu.memref_slice %arg13[%add3A_76, %dma_start3A_87] : memref<10240x128xf32, #tpu.memory_space<vmem_shared>> -> memref<80x128xf32, #tpu.memory_space<vmem_shared>>
      tpu.enqueue_dma source(%dma_start3A_88 : memref<80x128xf32, #tpu.memory_space<vmem_shared>>) target(%arg11 : memref<80x128xf32, #tpu.memory_space<vmem>>) target_semaphore(%run_scoped3A : memref<!tpu.dma_semaphore, #tpu.memory_space<semaphore_mem>>)
      %dma_wait3A_89 = arith.constant 0 : i32
      %dma_wait3A_90 = tpu.memref_slice %arg13[%add3A_76, %dma_wait3A_89] : memref<10240x128xf32, #tpu.memory_space<vmem_shared>> -> memref<80x128xf32, #tpu.memory_space<vmem_shared>>
      %dma_wait3A_91 = arith.constant 0 : i32
      %dma_wait3A_92 = tpu.memref_slice %arg13[%add3A_76, %dma_wait3A_91] : memref<10240x128xf32, #tpu.memory_space<vmem_shared>> -> memref<80x128xf32, #tpu.memory_space<vmem_shared>>
      tpu.wait_dma2 semaphore(%run_scoped3A : memref<!tpu.dma_semaphore, #tpu.memory_space<semaphore_mem>>) src(%dma_wait3A_92 : memref<80x128xf32, #tpu.memory_space<vmem_shared>>) dst(%arg11 : memref<80x128xf32, #tpu.memory_space<vmem>>)
      tpu.yield
    }) : () -> ()
    "tpu.region"() ({
      %run_scoped3A = tpu.sem_alloc : memref<!tpu.dma_semaphore, #tpu.memory_space<semaphore_mem>>
      %dma_start3A_85 = arith.constant 0 : i32
      %dma_start3A_86 = tpu.memref_slice %arg5[%arg0, %add3A_76, %dma_start3A_85] : memref<2x10240x128xf32, #tpu.memory_space<hbm>> -> memref<1x80x128xf32, #tpu.memory_space<hbm>>
      %dma_start3A_87 = tpu.memref_squeeze %dma_start3A_86 : memref<1x80x128xf32, #tpu.memory_space<hbm>> -> memref<80x128xf32, #tpu.memory_space<hbm>>
      %dma_start3A_88 = arith.constant 0 : i32
      %dma_start3A_89 = tpu.memref_slice %arg5[%arg0, %add3A_76, %dma_start3A_88] : memref<2x10240x128xf32, #tpu.memory_space<hbm>> -> memref<1x80x128xf32, #tpu.memory_space<hbm>>
      %dma_start3A_90 = tpu.memref_squeeze %dma_start3A_89 : memref<1x80x128xf32, #tpu.memory_space<hbm>> -> memref<80x128xf32, #tpu.memory_space<hbm>>
      tpu.enqueue_dma source(%arg11 : memref<80x128xf32, #tpu.memory_space<vmem>>) target(%dma_start3A_90 : memref<80x128xf32, #tpu.memory_space<hbm>>) target_semaphore(%run_scoped3A : memref<!tpu.dma_semaphore, #tpu.memory_space<semaphore_mem>>)
      %dma_wait3A_91 = arith.constant 0 : i32
      %dma_wait3A_92 = tpu.memref_slice %arg5[%arg0, %add3A_76, %dma_wait3A_91] : memref<2x10240x128xf32, #tpu.memory_space<hbm>> -> memref<1x80x128xf32, #tpu.memory_space<hbm>>
      %dma_wait3A_93 = tpu.memref_squeeze %dma_wait3A_92 : memref<1x80x128xf32, #tpu.memory_space<hbm>> -> memref<80x128xf32, #tpu.memory_space<hbm>>
      %dma_wait3A_94 = arith.constant 0 : i32
      %dma_wait3A_95 = tpu.memref_slice %arg5[%arg0, %add3A_76, %dma_wait3A_94] : memref<2x10240x128xf32, #tpu.memory_space<hbm>> -> memref<1x80x128xf32, #tpu.memory_space<hbm>>
      %dma_wait3A_96 = tpu.memref_squeeze %dma_wait3A_95 : memref<1x80x128xf32, #tpu.memory_space<hbm>> -> memref<80x128xf32, #tpu.memory_space<hbm>>
      tpu.wait_dma2 semaphore(%run_scoped3A : memref<!tpu.dma_semaphore, #tpu.memory_space<semaphore_mem>>) src(%arg11 : memref<80x128xf32, #tpu.memory_space<vmem>>) dst(%dma_wait3A_96 : memref<80x128xf32, #tpu.memory_space<hbm>>)
      tpu.yield
    }) : () -> ()
    %add3A_77 = arith.constant 320 : i32
    %add3A_78 = arith.addi %mul3A_10, %add3A_77 : i32
    "tpu.region"() ({
      %run_scoped3A = tpu.sem_alloc : memref<!tpu.dma_semaphore, #tpu.memory_space<semaphore_mem>>
      %dma_start3A_85 = arith.constant 0 : i32
      %dma_start3A_86 = tpu.memref_slice %arg13[%add3A_78, %dma_start3A_85] : memref<10240x128xf32, #tpu.memory_space<vmem_shared>> -> memref<80x128xf32, #tpu.memory_space<vmem_shared>>
      %dma_start3A_87 = arith.constant 0 : i32
      %dma_start3A_88 = tpu.memref_slice %arg13[%add3A_78, %dma_start3A_87] : memref<10240x128xf32, #tpu.memory_space<vmem_shared>> -> memref<80x128xf32, #tpu.memory_space<vmem_shared>>
      tpu.enqueue_dma source(%dma_start3A_88 : memref<80x128xf32, #tpu.memory_space<vmem_shared>>) target(%arg11 : memref<80x128xf32, #tpu.memory_space<vmem>>) target_semaphore(%run_scoped3A : memref<!tpu.dma_semaphore, #tpu.memory_space<semaphore_mem>>)
      %dma_wait3A_89 = arith.constant 0 : i32
      %dma_wait3A_90 = tpu.memref_slice %arg13[%add3A_78, %dma_wait3A_89] : memref<10240x128xf32, #tpu.memory_space<vmem_shared>> -> memref<80x128xf32, #tpu.memory_space<vmem_shared>>
      %dma_wait3A_91 = arith.constant 0 : i32
      %dma_wait3A_92 = tpu.memref_slice %arg13[%add3A_78, %dma_wait3A_91] : memref<10240x128xf32, #tpu.memory_space<vmem_shared>> -> memref<80x128xf32, #tpu.memory_space<vmem_shared>>
      tpu.wait_dma2 semaphore(%run_scoped3A : memref<!tpu.dma_semaphore, #tpu.memory_space<semaphore_mem>>) src(%dma_wait3A_92 : memref<80x128xf32, #tpu.memory_space<vmem_shared>>) dst(%arg11 : memref<80x128xf32, #tpu.memory_space<vmem>>)
      tpu.yield
    }) : () -> ()
    "tpu.region"() ({
      %run_scoped3A = tpu.sem_alloc : memref<!tpu.dma_semaphore, #tpu.memory_space<semaphore_mem>>
      %dma_start3A_85 = arith.constant 0 : i32
      %dma_start3A_86 = tpu.memref_slice %arg5[%arg0, %add3A_78, %dma_start3A_85] : memref<2x10240x128xf32, #tpu.memory_space<hbm>> -> memref<1x80x128xf32, #tpu.memory_space<hbm>>
      %dma_start3A_87 = tpu.memref_squeeze %dma_start3A_86 : memref<1x80x128xf32, #tpu.memory_space<hbm>> -> memref<80x128xf32, #tpu.memory_space<hbm>>
      %dma_start3A_88 = arith.constant 0 : i32
      %dma_start3A_89 = tpu.memref_slice %arg5[%arg0, %add3A_78, %dma_start3A_88] : memref<2x10240x128xf32, #tpu.memory_space<hbm>> -> memref<1x80x128xf32, #tpu.memory_space<hbm>>
      %dma_start3A_90 = tpu.memref_squeeze %dma_start3A_89 : memref<1x80x128xf32, #tpu.memory_space<hbm>> -> memref<80x128xf32, #tpu.memory_space<hbm>>
      tpu.enqueue_dma source(%arg11 : memref<80x128xf32, #tpu.memory_space<vmem>>) target(%dma_start3A_90 : memref<80x128xf32, #tpu.memory_space<hbm>>) target_semaphore(%run_scoped3A : memref<!tpu.dma_semaphore, #tpu.memory_space<semaphore_mem>>)
      %dma_wait3A_91 = arith.constant 0 : i32
      %dma_wait3A_92 = tpu.memref_slice %arg5[%arg0, %add3A_78, %dma_wait3A_91] : memref<2x10240x128xf32, #tpu.memory_space<hbm>> -> memref<1x80x128xf32, #tpu.memory_space<hbm>>
      %dma_wait3A_93 = tpu.memref_squeeze %dma_wait3A_92 : memref<1x80x128xf32, #tpu.memory_space<hbm>> -> memref<80x128xf32, #tpu.memory_space<hbm>>
      %dma_wait3A_94 = arith.constant 0 : i32
      %dma_wait3A_95 = tpu.memref_slice %arg5[%arg0, %add3A_78, %dma_wait3A_94] : memref<2x10240x128xf32, #tpu.memory_space<hbm>> -> memref<1x80x128xf32, #tpu.memory_space<hbm>>
      %dma_wait3A_96 = tpu.memref_squeeze %dma_wait3A_95 : memref<1x80x128xf32, #tpu.memory_space<hbm>> -> memref<80x128xf32, #tpu.memory_space<hbm>>
      tpu.wait_dma2 semaphore(%run_scoped3A : memref<!tpu.dma_semaphore, #tpu.memory_space<semaphore_mem>>) src(%arg11 : memref<80x128xf32, #tpu.memory_space<vmem>>) dst(%dma_wait3A_96 : memref<80x128xf32, #tpu.memory_space<hbm>>)
      tpu.yield
    }) : () -> ()
    %add3A_79 = arith.constant 400 : i32
    %add3A_80 = arith.addi %mul3A_10, %add3A_79 : i32
    "tpu.region"() ({
      %run_scoped3A = tpu.sem_alloc : memref<!tpu.dma_semaphore, #tpu.memory_space<semaphore_mem>>
      %dma_start3A_85 = arith.constant 0 : i32
      %dma_start3A_86 = tpu.memref_slice %arg13[%add3A_80, %dma_start3A_85] : memref<10240x128xf32, #tpu.memory_space<vmem_shared>> -> memref<80x128xf32, #tpu.memory_space<vmem_shared>>
      %dma_start3A_87 = arith.constant 0 : i32
      %dma_start3A_88 = tpu.memref_slice %arg13[%add3A_80, %dma_start3A_87] : memref<10240x128xf32, #tpu.memory_space<vmem_shared>> -> memref<80x128xf32, #tpu.memory_space<vmem_shared>>
      tpu.enqueue_dma source(%dma_start3A_88 : memref<80x128xf32, #tpu.memory_space<vmem_shared>>) target(%arg11 : memref<80x128xf32, #tpu.memory_space<vmem>>) target_semaphore(%run_scoped3A : memref<!tpu.dma_semaphore, #tpu.memory_space<semaphore_mem>>)
      %dma_wait3A_89 = arith.constant 0 : i32
      %dma_wait3A_90 = tpu.memref_slice %arg13[%add3A_80, %dma_wait3A_89] : memref<10240x128xf32, #tpu.memory_space<vmem_shared>> -> memref<80x128xf32, #tpu.memory_space<vmem_shared>>
      %dma_wait3A_91 = arith.constant 0 : i32
      %dma_wait3A_92 = tpu.memref_slice %arg13[%add3A_80, %dma_wait3A_91] : memref<10240x128xf32, #tpu.memory_space<vmem_shared>> -> memref<80x128xf32, #tpu.memory_space<vmem_shared>>
      tpu.wait_dma2 semaphore(%run_scoped3A : memref<!tpu.dma_semaphore, #tpu.memory_space<semaphore_mem>>) src(%dma_wait3A_92 : memref<80x128xf32, #tpu.memory_space<vmem_shared>>) dst(%arg11 : memref<80x128xf32, #tpu.memory_space<vmem>>)
      tpu.yield
    }) : () -> ()
    "tpu.region"() ({
      %run_scoped3A = tpu.sem_alloc : memref<!tpu.dma_semaphore, #tpu.memory_space<semaphore_mem>>
      %dma_start3A_85 = arith.constant 0 : i32
      %dma_start3A_86 = tpu.memref_slice %arg5[%arg0, %add3A_80, %dma_start3A_85] : memref<2x10240x128xf32, #tpu.memory_space<hbm>> -> memref<1x80x128xf32, #tpu.memory_space<hbm>>
      %dma_start3A_87 = tpu.memref_squeeze %dma_start3A_86 : memref<1x80x128xf32, #tpu.memory_space<hbm>> -> memref<80x128xf32, #tpu.memory_space<hbm>>
      %dma_start3A_88 = arith.constant 0 : i32
      %dma_start3A_89 = tpu.memref_slice %arg5[%arg0, %add3A_80, %dma_start3A_88] : memref<2x10240x128xf32, #tpu.memory_space<hbm>> -> memref<1x80x128xf32, #tpu.memory_space<hbm>>
      %dma_start3A_90 = tpu.memref_squeeze %dma_start3A_89 : memref<1x80x128xf32, #tpu.memory_space<hbm>> -> memref<80x128xf32, #tpu.memory_space<hbm>>
      tpu.enqueue_dma source(%arg11 : memref<80x128xf32, #tpu.memory_space<vmem>>) target(%dma_start3A_90 : memref<80x128xf32, #tpu.memory_space<hbm>>) target_semaphore(%run_scoped3A : memref<!tpu.dma_semaphore, #tpu.memory_space<semaphore_mem>>)
      %dma_wait3A_91 = arith.constant 0 : i32
      %dma_wait3A_92 = tpu.memref_slice %arg5[%arg0, %add3A_80, %dma_wait3A_91] : memref<2x10240x128xf32, #tpu.memory_space<hbm>> -> memref<1x80x128xf32, #tpu.memory_space<hbm>>
      %dma_wait3A_93 = tpu.memref_squeeze %dma_wait3A_92 : memref<1x80x128xf32, #tpu.memory_space<hbm>> -> memref<80x128xf32, #tpu.memory_space<hbm>>
      %dma_wait3A_94 = arith.constant 0 : i32
      %dma_wait3A_95 = tpu.memref_slice %arg5[%arg0, %add3A_80, %dma_wait3A_94] : memref<2x10240x128xf32, #tpu.memory_space<hbm>> -> memref<1x80x128xf32, #tpu.memory_space<hbm>>
      %dma_wait3A_96 = tpu.memref_squeeze %dma_wait3A_95 : memref<1x80x128xf32, #tpu.memory_space<hbm>> -> memref<80x128xf32, #tpu.memory_space<hbm>>
      tpu.wait_dma2 semaphore(%run_scoped3A : memref<!tpu.dma_semaphore, #tpu.memory_space<semaphore_mem>>) src(%arg11 : memref<80x128xf32, #tpu.memory_space<vmem>>) dst(%dma_wait3A_96 : memref<80x128xf32, #tpu.memory_space<hbm>>)
      tpu.yield
    }) : () -> ()
    %add3A_81 = arith.constant 480 : i32
    %add3A_82 = arith.addi %mul3A_10, %add3A_81 : i32
    "tpu.region"() ({
      %run_scoped3A = tpu.sem_alloc : memref<!tpu.dma_semaphore, #tpu.memory_space<semaphore_mem>>
      %dma_start3A_85 = arith.constant 0 : i32
      %dma_start3A_86 = tpu.memref_slice %arg13[%add3A_82, %dma_start3A_85] : memref<10240x128xf32, #tpu.memory_space<vmem_shared>> -> memref<80x128xf32, #tpu.memory_space<vmem_shared>>
      %dma_start3A_87 = arith.constant 0 : i32
      %dma_start3A_88 = tpu.memref_slice %arg13[%add3A_82, %dma_start3A_87] : memref<10240x128xf32, #tpu.memory_space<vmem_shared>> -> memref<80x128xf32, #tpu.memory_space<vmem_shared>>
      tpu.enqueue_dma source(%dma_start3A_88 : memref<80x128xf32, #tpu.memory_space<vmem_shared>>) target(%arg11 : memref<80x128xf32, #tpu.memory_space<vmem>>) target_semaphore(%run_scoped3A : memref<!tpu.dma_semaphore, #tpu.memory_space<semaphore_mem>>)
      %dma_wait3A_89 = arith.constant 0 : i32
      %dma_wait3A_90 = tpu.memref_slice %arg13[%add3A_82, %dma_wait3A_89] : memref<10240x128xf32, #tpu.memory_space<vmem_shared>> -> memref<80x128xf32, #tpu.memory_space<vmem_shared>>
      %dma_wait3A_91 = arith.constant 0 : i32
      %dma_wait3A_92 = tpu.memref_slice %arg13[%add3A_82, %dma_wait3A_91] : memref<10240x128xf32, #tpu.memory_space<vmem_shared>> -> memref<80x128xf32, #tpu.memory_space<vmem_shared>>
      tpu.wait_dma2 semaphore(%run_scoped3A : memref<!tpu.dma_semaphore, #tpu.memory_space<semaphore_mem>>) src(%dma_wait3A_92 : memref<80x128xf32, #tpu.memory_space<vmem_shared>>) dst(%arg11 : memref<80x128xf32, #tpu.memory_space<vmem>>)
      tpu.yield
    }) : () -> ()
    "tpu.region"() ({
      %run_scoped3A = tpu.sem_alloc : memref<!tpu.dma_semaphore, #tpu.memory_space<semaphore_mem>>
      %dma_start3A_85 = arith.constant 0 : i32
      %dma_start3A_86 = tpu.memref_slice %arg5[%arg0, %add3A_82, %dma_start3A_85] : memref<2x10240x128xf32, #tpu.memory_space<hbm>> -> memref<1x80x128xf32, #tpu.memory_space<hbm>>
      %dma_start3A_87 = tpu.memref_squeeze %dma_start3A_86 : memref<1x80x128xf32, #tpu.memory_space<hbm>> -> memref<80x128xf32, #tpu.memory_space<hbm>>
      %dma_start3A_88 = arith.constant 0 : i32
      %dma_start3A_89 = tpu.memref_slice %arg5[%arg0, %add3A_82, %dma_start3A_88] : memref<2x10240x128xf32, #tpu.memory_space<hbm>> -> memref<1x80x128xf32, #tpu.memory_space<hbm>>
      %dma_start3A_90 = tpu.memref_squeeze %dma_start3A_89 : memref<1x80x128xf32, #tpu.memory_space<hbm>> -> memref<80x128xf32, #tpu.memory_space<hbm>>
      tpu.enqueue_dma source(%arg11 : memref<80x128xf32, #tpu.memory_space<vmem>>) target(%dma_start3A_90 : memref<80x128xf32, #tpu.memory_space<hbm>>) target_semaphore(%run_scoped3A : memref<!tpu.dma_semaphore, #tpu.memory_space<semaphore_mem>>)
      %dma_wait3A_91 = arith.constant 0 : i32
      %dma_wait3A_92 = tpu.memref_slice %arg5[%arg0, %add3A_82, %dma_wait3A_91] : memref<2x10240x128xf32, #tpu.memory_space<hbm>> -> memref<1x80x128xf32, #tpu.memory_space<hbm>>
      %dma_wait3A_93 = tpu.memref_squeeze %dma_wait3A_92 : memref<1x80x128xf32, #tpu.memory_space<hbm>> -> memref<80x128xf32, #tpu.memory_space<hbm>>
      %dma_wait3A_94 = arith.constant 0 : i32
      %dma_wait3A_95 = tpu.memref_slice %arg5[%arg0, %add3A_82, %dma_wait3A_94] : memref<2x10240x128xf32, #tpu.memory_space<hbm>> -> memref<1x80x128xf32, #tpu.memory_space<hbm>>
      %dma_wait3A_96 = tpu.memref_squeeze %dma_wait3A_95 : memref<1x80x128xf32, #tpu.memory_space<hbm>> -> memref<80x128xf32, #tpu.memory_space<hbm>>
      tpu.wait_dma2 semaphore(%run_scoped3A : memref<!tpu.dma_semaphore, #tpu.memory_space<semaphore_mem>>) src(%arg11 : memref<80x128xf32, #tpu.memory_space<vmem>>) dst(%dma_wait3A_96 : memref<80x128xf32, #tpu.memory_space<hbm>>)
      tpu.yield
    }) : () -> ()
    %add3A_83 = arith.constant 560 : i32
    %add3A_84 = arith.addi %mul3A_10, %add3A_83 : i32
    "tpu.region"() ({
      %run_scoped3A = tpu.sem_alloc : memref<!tpu.dma_semaphore, #tpu.memory_space<semaphore_mem>>
      %dma_start3A_85 = arith.constant 0 : i32
      %dma_start3A_86 = tpu.memref_slice %arg13[%add3A_84, %dma_start3A_85] : memref<10240x128xf32, #tpu.memory_space<vmem_shared>> -> memref<80x128xf32, #tpu.memory_space<vmem_shared>>
      %dma_start3A_87 = arith.constant 0 : i32
      %dma_start3A_88 = tpu.memref_slice %arg13[%add3A_84, %dma_start3A_87] : memref<10240x128xf32, #tpu.memory_space<vmem_shared>> -> memref<80x128xf32, #tpu.memory_space<vmem_shared>>
      tpu.enqueue_dma source(%dma_start3A_88 : memref<80x128xf32, #tpu.memory_space<vmem_shared>>) target(%arg11 : memref<80x128xf32, #tpu.memory_space<vmem>>) target_semaphore(%run_scoped3A : memref<!tpu.dma_semaphore, #tpu.memory_space<semaphore_mem>>)
      %dma_wait3A_89 = arith.constant 0 : i32
      %dma_wait3A_90 = tpu.memref_slice %arg13[%add3A_84, %dma_wait3A_89] : memref<10240x128xf32, #tpu.memory_space<vmem_shared>> -> memref<80x128xf32, #tpu.memory_space<vmem_shared>>
      %dma_wait3A_91 = arith.constant 0 : i32
      %dma_wait3A_92 = tpu.memref_slice %arg13[%add3A_84, %dma_wait3A_91] : memref<10240x128xf32, #tpu.memory_space<vmem_shared>> -> memref<80x128xf32, #tpu.memory_space<vmem_shared>>
      tpu.wait_dma2 semaphore(%run_scoped3A : memref<!tpu.dma_semaphore, #tpu.memory_space<semaphore_mem>>) src(%dma_wait3A_92 : memref<80x128xf32, #tpu.memory_space<vmem_shared>>) dst(%arg11 : memref<80x128xf32, #tpu.memory_space<vmem>>)
      tpu.yield
    }) : () -> ()
    "tpu.region"() ({
      %run_scoped3A = tpu.sem_alloc : memref<!tpu.dma_semaphore, #tpu.memory_space<semaphore_mem>>
      %dma_start3A_85 = arith.constant 0 : i32
      %dma_start3A_86 = tpu.memref_slice %arg5[%arg0, %add3A_84, %dma_start3A_85] : memref<2x10240x128xf32, #tpu.memory_space<hbm>> -> memref<1x80x128xf32, #tpu.memory_space<hbm>>
      %dma_start3A_87 = tpu.memref_squeeze %dma_start3A_86 : memref<1x80x128xf32, #tpu.memory_space<hbm>> -> memref<80x128xf32, #tpu.memory_space<hbm>>
      %dma_start3A_88 = arith.constant 0 : i32
      %dma_start3A_89 = tpu.memref_slice %arg5[%arg0, %add3A_84, %dma_start3A_88] : memref<2x10240x128xf32, #tpu.memory_space<hbm>> -> memref<1x80x128xf32, #tpu.memory_space<hbm>>
      %dma_start3A_90 = tpu.memref_squeeze %dma_start3A_89 : memref<1x80x128xf32, #tpu.memory_space<hbm>> -> memref<80x128xf32, #tpu.memory_space<hbm>>
      tpu.enqueue_dma source(%arg11 : memref<80x128xf32, #tpu.memory_space<vmem>>) target(%dma_start3A_90 : memref<80x128xf32, #tpu.memory_space<hbm>>) target_semaphore(%run_scoped3A : memref<!tpu.dma_semaphore, #tpu.memory_space<semaphore_mem>>)
      %dma_wait3A_91 = arith.constant 0 : i32
      %dma_wait3A_92 = tpu.memref_slice %arg5[%arg0, %add3A_84, %dma_wait3A_91] : memref<2x10240x128xf32, #tpu.memory_space<hbm>> -> memref<1x80x128xf32, #tpu.memory_space<hbm>>
      %dma_wait3A_93 = tpu.memref_squeeze %dma_wait3A_92 : memref<1x80x128xf32, #tpu.memory_space<hbm>> -> memref<80x128xf32, #tpu.memory_space<hbm>>
      %dma_wait3A_94 = arith.constant 0 : i32
      %dma_wait3A_95 = tpu.memref_slice %arg5[%arg0, %add3A_84, %dma_wait3A_94] : memref<2x10240x128xf32, #tpu.memory_space<hbm>> -> memref<1x80x128xf32, #tpu.memory_space<hbm>>
      %dma_wait3A_96 = tpu.memref_squeeze %dma_wait3A_95 : memref<1x80x128xf32, #tpu.memory_space<hbm>> -> memref<80x128xf32, #tpu.memory_space<hbm>>
      tpu.wait_dma2 semaphore(%run_scoped3A : memref<!tpu.dma_semaphore, #tpu.memory_space<semaphore_mem>>) src(%arg11 : memref<80x128xf32, #tpu.memory_space<vmem>>) dst(%dma_wait3A_96 : memref<80x128xf32, #tpu.memory_space<hbm>>)
      tpu.yield
    }) : () -> ()
    return
  }
}

module attributes {stable_mosaic.version = 14 : i64} {
  func.func @body(%arg0: i32, %arg1: memref<2x1000x128xf32, #tpu.memory_space<vmem>>, %arg2: memref<1000x32xf32, #tpu.memory_space<vmem>>, %arg3: memref<1000x128xf32, #tpu.memory_space<vmem>>, %arg4: memref<128x128xf32, #tpu.memory_space<vmem>>, %arg5: memref<1x128xf32, #tpu.memory_space<vmem>>, %arg6: memref<128x128xf32, #tpu.memory_space<vmem>>, %arg7: memref<1000x128xf32, #tpu.memory_space<vmem>>) attributes {dimension_semantics = [#tpu.dimension_semantics<arbitrary>], iteration_bounds = array<i64: 10>, scalar_prefetch = 0 : i64, scratch_operands = 0 : i64, tpu.core_type = #tpu.core_type<tc>, window_params = [{transform_indices = @transform_0, window_bounds = array<i64: 2, 1000, 128>}, {transform_indices = @transform_1, window_bounds = array<i64: 1000, 32>}, {transform_indices = @transform_2, window_bounds = array<i64: 1000, 128>}, {pipeline_mode = #tpu.pipeline_mode<synchronous>, transform_indices = @transform_3, window_bounds = array<i64: 128, 128>}, {pipeline_mode = #tpu.pipeline_mode<synchronous>, transform_indices = @transform_4, window_bounds = array<i64: 1, 128>}, {pipeline_mode = #tpu.pipeline_mode<synchronous>, transform_indices = @transform_5, window_bounds = array<i64: 128, 128>}, {transform_indices = @transform_6, window_bounds = array<i64: 1000, 128>}]} {
    %get3A = arith.constant 0 : index
    %get3A_0 = arith.constant 0 : index
    %get3A_1 = vector.load %arg2[%get3A, %get3A_0] : memref<1000x32xf32, #tpu.memory_space<vmem>>, vector<1000x32xf32>
    %reduce_sum3A = arith.constant dense<0.000000e+00> : vector<1000xf32>
    %reduce_sum3A_2 = vector.multi_reduction <add>, %get3A_1, %reduce_sum3A [1] : vector<1000x32xf32> to vector<1000xf32>
    %max3A = arith.constant 1.000000e+00 : f32
    %max3A_3 = vector.broadcast %max3A : f32 to vector<1000xf32>
    %max3A_4 = arith.maximumf %reduce_sum3A_2, %max3A_3 : vector<1000xf32>
    %div3A = arith.constant 1.000000e+00 : f32
    %div3A_5 = vector.broadcast %div3A : f32 to vector<1000xf32>
    %div3A_6 = arith.divf %div3A_5, %max3A_4 : vector<1000xf32>
    %get3A_7 = arith.constant 0 : index
    %get3A_8 = arith.constant 0 : index
    %get3A_9 = arith.constant 0 : index
    %get3A_10 = vector.load %arg1[%get3A_7, %get3A_8, %get3A_9] : memref<2x1000x128xf32, #tpu.memory_space<vmem>>, vector<1x1000x128xf32>
    %get3A_11 = vector.shape_cast %get3A_10 : vector<1x1000x128xf32> to vector<1000x128xf32>
    %get3A_12 = arith.constant 1 : index
    %get3A_13 = arith.constant 0 : index
    %get3A_14 = arith.constant 0 : index
    %get3A_15 = vector.load %arg1[%get3A_12, %get3A_13, %get3A_14] : memref<2x1000x128xf32, #tpu.memory_space<vmem>>, vector<1x1000x128xf32>
    %get3A_16 = vector.shape_cast %get3A_15 : vector<1x1000x128xf32> to vector<1000x128xf32>
    %add3A = arith.addf %get3A_11, %get3A_16 : vector<1000x128xf32>
    %broadcast_in_dim3A = vector.shape_cast %div3A_6 : vector<1000xf32> to vector<1000x1xf32>
    %mul3A = vector.broadcast %broadcast_in_dim3A : vector<1000x1xf32> to vector<1000x128xf32>
    %mul3A_17 = arith.mulf %add3A, %mul3A : vector<1000x128xf32>
    %get3A_18 = arith.constant 0 : index
    %get3A_19 = arith.constant 0 : index
    %get3A_20 = vector.load %arg4[%get3A_18, %get3A_19] : memref<128x128xf32, #tpu.memory_space<vmem>>, vector<128x128xf32>
    %dot_general3A = arith.constant dense<0.000000e+00> : vector<1000x128xf32>
    %dot_general3A_21 = tpu.matmul %mul3A_17, %get3A_20, %dot_general3A {dimension_numbers = #tpu.dot_dimension_numbers<[1], [1], [0], [0], [0, 0, 1, 0], [], []>, transpose_lhs_hint = false} : vector<1000x128xf32>, vector<128x128xf32>, vector<1000x128xf32> -> vector<1000x128xf32>
    %get3A_22 = arith.constant 0 : index
    %get3A_23 = arith.constant 0 : index
    %get3A_24 = vector.load %arg5[%get3A_22, %get3A_23] : memref<1x128xf32, #tpu.memory_space<vmem>>, vector<1x128xf32>
    %add3A_25 = vector.broadcast %get3A_24 : vector<1x128xf32> to vector<1000x128xf32>
    %add3A_26 = arith.addf %dot_general3A_21, %add3A_25 : vector<1000x128xf32>
    %get3A_27 = arith.constant 0 : index
    %get3A_28 = arith.constant 0 : index
    %get3A_29 = vector.load %arg3[%get3A_27, %get3A_28] : memref<1000x128xf32, #tpu.memory_space<vmem>>, vector<1000x128xf32>
    %get3A_30 = arith.constant 0 : index
    %get3A_31 = arith.constant 0 : index
    %get3A_32 = vector.load %arg6[%get3A_30, %get3A_31] : memref<128x128xf32, #tpu.memory_space<vmem>>, vector<128x128xf32>
    %dot_general3A_33 = arith.constant dense<0.000000e+00> : vector<1000x128xf32>
    %dot_general3A_34 = tpu.matmul %get3A_29, %get3A_32, %dot_general3A_33 {dimension_numbers = #tpu.dot_dimension_numbers<[1], [1], [0], [0], [0, 0, 1, 0], [], []>, transpose_lhs_hint = false} : vector<1000x128xf32>, vector<128x128xf32>, vector<1000x128xf32> -> vector<1000x128xf32>
    %add3A_35 = arith.addf %add3A_26, %dot_general3A_34 : vector<1000x128xf32>
    %max3A_36 = arith.constant 0.000000e+00 : f32
    %max3A_37 = vector.broadcast %max3A_36 : f32 to vector<1000x128xf32>
    %max3A_38 = arith.maximumf %add3A_35, %max3A_37 : vector<1000x128xf32>
    %swap3A = arith.constant 0 : index
    %swap3A_39 = arith.constant 0 : index
    %swap3A_40 = vector.load %arg7[%swap3A, %swap3A_39] : memref<1000x128xf32, #tpu.memory_space<vmem>>, vector<1000x128xf32>
    tpu.vector_store %arg7[%swap3A, %swap3A_39], %max3A_38 {strides = array<i32>} : memref<1000x128xf32, #tpu.memory_space<vmem>>, vector<1000x128xf32>,
    return
  }
  func.func @transform_0(%arg0: i32) -> (i32, i32, i32) {
    %c0_i32 = arith.constant 0 : i32
    %c0_i32_0 = arith.constant 0 : i32
    %c0_i32_1 = arith.constant 0 : i32
    return %c0_i32, %arg0, %c0_i32_0 : i32, i32, i32
  }
  func.func @transform_1(%arg0: i32) -> (i32, i32) {
    %c0_i32 = arith.constant 0 : i32
    %c0_i32_0 = arith.constant 0 : i32
    return %arg0, %c0_i32 : i32, i32
  }
  func.func @transform_2(%arg0: i32) -> (i32, i32) {
    %c0_i32 = arith.constant 0 : i32
    %c0_i32_0 = arith.constant 0 : i32
    return %arg0, %c0_i32 : i32, i32
  }
  func.func @transform_3(%arg0: i32) -> (i32, i32) {
    %c0_i32 = arith.constant 0 : i32
    %c0_i32_0 = arith.constant 0 : i32
    %c0_i32_1 = arith.constant 0 : i32
    return %c0_i32, %c0_i32_0 : i32, i32
  }
  func.func @transform_4(%arg0: i32) -> (i32, i32) {
    %c0_i32 = arith.constant 0 : i32
    %c0_i32_0 = arith.constant 0 : i32
    %c0_i32_1 = arith.constant 0 : i32
    return %c0_i32, %c0_i32_0 : i32, i32
  }
  func.func @transform_5(%arg0: i32) -> (i32, i32) {
    %c0_i32 = arith.constant 0 : i32
    %c0_i32_0 = arith.constant 0 : i32
    %c0_i32_1 = arith.constant 0 : i32
    return %c0_i32, %c0_i32_0 : i32, i32
  }
  func.func @transform_6(%arg0: i32) -> (i32, i32) {
    %c0_i32 = arith.constant 0 : i32
    %c0_i32_0 = arith.constant 0 : i32
    return %arg0, %c0_i32 : i32, i32
  }
}

module attributes {stable_mosaic.version = 14 : i64} {
  func.func @body(%arg0: i32, %arg1: memref<2x1000x128xf32, #tpu.memory_space<vmem>>, %arg2: memref<1000x32xf32, #tpu.memory_space<vmem>>, %arg3: memref<1000x128xf32, #tpu.memory_space<vmem>>, %arg4: memref<128x128xf32, #tpu.memory_space<vmem>>, %arg5: memref<1x128xf32, #tpu.memory_space<vmem>>, %arg6: memref<128x128xf32, #tpu.memory_space<vmem>>, %arg7: memref<1000x128xf32, #tpu.memory_space<vmem>>) attributes {dimension_semantics = [#tpu.dimension_semantics<arbitrary>], iteration_bounds = array<i64: 10>, scalar_prefetch = 0 : i64, scratch_operands = 0 : i64, tpu.core_type = #tpu.core_type<tc>, window_params = [{transform_indices = @transform_0, window_bounds = array<i64: 2, 1000, 128>}, {transform_indices = @transform_1, window_bounds = array<i64: 1000, 32>}, {transform_indices = @transform_2, window_bounds = array<i64: 1000, 128>}, {pipeline_mode = #tpu.pipeline_mode<synchronous>, transform_indices = @transform_3, window_bounds = array<i64: 128, 128>}, {pipeline_mode = #tpu.pipeline_mode<synchronous>, transform_indices = @transform_4, window_bounds = array<i64: 1, 128>}, {pipeline_mode = #tpu.pipeline_mode<synchronous>, transform_indices = @transform_5, window_bounds = array<i64: 128, 128>}, {transform_indices = @transform_6, window_bounds = array<i64: 1000, 128>}]} {
    %get3A = arith.constant 0 : index
    %get3A_0 = arith.constant 0 : index
    %get3A_1 = vector.load %arg2[%get3A, %get3A_0] : memref<1000x32xf32, #tpu.memory_space<vmem>>, vector<1000x32xf32>
    %reduce_sum3A = arith.constant dense<0.000000e+00> : vector<1000xf32>
    %reduce_sum3A_2 = vector.multi_reduction <add>, %get3A_1, %reduce_sum3A [1] : vector<1000x32xf32> to vector<1000xf32>
    %max3A = arith.constant 1.000000e+00 : f32
    %max3A_3 = vector.broadcast %max3A : f32 to vector<1000xf32>
    %max3A_4 = arith.maximumf %reduce_sum3A_2, %max3A_3 : vector<1000xf32>
    %div3A = arith.constant 1.000000e+00 : f32
    %div3A_5 = vector.broadcast %div3A : f32 to vector<1000xf32>
    %div3A_6 = arith.divf %div3A_5, %max3A_4 : vector<1000xf32>
    %get3A_7 = arith.constant 0 : index
    %get3A_8 = arith.constant 0 : index
    %get3A_9 = arith.constant 0 : index
    %get3A_10 = vector.load %arg1[%get3A_7, %get3A_8, %get3A_9] : memref<2x1000x128xf32, #tpu.memory_space<vmem>>, vector<1x1000x128xf32>
    %get3A_11 = vector.shape_cast %get3A_10 : vector<1x1000x128xf32> to vector<1000x128xf32>
    %get3A_12 = arith.constant 1 : index
    %get3A_13 = arith.constant 0 : index
    %get3A_14 = arith.constant 0 : index
    %get3A_15 = vector.load %arg1[%get3A_12, %get3A_13, %get3A_14] : memref<2x1000x128xf32, #tpu.memory_space<vmem>>, vector<1x1000x128xf32>
    %get3A_16 = vector.shape_cast %get3A_15 : vector<1x1000x128xf32> to vector<1000x128xf32>
    %add3A = arith.addf %get3A_11, %get3A_16 : vector<1000x128xf32>
    %broadcast_in_dim3A = vector.shape_cast %div3A_6 : vector<1000xf32> to vector<1000x1xf32>
    %mul3A = vector.broadcast %broadcast_in_dim3A : vector<1000x1xf32> to vector<1000x128xf32>
    %mul3A_17 = arith.mulf %add3A, %mul3A : vector<1000x128xf32>
    %get3A_18 = arith.constant 0 : index
    %get3A_19 = arith.constant 0 : index
    %get3A_20 = vector.load %arg4[%get3A_18, %get3A_19] : memref<128x128xf32, #tpu.memory_space<vmem>>, vector<128x128xf32>
    %dot_general3A = arith.constant dense<0.000000e+00> : vector<1000x128xf32>
    %dot_general3A_21 = tpu.matmul %mul3A_17, %get3A_20, %dot_general3A {dimension_numbers = #tpu.dot_dimension_numbers<[1], [1], [0], [0], [0, 0, 1, 0], [], []>, transpose_lhs_hint = false} : vector<1000x128xf32>, vector<128x128xf32>, vector<1000x128xf32> -> vector<1000x128xf32>
    %get3A_22 = arith.constant 0 : index
    %get3A_23 = arith.constant 0 : index
    %get3A_24 = vector.load %arg5[%get3A_22, %get3A_23] : memref<1x128xf32, #tpu.memory_space<vmem>>, vector<1x128xf32>
    %add3A_25 = vector.broadcast %get3A_24 : vector<1x128xf32> to vector<1000x128xf32>
    %add3A_26 = arith.addf %dot_general3A_21, %add3A_25 : vector<1000x128xf32>
    %get3A_27 = arith.constant 0 : index
    %get3A_28 = arith.constant 0 : index
    %get3A_29 = vector.load %arg3[%get3A_27, %get3A_28] : memref<1000x128xf32, #tpu.memory_space<vmem>>, vector<1000x128xf32>
    %get3A_30 = arith.constant 0 : index
    %get3A_31 = arith.constant 0 : index
    %get3A_32 = vector.load %arg6[%get3A_30, %get3A_31] : memref<128x128xf32, #tpu.memory_space<vmem>>, vector<128x128xf32>
    %dot_general3A_33 = arith.constant dense<0.000000e+00> : vector<1000x128xf32>
    %dot_general3A_34 = tpu.matmul %get3A_29, %get3A_32, %dot_general3A_33 {dimension_numbers = #tpu.dot_dimension_numbers<[1], [1], [0], [0], [0, 0, 1, 0], [], []>, transpose_lhs_hint = false} : vector<1000x128xf32>, vector<128x128xf32>, vector<1000x128xf32> -> vector<1000x128xf32>
    %add3A_35 = arith.addf %add3A_26, %dot_general3A_34 : vector<1000x128xf32>
    %swap3A = arith.constant 0 : index
    %swap3A_36 = arith.constant 0 : index
    %swap3A_37 = vector.load %arg7[%swap3A, %swap3A_36] : memref<1000x128xf32, #tpu.memory_space<vmem>>, vector<1000x128xf32>
    tpu.vector_store %arg7[%swap3A, %swap3A_36], %add3A_35 {strides = array<i32>} : memref<1000x128xf32, #tpu.memory_space<vmem>>, vector<1000x128xf32>,
    return
  }
  func.func @transform_0(%arg0: i32) -> (i32, i32, i32) {
    %c0_i32 = arith.constant 0 : i32
    %c0_i32_0 = arith.constant 0 : i32
    %c0_i32_1 = arith.constant 0 : i32
    return %c0_i32, %arg0, %c0_i32_0 : i32, i32, i32
  }
  func.func @transform_1(%arg0: i32) -> (i32, i32) {
    %c0_i32 = arith.constant 0 : i32
    %c0_i32_0 = arith.constant 0 : i32
    return %arg0, %c0_i32 : i32, i32
  }
  func.func @transform_2(%arg0: i32) -> (i32, i32) {
    %c0_i32 = arith.constant 0 : i32
    %c0_i32_0 = arith.constant 0 : i32
    return %arg0, %c0_i32 : i32, i32
  }
  func.func @transform_3(%arg0: i32) -> (i32, i32) {
    %c0_i32 = arith.constant 0 : i32
    %c0_i32_0 = arith.constant 0 : i32
    %c0_i32_1 = arith.constant 0 : i32
    return %c0_i32, %c0_i32_0 : i32, i32
  }
  func.func @transform_4(%arg0: i32) -> (i32, i32) {
    %c0_i32 = arith.constant 0 : i32
    %c0_i32_0 = arith.constant 0 : i32
    %c0_i32_1 = arith.constant 0 : i32
    return %c0_i32, %c0_i32_0 : i32, i32
  }
  func.func @transform_5(%arg0: i32) -> (i32, i32) {
    %c0_i32 = arith.constant 0 : i32
    %c0_i32_0 = arith.constant 0 : i32
    %c0_i32_1 = arith.constant 0 : i32
    return %c0_i32, %c0_i32_0 : i32, i32
  }
  func.func @transform_6(%arg0: i32) -> (i32, i32) {
    %c0_i32 = arith.constant 0 : i32
    %c0_i32_0 = arith.constant 0 : i32
    return %arg0, %c0_i32 : i32, i32
  }
}

</mosaic_0001>

<sc_bundles>
// kernel: kernel.6.cloned.1.call-start
scs
__scs_entry_jumppad:
0x0: {  	(pc) =	sbr.rel $0x88, $3  }
0x1: {  	(tag) =	ssettag $0x0;
	lr =	simm.s32 $0x1  }
0x2: {  	[smem:$0x3F99] =	sst lr;
	_ =	strace $0xD0000000  }
0x3: {  	_ = 	snop  }
0x4: {  	_ = 	snop  }
0x5: {  	_ = 	snop  }
0x6: {  	_ = 	snop  }
0x7: {  	_ = 	snop  }
__scs_overlays_trampoline_lowered:
0x8: {  	[smem:$0x3FA8] =	sst s0  }
0x9: {  	[smem:$0x3FA9] =	sst s1  }
0xa: {  	[smem:$0x3FAA] =	sst s2  }
0xb: {  	[smem:$0x3FAB] =	sst s3  }
0xc: {  	[smem:$0x3FAC] =	sst s4  }
0xd: {  	[smem:$0x3FAD] =	sst s5  }
0xe: {  	[smem:$0x3FAE] =	sst s6  }
0xf: {  	[smem:$0x3FAF] =	sst s7  }
0x10: {  	[smem:$0x3FB0] =	sst s8  }
0x11: {  	[smem:$0x3FB1] =	sst s9;
	s0 =	simm.s32 @!p0 $0x0  }
0x12: {  	s1 =	sld [smem:$0x3F97];
	s0 =	simm.s32 @p0 $0x1  }
0x13: {  	[smem:$0x3FB2] =	sst s0;
	s0 =	simm.s32 @!p1 $0x0  }
0x14: {  	s2 =	sld [smem:$0x3F96];
	s0 =	simm.s32 @p1 $0x1  }
0x15: {  	[smem:$0x3FB3] =	sst s0;
	s0 =	simm.s32 @!p2 $0x0  }
0x16: {  	s3 =	sld [smem:$0x3FDB];
	s0 =	simm.s32 @p2 $0x1  }
0x17: {  	s4 =	simm.s32 $0x1BF5;
	[smem:$0x3FB5] =	sst s0  }
0x18: {  	s0 =	sld [smem:$0x3F98];
	_ =	swait.ge [sflag:s4], $0x0  }
0x19: {  	s7 =	sld [smem:$0x3F99]  }
0x1a: {  	s8 =	sadd.s32 $0xFFFFE003, lr  }
0x1b: {  	s9 =	sadd.s32 $0xFFFFFEF7, lr;
	s5 =	simm.s32 $0xFFFFFFFF;
	p2 =	slt.u32 s8, $0xFFFFF086  }
0x1c: {  	p1 =	slt.u32 s9, $0xF7A;
	s5 =	simm.s32 @!p2 $0x0  }
0x1d: {  	s5 =	simm.s32 @p1 $0x1;
	p0 =	seq.s32 s7, s2  }
0x1e: {  	s7 =	smul.u32 @!p0 $0xF7A, s2;
	p2 =	seq.s32 @!p0 s5, $0x0  }
0x1f: {  	s9 =	smul.u32 $0xF7A, s1;
	s8 =	simm.s32 @!p0 $0x1BF5;
	p2 =	por !p2, p0  }
0x20: {  	[sflag:s8] =	ssyncset.s32 @!p0 $0xFFFFF086;
	s6 =	sadd.s32 @!p0 s3, s7;
	s7 =	simm.s32 @!p0 $0x108  }
0x21: {  	s3 =	sadd.s32 s3, s9;
	s6 =	sadd.s32 @!p0 $0x88, s6;
	s7 =	simm.s32 @p2 $0x1082  }
0x22: {  	[simem:s7], [sflag:s8] =	dma.local @!p0 [hbm:s6], $0xF7A  }
0x23: {  	s9 =	sor.u32 $0xD0000000, s2;
	s6 =	simm.s32 $0x108;
	_ =	swait.ge @!p0 [sflag:s8], $0x0  }
0x24: {  	s3 =	sadd.s32 $0x88, s3;
	s6 =	simm.s32 @!p1 $0x1082;
	[sflag:s4] =	ssyncset.s32 $0xFFFFF086  }
0x25: {  	[simem:s6], [sflag:s4] =	dma.local [hbm:s3], $0xF7A  }
0x26: {  	[smem:$0x3F99] =	sst s1;
	(tag) =	ssettag s2;
	_ =	strace s9  }
0x27: {  	s1 =	sld [smem:$0x3FA9]  }
0x28: {  	s2 =	sld [smem:$0x3FAA]  }
0x29: {  	s4 =	sld [smem:$0x3FAC]  }
0x2a: {  	p0 =	seq.s32 s5, $0x0;
	s5 =	sld [smem:$0x3FAD]  }
0x2b: {  	s6 =	sld [smem:$0x3FAE]  }
0x2c: {  	s7 =	sld [smem:$0x3FAF]  }
0x2d: {  	s3 =	simm.s32 $0x108;
	s8 =	sld [smem:$0x3FB0]  }
0x2e: {  	s3 =	simm.s32 @!p0 $0x1082;
	s9 =	sld [smem:$0x3FB1]  }
0x2f: {  	lr =	sadd.s32 s0, s3;
	s0 =	sld [smem:$0x3FA8]  }
0x30: {  	s3 =	sld [smem:$0x3FAB]  }
0x31: {  	[smem:$0x3FB4] =	sst s10  }
0x32: {  	s10 =	sld [smem:$0x3FB2];
	_ =	sdelay $0x3  }
0x33: {  	p0 =	seq.s32 s10, $0x1;
	s10 =	sld [smem:$0x3FB4];
	_ =	sdelay $0x3  }
0x34: {  	[smem:$0x3FB4] =	sst s10  }
0x35: {  	s10 =	sld [smem:$0x3FB3];
	_ =	sdelay $0x3  }
0x36: {  	p1 =	seq.s32 s10, $0x1;
	s10 =	sld [smem:$0x3FB4];
	_ =	sdelay $0x3  }
0x37: {  	[smem:$0x3FB4] =	sst s10  }
0x38: {  	s10 =	sld [smem:$0x3FB5]  }
0x39: {  	_ = 	snop;
	(pc) =	sbr.ind lr, $3  }
0x3a: {  	_ = 	snop  }
0x3b: {  	_ = 	snop  }
0x3c: {  	p2 =	seq.s32 s10, $0x1;
	s10 =	sld [smem:$0x3FB4]  }
0x3d: {  	_ =	shalt  }
0x3e: {  	_ =	shalt  }
0x3f: {  	_ =	shalt  }
0x40: {  	_ =	shalt  }
0x41: {  	_ =	shalt  }
0x42: {  	_ =	shalt  }
0x43: {  	_ =	shalt  }
0x44: {  	_ =	shalt  }
0x45: {  	_ =	shalt  }
0x46: {  	_ =	shalt  }
0x47: {  	_ =	shalt  }
0x48: {  	_ =	shalt  }
0x49: {  	_ =	shalt  }
0x4a: {  	_ =	shalt  }
0x4b: {  	_ =	shalt  }
0x4c: {  	_ =	shalt  }
0x4d: {  	_ =	shalt  }
0x4e: {  	_ =	shalt  }
0x4f: {  	_ =	shalt  }
0x50: {  	_ =	shalt  }
0x51: {  	_ =	shalt  }
0x52: {  	_ =	shalt  }
0x53: {  	_ =	shalt  }
0x54: {  	_ =	shalt  }
0x55: {  	_ =	shalt  }
0x56: {  	_ =	shalt  }
0x57: {  	_ =	shalt  }
0x58: {  	_ =	shalt  }
0x59: {  	_ =	shalt  }
0x5a: {  	_ =	shalt  }
0x5b: {  	_ =	shalt  }
0x5c: {  	_ =	shalt  }
0x5d: {  	_ =	shalt  }
0x5e: {  	_ =	shalt  }
0x5f: {  	_ =	shalt  }
0x60: {  	_ =	shalt  }
0x61: {  	_ =	shalt  }
0x62: {  	_ =	shalt  }
0x63: {  	_ =	shalt  }
0x64: {  	_ =	shalt  }
0x65: {  	_ =	shalt  }
0x66: {  	_ =	shalt  }
0x67: {  	_ =	shalt  }
0x68: {  	_ =	shalt  }
0x69: {  	_ =	shalt  }
0x6a: {  	_ =	shalt  }
0x6b: {  	_ =	shalt  }
0x6c: {  	_ =	shalt  }
0x6d: {  	_ =	shalt  }
0x6e: {  	_ =	shalt  }
0x6f: {  	_ =	shalt  }
0x70: {  	_ =	shalt  }
0x71: {  	_ =	shalt  }
0x72: {  	_ =	shalt  }
0x73: {  	_ =	shalt  }
0x74: {  	_ =	shalt  }
0x75: {  	_ =	shalt  }
0x76: {  	_ =	shalt  }
0x77: {  	_ =	shalt  }
0x78: {  	_ =	shalt  }
0x79: {  	_ =	shalt  }
0x7a: {  	_ =	shalt  }
0x7b: {  	_ =	shalt  }
0x7c: {  	_ =	shalt  }
0x7d: {  	_ =	shalt  }
0x7e: {  	_ =	shalt  }
0x7f: {  	_ =	shalt  }
0x80: {  	_ =	shalt  }
0x81: {  	_ =	shalt  }
0x82: {  	_ =	shalt  }
0x83: {  	_ =	shalt  }
0x84: {  	_ =	shalt  }
0x85: {  	_ =	shalt  }
0x86: {  	_ =	shalt  }
0x87: {  	_ =	shalt  }
.Lfunc_end0:
.L_simem_size_0:
called_computation_lowered:
.L_overlay_start_0:
0x88: {  	s2 =	sld [smem:$0x3FD9]  }
0x89: {  	s3 =	sld [smem:$0x3FFE];
	_ =	sdelay $0x1  }
0x8a: {  	s1 =	srdreg.scid  }
0x8b: {  	s0 =	sand.u32 $0x1, s1  }
0x8c: {  	s14 =	sshll.u32 s0, $0xA;
	s2 =	sadd.s32 s3, s2  }
0x8d: {  	s2 =	sadd.s32 s2, s14  }
0x8e: {  	[smem:$0x3FC0] =	sst s2  }
0x8f: {  	_ = 	snop  }
0x90: {  	s2 =	sld [smem:$0x3FD0];
	_ =	sdelay $0x2  }
0x91: {  	s4 =	simm.s32 $0xA;
	s5 =	simm.s32 $0x10;
	s15 =	sld [smem:$0x3FC9]  }
0x92: {  	[smem:s5], [sflag:s4] =	dma.local [hbm:s2], $0x1  }
0x93: {  	_ =	swait.eq [sflag:s4], $0x1  }
0x94: {  	[sflag:s4] =	ssyncset.done $0x0  }
0x95: {  	s16 =	sld [smem:$0x10];
	[sflag:s4] =	ssyncadd.s32 $0xFFFFFFFF  }
0x96: {  	s17 =	sld [smem:$0x11];
	(tm) =	ssettm $0x1  }
0x97: {  	s18 =	sld [smem:$0x3FFB];
	_ =	sdelay $0x3  }
0x98: {  	_ =	strace s18  }
0x99: {  	s5 =	sld [smem:$0x3FFC];
	_ =	sdelay $0x3  }
0x9a: {  	_ =	strace s5  }
0x9b: {  	s5 =	sld [smem:$0x3FFD];
	_ =	sdelay $0x3  }
0x9c: {  	_ =	strace s5  }
0x9d: {  	_ =	strace $0x8FFFFFFF  }
0x9e: {  	s19 =	sld [smem:$0x3FDB];
	_ =	sdelay $0x1  }
0x9f: {  	s6 =	simm.s32 $_scs_section_size  }
0xa0: {  	s7 =	simm.s32 $_size__tile_overlayer_lowered;
	s8 =	simm.s32 $_tile_overlayer_lowered  }
0xa1: {  	s22 =	simm.s32 $0x1BFF;
	s21 =	sshll.u32 s8, $0x1;
	s5 =	sadd.s32 s6, s19  }
0xa2: {  	s9 =	simm.s32 $0x0;
	s20 =	sshll.u32 s7, $0x1;
	s7 =	sadd.s32 s21, s5  }
0xa3: {  	[timem:s9], [sflag:s22] =	dma.local [hbm:s7], s20  }
0xa4: {  	_ =	swait.ge [sflag:s22], s20  }
0xa5: {  	s6 =	ssub.s32 $0x0, s20;
	[sflag:s22] =	ssyncset.done $0x0  }
0xa6: {  	[sflag:s22] =	ssyncadd.s32 s6;
	_ =	sdelay $0x1  }
0xa7: {  	s23 =	simm.s32 $0x1B8B  }
0xa8: {  	_ =	swait.ge [sflag:s23], $0x1  }
0xa9: {  	[sflag:s23] =	ssyncset.done $0x0  }
0xaa: {  	s25 =	simm.s32 $0x1B8E;
	s24 =	sld [smem:$0x3FFE];
	[sflag:s23] =	ssyncadd.s32 $0xFFFFFFFF  }
0xab: {  	s26 =	simm.s32 $execute0_lowered;
	[smem:$0x3FD2] =	sst s25  }
0xac: {  	s7 =	sshll.u32 s26, $0x1;
	_ =	strace $0x80000046;
	[dreg:$0x1] =	wrdreg $0xFFFFFFFF  }
0xad: {  	s28 =	simm.s32 $_size_execute0_lowered;
	s5 =	sadd.s32 s5, s7;
	[dreg:$0x0] =	wrdreg $0x0  }
0xae: {  	s7 =	sshll.u32 s28, $0x1;
	[dreg:$0x2] =	wrdreg s5  }
0xaf: {  	[dreg:$0x3] =	wrdreg s7  }
0xb0: {  	[dreg:$0x4] =	wrdreg $0xC0  }
0xb1: {  	_ =	task [dreg:s9], $0x5FFFF  }
0xb2: {  	[dreg:$0x1] =	wrdreg $0xFFFFFFFF  }
0xb3: {  	[dreg:$0x0] =	wrdreg $0x60  }
0xb4: {  	[dreg:$0x2] =	wrdreg s15  }
0xb5: {  	[dreg:$0x3] =	wrdreg s24  }
0xb6: {  	[dreg:$0x4] =	wrdreg s17  }
0xb7: {  	[dreg:$0x5] =	wrdreg s16  }
0xb8: {  	[dreg:$0x6] =	wrdreg $0x92000  }
0xb9: {  	[dreg:$0x7] =	wrdreg $0x9  }
0xba: {  	_ =	task.clear_ibuf [dreg:s9], $0x8FFFF;
	_ =	strace $0x90000046  }
0xbb: {  	s29 =	simm.s32 $0x9;
	_ =	strace $0x80000048  }
0xbc: {  	_ =	swait.ge [sflag:s29], $0x1  }
0xbd: {  	[sflag:s29] =	ssyncadd.s32 $0xFFFFFFFF  }
0xbe: {  	_ =	strace $0x90000048  }
0xbf: {  	_ =	sfence  }
0xc0: {  	s30 =	sld [smem:$0x0];
	_ =	sdelay $0x2  }
0xc1: {  	s31 =	sshll.u32 s1, $0xD;
	s1 =	sshrl.u32 s1, $0x2  }
0xc2: {  	s3 =	sand.u32 $0x4000, s31;
	s1 =	sadd.s32 s1, s30  }
0xc3: {  	s0 =	sor.u32 s3, s0;
	s1 =	sshll.u32 s1, $0x11  }
0xc4: {  	s0 =	sor.u32 s1, s0  }
0xc5: {  	s0 =	sadd.s32 $0x8F2B, s0  }
0xc6: {  	[sflag:s0] =	ssyncadd.remote.s32 $0x1  }
0xc7: {  	_ =	sfence.sel $0xFFFF  }
0xc8: {  	[dreg:$0x0] =	wrdreg $0xFFFFFFFF;
	(pc) =	sbr.abs _section_cstart, $3  }
0xc9: {  	[dreg:$0x1] =	wrdreg $0xFFFFFFFF  }
0xca: {  	_ =	task.clear_ibuf [dreg:s9], $0x2FFFF;
	_ =	strace $0x9FFFFFFF  }
0xcb: {  	(tm) =	ssettm $0x7FFFFFFF  }
tec
execute0_lowered:
.L_overlay_start_1:
0x0: {  	(tag) =	ssettag $0x1  }
0x1: {  	s0 =	rddreg [dreg:$0x0]  }
0x2: {  	s3 =	rddreg [dreg:$0x1]  }
0x3: {  	s4 =	rddreg [dreg:$0x2]  }
0x4: {  	s1 =	rddreg [dreg:$0x3];
	s5 =	srdreg.scid;
	s2 =	simm.s32 $0x0  }
0x5: {  	s16 =	stileid.u32;
	s5 =	sand.u32 $0x1, s5;
	[smem:$0x7FF] =	sst s2  }
0x6: {  	s7 =	sshll.u32 s16, $0x1;
	s9 =	smul.u32 $0x14000, s16;
	s6 =	ssub.s32 $0x2, s5  }
0x7: {  	s10 =	sadd.s32 $0xBE00, s3;
	s7 =	sor.u32 s5, s7;
	s8 =	sshrl.u32 s6, $0x1  }
0x8: {  	s18 =	sshll.u32 s7, $0xB;
	s11 =	sadd.s32 $0x5000, s9;
	s7 =	smul.u32 $0x2710, s7  }
0x9: {  	s13 =	sadd.s32 $0x7800, s9;
	s6 =	ssub.s32 s6, s8;
	s8 =	smul.u32 $0x140000, s5  }
0xa: {  	s15 =	sadd.s32 $0xA000, s9;
	s4 =	sadd.s32 s4, s18;
	s18 =	smul.u32 $0x4E20, s16  }
0xb: {  	s20 =	sadd.s32 $0xC800, s9;
	s21 =	sadd.s32 $0xF000, s9;
	s5 =	smul.u32 $0x2710, s5  }
0xc: {  	[dreg:$0x6] =	wrdreg s4;
	s4 =	sor.u32 $0x2800, s9;
	s12 =	sadd.s32 s9, s8  }
0xd: {  	s9 =	sadd.s32 $0x11800, s9;
	s14 =	sadd.s32 s8, s4;
	s22 =	sadd.s32 s8, s11  }
0xe: {  	s24 =	sadd.s32 s8, s13;
	s26 =	sadd.s32 s8, s15;
	s29 =	sadd.s32 s8, s20  }
0xf: {  	s31 =	sadd.s32 s8, s21;
	s5 =	sadd.s32 s5, s18;
	s12 =	sshrl.u32 s12, $0x3  }
0x10: {  	s19 =	sshrl.u32 s14, $0x3;
	s8 =	sadd.s32 s8, s9;
	s12 =	sadd.s32 s10, s12  }
0x11: {  	s8 =	sshrl.u32 s8, $0x3;
	[dreg:$0x7] =	wrdreg s12;
	s12 =	sadd.s32 s10, s19  }
0x12: {  	s23 =	sshrl.u32 s22, $0x3;
	s8 =	sadd.s32 s10, s8;
	[dreg:$0x8] =	wrdreg s12  }
0x13: {  	s25 =	sshrl.u32 s24, $0x3;
	s12 =	sadd.s32 s10, s23;
	[dreg:$0xe] =	wrdreg s8  }
0x14: {  	s28 =	sshrl.u32 s26, $0x3;
	[dreg:$0x9] =	wrdreg s12;
	s12 =	sadd.s32 s10, s25  }
0x15: {  	s30 =	sshrl.u32 s29, $0x3;
	[dreg:$0xa] =	wrdreg s12;
	s12 =	sadd.s32 s10, s28  }
0x16: {  	s17 =	sshrl.u32 s31, $0x3;
	[dreg:$0xb] =	wrdreg s12;
	s12 =	sadd.s32 s10, s30  }
0x17: {  	s23 =	sadd.s32 $0x1E0, s5;
	[dreg:$0xc] =	wrdreg s12;
	s12 =	sadd.s32 s10, s17  }
0x18: {  	s14 =	sadd.s32 $0x2000, s3;
	s3 =	sshrl.u32 s23, $0x3;
	[dreg:$0xd] =	wrdreg s12  }
0x19: {  	s16 =	smul.u32 $0x50000, s16;
	s25 =	sadd.s32 s3, s14;
	s12 =	rddreg [dreg:$0x4]  }
0x1a: {  	s28 =	sadd.s32 $0x140, s5;
	_ =	strace $0x80000047;
	[dreg:$0x18] =	wrdreg s25  }
0x1b: {  	s18 =	sadd.s32 s21, s12;
	s21 =	smax.u32 s6, $0x1;
	[dreg:$0x1a] =	wrdreg s28  }
0x1c: {  	s22 =	sadd.s32 $0x230, s5;
	s13 =	sadd.s32 s13, s12;
	[dreg:$0x16] =	wrdreg s21  }
0x1d: {  	s24 =	sadd.s32 $0x190, s5;
	s15 =	sadd.s32 s15, s12;
	[dreg:$0xf] =	wrdreg s13  }
0x1e: {  	s19 =	sshrl.u32 s16, $0x2;
	s17 =	sadd.s32 s20, s12;
	[dreg:$0x10] =	wrdreg s15  }
0x1f: {  	s26 =	sshrl.u32 s24, $0x3;
	s10 =	sadd.s32 s19, s12;
	[dreg:$0x11] =	wrdreg s17  }
0x20: {  	s20 =	sshrl.u32 s7, $0x3;
	s19 =	sadd.s32 s9, s12;
	[dreg:$0x12] =	wrdreg s18  }
0x21: {  	s8 =	simm.s32 $0x5;
	s1 =	sadd.s32 s1, s20;
	[dreg:$0x13] =	wrdreg s19  }
0x22: {  	s23 =	simm.s32 $0x0;
	s7 =	sadd.s32 s14, s20;
	[dreg:$0x14] =	wrdreg s1  }
0x23: {  	s3 =	simm.s32 $0x9;
	s29 =	sadd.s32 $0xA, s7;
	[dreg:$0x15] =	wrdreg s7  }
0x24: {  	s16 =	sadd.s32 s4, s12;
	s30 =	sadd.s32 $0x14, s7;
	[dreg:$0x1b] =	wrdreg s29  }
0x25: {  	s1 =	sshrl.u32 s22, $0x3;
	s31 =	sadd.s32 $0x1E, s7;
	[dreg:$0x1c] =	wrdreg s30  }
0x26: {  	s11 =	sadd.s32 s11, s12;
	s1 =	sadd.s32 s1, s14;
	[dreg:$0x1d] =	wrdreg s31  }
0x27: {  	s4 =	simm.s32 $0x4200;
	[dreg:$0x17] =	wrdreg s1;
	s1 =	sadd.s32 s26, s14  }
0x28: {  	v0 =	vimm.f32 $0.0e+00;
	v1 =	vimm.f32 $1.000000000e+00;
	s9 =	simm.s32 $0x1D200;
	s7 =	simm.s32 $0x50;
	[dreg:$0x19] =	wrdreg s1  }
.LBB2_1:
0x29: {  	s1 =	rddreg [dreg:$0x6]  }
0x2a: {  	[tilespmem:s2], [sflag:$0x9] =	stream.linear.gather [hbm4b:s1+s2], $0x3E80, $0x38;
	[tilespmem:$0x1F980] =	vst v63  }
0x2b: {  	_ =	swait.ge [sflag:s3], $0x3E80  }
0x2c: {  	[sflag:s3] =	ssyncset.done $0x0  }
0x2d: {  	s5 =	simm.s32 $0x200;
	s1 =	simm.s32 $0x0;
	[sflag:s3] =	ssyncadd.s32 $0xFFFFC180  }
.LBB2_2:
0x2e: {  	p0 =	sne.s32 s5, $0x9E00;
	[tilespmem:s1+$0x4270] =	vst v0  }
0x2f: {  	[tilespmem:s1+$0x4200] =	vst v0  }
0x30: {  	[tilespmem:s1+$0x4210] =	vst v0  }
.Ltmp0:
0x31: {  	[tilespmem:s1+$0x4220] =	vst v0;
	(pc) =	sbr.rel @p0 .LBB2_2-.Ltmp0, $4  }
0x32: {  	[tilespmem:s1+$0x4230] =	vst v0  }
0x33: {  	[tilespmem:s1+$0x4240] =	vst v0  }
0x34: {  	[tilespmem:s1+$0x4250] =	vst v0  }
0x35: {  	[tilespmem:s1+$0x4260] =	vst v0;
	s1 =	sshra.s32 s5, $0x2;
	s5 =	sadd.s32 $0x200, s5  }
0x36: {  	[tilespmem:s1+$0x4270] =	vst v0  }
0x37: {  	[tilespmem:s1+$0x4200] =	vst v0  }
0x38: {  	[tilespmem:s1+$0x4210] =	vst v0  }
0x39: {  	[tilespmem:s1+$0x4220] =	vst v0  }
0x3a: {  	[tilespmem:s1+$0x4230] =	vst v0  }
0x3b: {  	[tilespmem:s1+$0x4240] =	vst v0  }
0x3c: {  	[tilespmem:s1+$0x4250] =	vst v0  }
0x3d: {  	[tilespmem:s1+$0x4260] =	vst v0  }
0x3e: {  	[spmem:s10] =	stream.linear.scatter [tilespmem:s4], [sflag:$0x9], $0x2800, $0x38;
	[tilespmem:$0x1F980] =	vst v63  }
0x3f: {  	_ =	swait.ge [sflag:s3], $0x2800  }
0x40: {  	[sflag:s3] =	ssyncset.done $0x0  }
0x41: {  	[sflag:s3] =	ssyncadd.s32 $0xFFFFD800  }
0x42: {  	[spmem:s16] =	stream.linear.scatter [tilespmem:s4], [sflag:$0x9], $0x2800, $0x38;
	[tilespmem:$0x1F980] =	vst v63  }
0x43: {  	_ =	swait.ge [sflag:s3], $0x2800  }
0x44: {  	[sflag:s3] =	ssyncset.done $0x0  }
0x45: {  	[sflag:s3] =	ssyncadd.s32 $0xFFFFD800  }
0x46: {  	[spmem:s11] =	stream.linear.scatter [tilespmem:s4], [sflag:$0x9], $0x2800, $0x38;
	[tilespmem:$0x1F980] =	vst v63  }
0x47: {  	_ =	swait.ge [sflag:s3], $0x2800  }
0x48: {  	[sflag:s3] =	ssyncset.done $0x0  }
0x49: {  	[sflag:s3] =	ssyncadd.s32 $0xFFFFD800  }
0x4a: {  	[spmem:s13] =	stream.linear.scatter [tilespmem:s4], [sflag:$0x9], $0x2800, $0x38;
	[tilespmem:$0x1F980] =	vst v63  }
0x4b: {  	_ =	swait.ge [sflag:s3], $0x2800  }
0x4c: {  	[sflag:s3] =	ssyncset.done $0x0  }
0x4d: {  	[sflag:s3] =	ssyncadd.s32 $0xFFFFD800  }
0x4e: {  	[spmem:s15] =	stream.linear.scatter [tilespmem:s4], [sflag:$0x9], $0x2800, $0x38;
	[tilespmem:$0x1F980] =	vst v63  }
0x4f: {  	_ =	swait.ge [sflag:s3], $0x2800  }
0x50: {  	[sflag:s3] =	ssyncset.done $0x0  }
0x51: {  	[sflag:s3] =	ssyncadd.s32 $0xFFFFD800  }
0x52: {  	[spmem:s17] =	stream.linear.scatter [tilespmem:s4], [sflag:$0x9], $0x2800, $0x38;
	[tilespmem:$0x1F980] =	vst v63  }
0x53: {  	_ =	swait.ge [sflag:s3], $0x2800  }
0x54: {  	[sflag:s3] =	ssyncset.done $0x0  }
0x55: {  	[sflag:s3] =	ssyncadd.s32 $0xFFFFD800  }
0x56: {  	[spmem:s18] =	stream.linear.scatter [tilespmem:s4], [sflag:$0x9], $0x2800, $0x38;
	[tilespmem:$0x1F980] =	vst v63  }
0x57: {  	_ =	swait.ge [sflag:s3], $0x2800  }
0x58: {  	[sflag:s3] =	ssyncset.done $0x0  }
0x59: {  	[sflag:s3] =	ssyncadd.s32 $0xFFFFD800  }
0x5a: {  	[spmem:s19] =	stream.linear.scatter [tilespmem:s4], [sflag:$0x9], $0x2800, $0x38;
	[tilespmem:$0x1F980] =	vst v63  }
0x5b: {  	s20 =	smov.u32 s10;
	_ =	swait.ge [sflag:s3], $0x2800  }
0x5c: {  	s21 =	smov.u32 s16;
	s22 =	smov.u32 s11;
	[sflag:s3] =	ssyncset.done $0x0  }
0x5d: {  	s1 =	simm.s32 $0x40;
	s5 =	simm.s32 $0x0;
	[sflag:s3] =	ssyncadd.s32 $0xFFFFD800  }
.LBB2_4:
0x5e: {  	p0 =	sne.s32 s1, $0x9C00;
	[tilespmem:s5+$0x1D200] =	vst v0;
	s5 =	smov.u32 s1;
	s1 =	sadd.s32 $0x40, s1  }
.Ltmp1:
0x5f: {  	(pc) =	sbr.rel @p0 .LBB2_4-.Ltmp1, $2  }
0x60: {  	_ =	sdelay $0x2  }
0x61: {  	s5 =	sshra.s32 s5, $0x2  }
0x62: {  	[tilespmem:s5+$0x1D200] =	vst v0  }
0x63: {  	[bflag:$0x0] =	sbarrier.arrive $0xFFFF  }
0x64: {  	s25 =	simm.s32 $0x0;
	s16 =	simm.s32 $0x4000;
	s1 =	rddreg [dreg:$0x15]  }
0x65: {  	[tilespmem:s16], [sflag:$0x1] =	stream.linear.gather [hbm4b:s1+s25], $0x50, $0x38;
	[tilespmem:$0x1F980] =	vst v63  }
0x66: {  	s6 =	simm.s32 $0x4080;
	s17 =	rddreg [dreg:$0x1b]  }
0x67: {  	[tilespmem:s6], [sflag:$0x2] =	stream.linear.gather [hbm4b:s17+s25], $0x50, $0x38;
	[tilespmem:$0x1F980] =	vst v63  }
0x68: {  	s19 =	simm.s32 $0x4100;
	s18 =	rddreg [dreg:$0x1c]  }
0x69: {  	[tilespmem:s19], [sflag:$0x3] =	stream.linear.gather [hbm4b:s18+s25], $0x50, $0x38;
	[tilespmem:$0x1F980] =	vst v63  }
0x6a: {  	s26 =	simm.s32 $0x4180;
	s28 =	simm.s32 $0x1;
	s24 =	rddreg [dreg:$0x1d]  }
0x6b: {  	[tilespmem:s26], [sflag:$0x4] =	stream.linear.gather [hbm4b:s24+s25], $0x50, $0x38;
	[tilespmem:$0x1F980] =	vst v63  }
0x6c: {  	_ =	swait.ge [sflag:s28], $0x50  }
0x6d: {  	s30 =	rddreg [dreg:$0x1a]  }
0x6e: {  	s5 =	simm.s32 $0x2;
	s29 =	rddreg [dreg:$0x19]  }
0x6f: {  	s1 =	simm.s32 $0x0;
	[sflag:s28] =	ssyncset.done $0x0;
	s11 =	rddreg [dreg:$0x18]  }
0x70: {  	s26 =	simm.s32 $0x180;
	s31 =	rddreg [dreg:$0x17];
	[sflag:s28] =	ssyncadd.s32 $0xFFFFFFB0  }
0x71: {  	[tilespmem:s4], [sflag:$0x5] =	stream.indirect.gather [hbm4b:s0+s7], $0x80, s16, s7, $0xb8;
	[tilespmem:$0x1F980] =	vst v63  }
.LBB2_6:
0x72: {  	s6 =	sadd.s32 $0xFFFFFFFF, s5  }
0x73: {  	p0 =	sgt.u32 s6, $0x7C  }
0x74: {  	s6 =	simm.s32 @!p0 $0x2  }
0x75: {  	p1 =	seq.s32 @!p0 s25, $0x0;
	_ =	swait.ge @!p0 [sflag:s6], $0x50  }
0x76: {  	p1 =	por p1, p0;
	[sflag:s6] =	ssyncset.done @!p0 $0x0  }
0x77: {  	[sflag:s6] =	ssyncadd.s32 @!p0 $0xFFFFFFB0;
	s6 =	simm.s32 @!p1 $0x8  }
0x78: {  	_ =	swait.ge @!p1 [sflag:s6], $0x2800  }
0x79: {  	s28 =	simm.s32 @!p0 $0x50;
	[sflag:s6] =	ssyncset.done @!p1 $0x0  }
0x7a: {  	s24 =	simm.s32 @!p0 $0x6A00;
	[sflag:s6] =	ssyncadd.s32 @!p1 $0xFFFFD800;
	s6 =	simm.s32 @!p0 $0x4080  }
0x7b: {  	[tilespmem:s24], [sflag:$0x6] =	stream.indirect.gather @!p0 [hbm4b:s0+s28], $0x80, s6, s28, $0xb8;
	[tilespmem:$0x1F980] =	vst v63  }
0x7c: {  	p1 =	seq.s32 s25, $0xF800;
	_ =	swait.ge [sflag:s8], $0x2800  }
0x7d: {  	s6 =	sshrl.u32 @!p1 s30, $0x3;
	s13 =	simm.s32 @!p1 $0x0;
	[sflag:s8] =	ssyncset.done $0x0  }
0x7e: {  	s10 =	sadd.s32 @!p1 s14, s6;
	s6 =	simm.s32 @!p1 $0x4000;
	[sflag:s8] =	ssyncadd.s32 $0xFFFFD800  }
0x7f: {  	[tilespmem:s6], [sflag:$0x1] =	stream.linear.gather @!p1 [hbm4b:s10+s13], $0x50, $0x38;
	[tilespmem:$0x1F980] =	vst v63  }
0x80: {  	s19 =	sshra.s32 s25, $0x2  }
0x81: {  	[spmem:s12] =	stream.indirect.scatter.add.f32 [tilespmem:s4], [sflag:$0x7], $0x80, s19, s7, $0xb8;
	[tilespmem:$0x1F980] =	vst v63  }
0x82: {  	v2 =	vld [tilespmem:s19+$0x0];
	_ =	sdelay $0x7  }
0x83: {  	[tilespmem:v2+s9+$0x0] =	vst.idx.add.f32.msk $0xffff, v1  }
0x84: {  	v2 =	vld [tilespmem:s19+$0x10];
	_ =	sdelay $0x7  }
0x85: {  	[tilespmem:v2+s9+$0x0] =	vst.idx.add.f32.msk $0xffff, v1  }
0x86: {  	v2 =	vld [tilespmem:s19+$0x20];
	_ =	sdelay $0x7  }
0x87: {  	[tilespmem:v2+s9+$0x0] =	vst.idx.add.f32.msk $0xffff, v1  }
0x88: {  	v2 =	vld [tilespmem:s19+$0x30];
	_ =	sdelay $0x7  }
0x89: {  	[tilespmem:v2+s9+$0x0] =	vst.idx.add.f32.msk $0xffff, v1  }
0x8a: {  	v2 =	vld [tilespmem:s19+$0x40];
	_ =	sdelay $0x6  }
0x8b: {  	p2 =	sgt.u32 s5, $0x7C  }
0x8c: {  	s10 =	simm.s32 @!p2 $0x3;
	[tilespmem:v2+s9+$0x0] =	vst.idx.add.f32.msk $0xffff, v1  }
0x8d: {  	_ =	swait.ge @!p2 [sflag:s10], $0x50  }
0x8e: {  	[sflag:s10] =	ssyncset.done @!p2 $0x0  }
0x8f: {  	[sflag:s10] =	ssyncadd.s32 @!p2 $0xFFFFFFB0;
	s10 =	simm.s32 @!p2 $0x7  }
0x90: {  	_ =	swait.ge @!p2 [sflag:s10], $0x2800  }
0x91: {  	s16 =	simm.s32 @!p2 $0x50;
	s17 =	simm.s32 @!p2 $0x4200;
	[sflag:s10] =	ssyncset.done @!p2 $0x0  }
0x92: {  	s13 =	simm.s32 @!p0 $0x6;
	[sflag:s10] =	ssyncadd.s32 @!p2 $0xFFFFD800;
	s10 =	simm.s32 @!p2 $0x4100  }
0x93: {  	[tilespmem:s17], [sflag:$0x5] =	stream.indirect.gather @!p2 [hbm4b:s0+s16], $0x80, s10, s16, $0xb8;
	[tilespmem:$0x1F980] =	vst v63  }
0x94: {  	p3 =	sgt.u32 @!p0 s1, $0x1D;
	_ =	swait.ge @!p0 [sflag:s13], $0x2800  }
0x95: {  	s18 =	sshra.s32 @!p0 s25, $0x2;
	p3 =	por p3, p0;
	[sflag:s13] =	ssyncset.done @!p0 $0x0  }
0x96: {  	s15 =	simm.s32 @!p3 $0x0;
	s10 =	simm.s32 @!p3 $0x4080;
	[sflag:s13] =	ssyncadd.s32 @!p0 $0xFFFFD800  }
0x97: {  	[tilespmem:s10], [sflag:$0x2] =	stream.linear.gather @!p3 [hbm4b:s29+s15], $0x50, $0x38;
	[tilespmem:$0x1F980] =	vst v63  }
0x98: {  	s10 =	sadd.s32 @!p0 $0x80, s18  }
0x99: {  	[spmem:s12] =	stream.indirect.scatter.add.f32 @!p0 [tilespmem:s24], [sflag:$0x8], $0x80, s10, s28, $0xb8;
	[tilespmem:$0x1F980] =	vst v63  }
0x9a: {  	v2 =	vld @!p0 [tilespmem:s18+$0x80];
	_ =	sdelay $0x6  }
0x9b: {  	v3 =	vimm.f32 @!p0 $1.000000000e+00;
	s10 =	simm.s32 @!p0 $0x1D200  }
0x9c: {  	[tilespmem:v2+s10+$0x0] =	vst.idx.add.f32.msk @!p0 $0xffff, v3  }
0x9d: {  	v2 =	vld @!p0 [tilespmem:s18+$0x90];
	_ =	sdelay $0x7  }
0x9e: {  	[tilespmem:v2+s10+$0x0] =	vst.idx.add.f32.msk @!p0 $0xffff, v3  }
0x9f: {  	v2 =	vld @!p0 [tilespmem:s18+$0xA0];
	_ =	sdelay $0x7  }
0xa0: {  	[tilespmem:v2+s10+$0x0] =	vst.idx.add.f32.msk @!p0 $0xffff, v3  }
0xa1: {  	v2 =	vld @!p0 [tilespmem:s18+$0xB0];
	_ =	sdelay $0x7  }
0xa2: {  	[tilespmem:v2+s10+$0x0] =	vst.idx.add.f32.msk @!p0 $0xffff, v3  }
0xa3: {  	v2 =	vld @!p0 [tilespmem:s18+$0xC0];
	_ =	sdelay $0x7  }
0xa4: {  	s18 =	simm.s32 @!p0 $0x4;
	[tilespmem:v2+s10+$0x0] =	vst.idx.add.f32.msk @!p0 $0xffff, v3  }
0xa5: {  	_ =	swait.ge @!p0 [sflag:s18], $0x50  }
0xa6: {  	[sflag:s18] =	ssyncset.done @!p0 $0x0  }
0xa7: {  	[sflag:s18] =	ssyncadd.s32 @!p0 $0xFFFFFFB0;
	s18 =	simm.s32 @!p0 $0x8  }
0xa8: {  	_ =	swait.ge @!p0 [sflag:s18], $0x2800  }
0xa9: {  	[sflag:s18] =	ssyncset.done @!p0 $0x0  }
0xaa: {  	[sflag:s18] =	ssyncadd.s32 @!p0 $0xFFFFD800;
	s18 =	simm.s32 @!p0 $0x4180  }
0xab: {  	[tilespmem:s24], [sflag:$0x6] =	stream.indirect.gather @!p0 [hbm4b:s0+s28], $0x80, s18, s28, $0xb8;
	[tilespmem:$0x1F980] =	vst v63  }
0xac: {  	s18 =	simm.s32 @!p2 $0x5  }
0xad: {  	p4 =	sgt.u32 @!p2 s1, $0x1D;
	_ =	swait.ge @!p2 [sflag:s18], $0x2800  }
0xae: {  	p4 =	por p4, p2;
	[sflag:s18] =	ssyncset.done @!p2 $0x0  }
0xaf: {  	s19 =	simm.s32 @!p4 $0x4100;
	[sflag:s18] =	ssyncadd.s32 @!p2 $0xFFFFD800;
	s18 =	simm.s32 @!p4 $0x0  }
0xb0: {  	[tilespmem:s19], [sflag:$0x3] =	stream.linear.gather @!p4 [hbm4b:s11+s18], $0x50, $0x38;
	[tilespmem:$0x1F980] =	vst v63  }
0xb1: {  	s18 =	sshra.s32 @!p2 s25, $0x2  }
0xb2: {  	s19 =	sadd.s32 @!p2 $0x100, s18  }
0xb3: {  	[spmem:s12] =	stream.indirect.scatter.add.f32 @!p2 [tilespmem:s17], [sflag:$0x7], $0x80, s19, s16, $0xb8;
	[tilespmem:$0x1F980] =	vst v63  }
0xb4: {  	v2 =	vld @!p2 [tilespmem:s18+$0x100];
	_ =	sdelay $0x6  }
0xb5: {  	v4 =	vimm.f32 @!p2 $1.000000000e+00;
	s16 =	simm.s32 @!p2 $0x1D200  }
0xb6: {  	[tilespmem:v2+s16+$0x0] =	vst.idx.add.f32.msk @!p2 $0xffff, v4  }
0xb7: {  	v2 =	vld @!p2 [tilespmem:s18+$0x110];
	_ =	sdelay $0x7  }
0xb8: {  	[tilespmem:v2+s16+$0x0] =	vst.idx.add.f32.msk @!p2 $0xffff, v4  }
0xb9: {  	v2 =	vld @!p2 [tilespmem:s18+$0x120];
	_ =	sdelay $0x7  }
0xba: {  	[tilespmem:v2+s16+$0x0] =	vst.idx.add.f32.msk @!p2 $0xffff, v4  }
0xbb: {  	v2 =	vld @!p2 [tilespmem:s18+$0x130];
	_ =	sdelay $0x7  }
0xbc: {  	[tilespmem:v2+s16+$0x0] =	vst.idx.add.f32.msk @!p2 $0xffff, v4  }
0xbd: {  	v2 =	vld @!p2 [tilespmem:s18+$0x140];
	_ =	sdelay $0x7  }
0xbe: {  	[tilespmem:v2+s16+$0x0] =	vst.idx.add.f32.msk @!p2 $0xffff, v4;
	s16 =	simm.s32 @!p1 $0x1  }
0xbf: {  	_ =	swait.ge @!p1 [sflag:s16], $0x50  }
0xc0: {  	[sflag:s16] =	ssyncset.done @!p1 $0x0  }
0xc1: {  	[sflag:s16] =	ssyncadd.s32 @!p1 $0xFFFFFFB0;
	s16 =	simm.s32 @!p1 $0x7  }
0xc2: {  	_ =	swait.ge @!p1 [sflag:s16], $0x2800  }
0xc3: {  	[sflag:s16] =	ssyncset.done @!p1 $0x0  }
0xc4: {  	s17 =	simm.s32 @!p1 $0x4200;
	[sflag:s16] =	ssyncadd.s32 @!p1 $0xFFFFD800;
	s16 =	simm.s32 @!p1 $0x50  }
0xc5: {  	[tilespmem:s17], [sflag:$0x5] =	stream.indirect.gather @!p1 [hbm4b:s0+s16], $0x80, s6, s16, $0xb8;
	[tilespmem:$0x1F980] =	vst v63  }
0xc6: {  	_ =	swait.ge @!p0 [sflag:s13], $0x2800  }
0xc7: {  	[sflag:s13] =	ssyncset.done @!p0 $0x0  }
0xc8: {  	s6 =	simm.s32 @!p3 $0x4180;
	[sflag:s13] =	ssyncadd.s32 @!p0 $0xFFFFD800;
	s13 =	smov.u32 s26  }
0xc9: {  	[tilespmem:s6], [sflag:$0x4] =	stream.linear.gather @!p3 [hbm4b:s31+s15], $0x50, $0x38;
	[tilespmem:$0x1F980] =	vst v63  }
0xca: {  	s13 =	simm.s32 @p0 $0x3F80  }
0xcb: {  	[spmem:s12] =	stream.indirect.scatter.add.f32 @!p0 [tilespmem:s24], [sflag:$0x8], $0x80, s13, s28, $0xb8;
	[tilespmem:$0x1F980] =	vst v63  }
0xcc: {  	v2 =	vld @!p0 [tilespmem:s13+$0x0];
	_ =	sdelay $0x7  }
0xcd: {  	[tilespmem:v2+s10+$0x0] =	vst.idx.add.f32.msk @!p0 $0xffff, v3  }
0xce: {  	v2 =	vld @!p0 [tilespmem:s13+$0x10];
	_ =	sdelay $0x7  }
0xcf: {  	[tilespmem:v2+s10+$0x0] =	vst.idx.add.f32.msk @!p0 $0xffff, v3  }
0xd0: {  	v2 =	vld @!p0 [tilespmem:s13+$0x20];
	_ =	sdelay $0x7  }
0xd1: {  	[tilespmem:v2+s10+$0x0] =	vst.idx.add.f32.msk @!p0 $0xffff, v3  }
0xd2: {  	v2 =	vld @!p0 [tilespmem:s13+$0x30];
	_ =	sdelay $0x7  }
0xd3: {  	[tilespmem:v2+s10+$0x0] =	vst.idx.add.f32.msk @!p0 $0xffff, v3  }
0xd4: {  	v2 =	vld @!p0 [tilespmem:s13+$0x40];
	_ =	sdelay $0x1  }
0xd5: {  	s25 =	sadd.s32 $0x800, s25  }
0xd6: {  	p1 =	sne.s32 s25, $0x10000  }
.Ltmp2:
0xd7: {  	_ = 	snop;
	(pc) =	sbr.rel @p1 .LBB2_6-.Ltmp2, $4  }
0xd8: {  	_ = 	snop  }
0xd9: {  	s5 =	sadd.s32 $0x4, s5  }
0xda: {  	s1 =	sadd.s32 $0x1, s1;
	s30 =	sadd.s32 $0x140, s30;
	s29 =	sadd.s32 $0x28, s29  }
0xdb: {  	s11 =	sadd.s32 $0x28, s11;
	s26 =	sadd.s32 $0x200, s26;
	s31 =	sadd.s32 $0x28, s31;
	[tilespmem:v2+s10+$0x0] =	vst.idx.add.f32.msk @!p0 $0xffff, v3  }
0xdc: {  	s1 =	simm.s32 $0x8  }
0xdd: {  	_ =	swait.ge [sflag:s1], $0x2800  }
0xde: {  	[sflag:s1] =	ssyncset.done $0x0  }
0xdf: {  	s19 =	simm.s32 $0x7;
	[sflag:s1] =	ssyncadd.s32 $0xFFFFD800  }
0xe0: {  	_ =	swait.ge [sflag:s19], $0x2800  }
0xe1: {  	[sflag:s19] =	ssyncset.done $0x0  }
0xe2: {  	[sflag:s19] =	ssyncadd.s32 $0xFFFFD800  }
0xe3: {  	[bflag:$0x0] =	sbarrier.arrive $0xFFFF  }
0xe4: {  	[tilespmem:s4], [sflag:$0x9] =	stream.linear.gather [spmem:s20], $0x2800, $0x38;
	[tilespmem:$0x1F980] =	vst v63  }
0xe5: {  	_ =	swait.ge [sflag:s3], $0x2800  }
0xe6: {  	[sflag:s3] =	ssyncset.done $0x0  }
0xe7: {  	s10 =	smov.u32 s20;
	s20 =	rddreg [dreg:$0x7];
	[sflag:s3] =	ssyncadd.s32 $0xFFFFD800  }
0xe8: {  	[hbm4b:s20+s2] =	stream.linear.scatter [tilespmem:s4], [sflag:$0x9], $0x2800, $0x38;
	[tilespmem:$0x1F980] =	vst v63  }
0xe9: {  	_ =	swait.ge [sflag:s3], $0x2800  }
0xea: {  	[sflag:s3] =	ssyncset.done $0x0  }
0xeb: {  	[sflag:s3] =	ssyncadd.s32 $0xFFFFD800  }
0xec: {  	[tilespmem:s4], [sflag:$0x9] =	stream.linear.gather [spmem:s21], $0x2800, $0x38;
	[tilespmem:$0x1F980] =	vst v63  }
0xed: {  	_ =	swait.ge [sflag:s3], $0x2800  }
0xee: {  	[sflag:s3] =	ssyncset.done $0x0  }
0xef: {  	s16 =	smov.u32 s21;
	s21 =	rddreg [dreg:$0x8];
	[sflag:s3] =	ssyncadd.s32 $0xFFFFD800  }
0xf0: {  	[hbm4b:s21+s2] =	stream.linear.scatter [tilespmem:s4], [sflag:$0x9], $0x2800, $0x38;
	[tilespmem:$0x1F980] =	vst v63  }
0xf1: {  	_ =	swait.ge [sflag:s3], $0x2800  }
0xf2: {  	[sflag:s3] =	ssyncset.done $0x0  }
0xf3: {  	[sflag:s3] =	ssyncadd.s32 $0xFFFFD800  }
0xf4: {  	[tilespmem:s4], [sflag:$0x9] =	stream.linear.gather [spmem:s22], $0x2800, $0x38;
	[tilespmem:$0x1F980] =	vst v63  }
0xf5: {  	_ =	swait.ge [sflag:s3], $0x2800  }
0xf6: {  	[sflag:s3] =	ssyncset.done $0x0  }
0xf7: {  	s11 =	smov.u32 s22;
	s22 =	rddreg [dreg:$0x9];
	[sflag:s3] =	ssyncadd.s32 $0xFFFFD800  }
0xf8: {  	[hbm4b:s22+s2] =	stream.linear.scatter [tilespmem:s4], [sflag:$0x9], $0x2800, $0x38;
	[tilespmem:$0x1F980] =	vst v63  }
0xf9: {  	_ =	swait.ge [sflag:s3], $0x2800  }
0xfa: {  	[sflag:s3] =	ssyncset.done $0x0  }
0xfb: {  	s13 =	rddreg [dreg:$0xf];
	[sflag:s3] =	ssyncadd.s32 $0xFFFFD800  }
0xfc: {  	[tilespmem:s4], [sflag:$0x9] =	stream.linear.gather [spmem:s13], $0x2800, $0x38;
	[tilespmem:$0x1F980] =	vst v63  }
0xfd: {  	_ =	swait.ge [sflag:s3], $0x2800  }
0xfe: {  	[sflag:s3] =	ssyncset.done $0x0  }
0xff: {  	s24 =	rddreg [dreg:$0xa];
	[sflag:s3] =	ssyncadd.s32 $0xFFFFD800  }
0x100: {  	[hbm4b:s24+s2] =	stream.linear.scatter [tilespmem:s4], [sflag:$0x9], $0x2800, $0x38;
	[tilespmem:$0x1F980] =	vst v63  }
0x101: {  	_ =	swait.ge [sflag:s3], $0x2800  }
0x102: {  	[sflag:s3] =	ssyncset.done $0x0  }
0x103: {  	s15 =	rddreg [dreg:$0x10];
	[sflag:s3] =	ssyncadd.s32 $0xFFFFD800  }
0x104: {  	[tilespmem:s4], [sflag:$0x9] =	stream.linear.gather [spmem:s15], $0x2800, $0x38;
	[tilespmem:$0x1F980] =	vst v63  }
0x105: {  	_ =	swait.ge [sflag:s3], $0x2800  }
0x106: {  	[sflag:s3] =	ssyncset.done $0x0  }
0x107: {  	s25 =	rddreg [dreg:$0xb];
	[sflag:s3] =	ssyncadd.s32 $0xFFFFD800  }
0x108: {  	[hbm4b:s25+s2] =	stream.linear.scatter [tilespmem:s4], [sflag:$0x9], $0x2800, $0x38;
	[tilespmem:$0x1F980] =	vst v63  }
0x109: {  	_ =	swait.ge [sflag:s3], $0x2800  }
0x10a: {  	[sflag:s3] =	ssyncset.done $0x0  }
0x10b: {  	s17 =	rddreg [dreg:$0x11];
	[sflag:s3] =	ssyncadd.s32 $0xFFFFD800  }
0x10c: {  	[tilespmem:s4], [sflag:$0x9] =	stream.linear.gather [spmem:s17], $0x2800, $0x38;
	[tilespmem:$0x1F980] =	vst v63  }
0x10d: {  	_ =	swait.ge [sflag:s3], $0x2800  }
0x10e: {  	[sflag:s3] =	ssyncset.done $0x0  }
0x10f: {  	s26 =	rddreg [dreg:$0xc];
	[sflag:s3] =	ssyncadd.s32 $0xFFFFD800  }
0x110: {  	[hbm4b:s26+s2] =	stream.linear.scatter [tilespmem:s4], [sflag:$0x9], $0x2800, $0x38;
	[tilespmem:$0x1F980] =	vst v63  }
0x111: {  	_ =	swait.ge [sflag:s3], $0x2800  }
0x112: {  	[sflag:s3] =	ssyncset.done $0x0  }
0x113: {  	s18 =	rddreg [dreg:$0x12];
	[sflag:s3] =	ssyncadd.s32 $0xFFFFD800  }
0x114: {  	[tilespmem:s4], [sflag:$0x9] =	stream.linear.gather [spmem:s18], $0x2800, $0x38;
	[tilespmem:$0x1F980] =	vst v63  }
0x115: {  	_ =	swait.ge [sflag:s3], $0x2800  }
0x116: {  	[sflag:s3] =	ssyncset.done $0x0  }
0x117: {  	s28 =	rddreg [dreg:$0xd];
	[sflag:s3] =	ssyncadd.s32 $0xFFFFD800  }
0x118: {  	[hbm4b:s28+s2] =	stream.linear.scatter [tilespmem:s4], [sflag:$0x9], $0x2800, $0x38;
	[tilespmem:$0x1F980] =	vst v63  }
0x119: {  	_ =	swait.ge [sflag:s3], $0x2800  }
0x11a: {  	[sflag:s3] =	ssyncset.done $0x0  }
0x11b: {  	s19 =	rddreg [dreg:$0x13];
	[sflag:s3] =	ssyncadd.s32 $0xFFFFD800  }
0x11c: {  	[tilespmem:s4], [sflag:$0x9] =	stream.linear.gather [spmem:s19], $0x2800, $0x38;
	[tilespmem:$0x1F980] =	vst v63  }
0x11d: {  	_ =	swait.ge [sflag:s3], $0x2800  }
0x11e: {  	[sflag:s3] =	ssyncset.done $0x0  }
0x11f: {  	s29 =	rddreg [dreg:$0xe];
	[sflag:s3] =	ssyncadd.s32 $0xFFFFD800  }
0x120: {  	[hbm4b:s29+s2] =	stream.linear.scatter [tilespmem:s4], [sflag:$0x9], $0x2800, $0x38;
	[tilespmem:$0x1F980] =	vst v63  }
0x121: {  	_ =	swait.ge [sflag:s3], $0x2800  }
0x122: {  	[sflag:s3] =	ssyncset.done $0x0  }
0x123: {  	s30 =	rddreg [dreg:$0x14];
	[sflag:s3] =	ssyncadd.s32 $0xFFFFD800  }
0x124: {  	[hbm4b:s30+s2] =	stream.linear.scatter [tilespmem:s9], [sflag:$0x9], $0x2710, $0x38;
	[tilespmem:$0x1F980] =	vst v63  }
0x125: {  	_ =	swait.ge [sflag:s3], $0x2710  }
0x126: {  	s23 =	sadd.s32 $0x1, s23;
	s31 =	rddreg [dreg:$0x16]  }
0x127: {  	p0 =	sne.s32 s23, s31  }
.Ltmp3:
0x128: {  	_ = 	snop;
	(pc) =	sbr.rel @p0 .LBB2_1-.Ltmp3, $3  }
0x129: {  	_ =	sdelay $0x1  }
0x12a: {  	[sflag:s3] =	ssyncset.done $0x0  }
0x12b: {  	[sflag:s3] =	ssyncadd.s32 $0xFFFFD8F0  }
0x12c: {  	_ =	sfence.sel $0x180000  }
0x12d: {  	[bflag:$0x0] =	sbarrier.arrive $0xFFFF  }
0x12e: {  	_ =	strace $0x90000047  }
0x12f: {  	s0 =	stileid.u32;
	[bflag:$0x2] =	sbarrier.arrive $0xFFFF  }
0x130: {  	p0 =	sne.s32 s0, $0x0;
	s0 =	rddreg [dreg:$0x5]  }
0x131: {  	s0 =	sadd.s32 @!p0 $0x100000, s0  }
0x132: {  	[sflag:s0] =	ssyncadd.tile.s32 @!p0 $0x1;
	_ =	shalt  }
.Lfunc_end2:
_tile_overlayer_lowered:
.L_overlay_start_2:
0x133: {  	(tag) =	ssettag $0x2  }
0x134: {  	s0 =	rddreg [dreg:$0x0];
	s2 =	stileid.u32  }
0x135: {  	s1 =	rddreg [dreg:$0x1];
	p0 =	sne.s32 s2, $0x0  }
0x136: {  	s3 =	rddreg [dreg:$0x2];
	[bflag:$0x3] =	sbarrier.arrive $0xFFFF;
	s2 =	simm.s32 @!p0 $0x1C09  }
0x137: {  	[timem:s3], [sflag:s2] =	dma.local @!p0 [hbm:s0], s1  }
0x138: {  	s0 =	simm.s32 @!p0 $0x9  }
0x139: {  	_ =	swait.ge @!p0 [sflag:s0], s1  }
0x13a: {  	s1 =	ssub.s32 @!p0 $0x0, s1;
	[sflag:s0] =	ssyncset.done @!p0 $0x0  }
0x13b: {  	[sflag:s0] =	ssyncadd.s32 @!p0 s1  }
0x13c: {  	[bflag:$0x3] =	sbarrier.arrive $0xFFFF  }
0x13d: {  	_ =	shalt  }

// kernel: kernel.9.cloned.1.call-start
scs
__scs_entry_jumppad:
0x0: {  	(pc) =	sbr.rel $0x88, $3  }
0x1: {  	(tag) =	ssettag $0x0;
	lr =	simm.s32 $0x1  }
0x2: {  	[smem:$0x3F99] =	sst lr;
	_ =	strace $0xD0000000  }
0x3: {  	_ = 	snop  }
0x4: {  	_ = 	snop  }
0x5: {  	_ = 	snop  }
0x6: {  	_ = 	snop  }
0x7: {  	_ = 	snop  }
__scs_overlays_trampoline_lowered:
0x8: {  	[smem:$0x3FA8] =	sst s0  }
0x9: {  	[smem:$0x3FA9] =	sst s1  }
0xa: {  	[smem:$0x3FAA] =	sst s2  }
0xb: {  	[smem:$0x3FAB] =	sst s3  }
0xc: {  	[smem:$0x3FAC] =	sst s4  }
0xd: {  	[smem:$0x3FAD] =	sst s5  }
0xe: {  	[smem:$0x3FAE] =	sst s6  }
0xf: {  	[smem:$0x3FAF] =	sst s7  }
0x10: {  	[smem:$0x3FB0] =	sst s8  }
0x11: {  	[smem:$0x3FB1] =	sst s9;
	s0 =	simm.s32 @!p0 $0x0  }
0x12: {  	s1 =	sld [smem:$0x3F97];
	s0 =	simm.s32 @p0 $0x1  }
0x13: {  	[smem:$0x3FB2] =	sst s0;
	s0 =	simm.s32 @!p1 $0x0  }
0x14: {  	s2 =	sld [smem:$0x3F96];
	s0 =	simm.s32 @p1 $0x1  }
0x15: {  	[smem:$0x3FB3] =	sst s0;
	s0 =	simm.s32 @!p2 $0x0  }
0x16: {  	s3 =	sld [smem:$0x3FDB];
	s0 =	simm.s32 @p2 $0x1  }
0x17: {  	s4 =	simm.s32 $0x1BF5;
	[smem:$0x3FB5] =	sst s0  }
0x18: {  	s0 =	sld [smem:$0x3F98];
	_ =	swait.ge [sflag:s4], $0x0  }
0x19: {  	s7 =	sld [smem:$0x3F99]  }
0x1a: {  	s8 =	sadd.s32 $0xFFFFE003, lr  }
0x1b: {  	s9 =	sadd.s32 $0xFFFFFEF7, lr;
	s5 =	simm.s32 $0xFFFFFFFF;
	p2 =	slt.u32 s8, $0xFFFFF086  }
0x1c: {  	p1 =	slt.u32 s9, $0xF7A;
	s5 =	simm.s32 @!p2 $0x0  }
0x1d: {  	s5 =	simm.s32 @p1 $0x1;
	p0 =	seq.s32 s7, s2  }
0x1e: {  	s7 =	smul.u32 @!p0 $0xF7A, s2;
	p2 =	seq.s32 @!p0 s5, $0x0  }
0x1f: {  	s9 =	smul.u32 $0xF7A, s1;
	s8 =	simm.s32 @!p0 $0x1BF5;
	p2 =	por !p2, p0  }
0x20: {  	[sflag:s8] =	ssyncset.s32 @!p0 $0xFFFFF086;
	s6 =	sadd.s32 @!p0 s3, s7;
	s7 =	simm.s32 @!p0 $0x108  }
0x21: {  	s3 =	sadd.s32 s3, s9;
	s6 =	sadd.s32 @!p0 $0x88, s6;
	s7 =	simm.s32 @p2 $0x1082  }
0x22: {  	[simem:s7], [sflag:s8] =	dma.local @!p0 [hbm:s6], $0xF7A  }
0x23: {  	s9 =	sor.u32 $0xD0000000, s2;
	s6 =	simm.s32 $0x108;
	_ =	swait.ge @!p0 [sflag:s8], $0x0  }
0x24: {  	s3 =	sadd.s32 $0x88, s3;
	s6 =	simm.s32 @!p1 $0x1082;
	[sflag:s4] =	ssyncset.s32 $0xFFFFF086  }
0x25: {  	[simem:s6], [sflag:s4] =	dma.local [hbm:s3], $0xF7A  }
0x26: {  	[smem:$0x3F99] =	sst s1;
	(tag) =	ssettag s2;
	_ =	strace s9  }
0x27: {  	s1 =	sld [smem:$0x3FA9]  }
0x28: {  	s2 =	sld [smem:$0x3FAA]  }
0x29: {  	s4 =	sld [smem:$0x3FAC]  }
0x2a: {  	p0 =	seq.s32 s5, $0x0;
	s5 =	sld [smem:$0x3FAD]  }
0x2b: {  	s6 =	sld [smem:$0x3FAE]  }
0x2c: {  	s7 =	sld [smem:$0x3FAF]  }
0x2d: {  	s3 =	simm.s32 $0x108;
	s8 =	sld [smem:$0x3FB0]  }
0x2e: {  	s3 =	simm.s32 @!p0 $0x1082;
	s9 =	sld [smem:$0x3FB1]  }
0x2f: {  	lr =	sadd.s32 s0, s3;
	s0 =	sld [smem:$0x3FA8]  }
0x30: {  	s3 =	sld [smem:$0x3FAB]  }
0x31: {  	[smem:$0x3FB4] =	sst s10  }
0x32: {  	s10 =	sld [smem:$0x3FB2];
	_ =	sdelay $0x3  }
0x33: {  	p0 =	seq.s32 s10, $0x1;
	s10 =	sld [smem:$0x3FB4];
	_ =	sdelay $0x3  }
0x34: {  	[smem:$0x3FB4] =	sst s10  }
0x35: {  	s10 =	sld [smem:$0x3FB3];
	_ =	sdelay $0x3  }
0x36: {  	p1 =	seq.s32 s10, $0x1;
	s10 =	sld [smem:$0x3FB4];
	_ =	sdelay $0x3  }
0x37: {  	[smem:$0x3FB4] =	sst s10  }
0x38: {  	s10 =	sld [smem:$0x3FB5]  }
0x39: {  	_ = 	snop;
	(pc) =	sbr.ind lr, $3  }
0x3a: {  	_ = 	snop  }
0x3b: {  	_ = 	snop  }
0x3c: {  	p2 =	seq.s32 s10, $0x1;
	s10 =	sld [smem:$0x3FB4]  }
0x3d: {  	_ =	shalt  }
0x3e: {  	_ =	shalt  }
0x3f: {  	_ =	shalt  }
0x40: {  	_ =	shalt  }
0x41: {  	_ =	shalt  }
0x42: {  	_ =	shalt  }
0x43: {  	_ =	shalt  }
0x44: {  	_ =	shalt  }
0x45: {  	_ =	shalt  }
0x46: {  	_ =	shalt  }
0x47: {  	_ =	shalt  }
0x48: {  	_ =	shalt  }
0x49: {  	_ =	shalt  }
0x4a: {  	_ =	shalt  }
0x4b: {  	_ =	shalt  }
0x4c: {  	_ =	shalt  }
0x4d: {  	_ =	shalt  }
0x4e: {  	_ =	shalt  }
0x4f: {  	_ =	shalt  }
0x50: {  	_ =	shalt  }
0x51: {  	_ =	shalt  }
0x52: {  	_ =	shalt  }
0x53: {  	_ =	shalt  }
0x54: {  	_ =	shalt  }
0x55: {  	_ =	shalt  }
0x56: {  	_ =	shalt  }
0x57: {  	_ =	shalt  }
0x58: {  	_ =	shalt  }
0x59: {  	_ =	shalt  }
0x5a: {  	_ =	shalt  }
0x5b: {  	_ =	shalt  }
0x5c: {  	_ =	shalt  }
0x5d: {  	_ =	shalt  }
0x5e: {  	_ =	shalt  }
0x5f: {  	_ =	shalt  }
0x60: {  	_ =	shalt  }
0x61: {  	_ =	shalt  }
0x62: {  	_ =	shalt  }
0x63: {  	_ =	shalt  }
0x64: {  	_ =	shalt  }
0x65: {  	_ =	shalt  }
0x66: {  	_ =	shalt  }
0x67: {  	_ =	shalt  }
0x68: {  	_ =	shalt  }
0x69: {  	_ =	shalt  }
0x6a: {  	_ =	shalt  }
0x6b: {  	_ =	shalt  }
0x6c: {  	_ =	shalt  }
0x6d: {  	_ =	shalt  }
0x6e: {  	_ =	shalt  }
0x6f: {  	_ =	shalt  }
0x70: {  	_ =	shalt  }
0x71: {  	_ =	shalt  }
0x72: {  	_ =	shalt  }
0x73: {  	_ =	shalt  }
0x74: {  	_ =	shalt  }
0x75: {  	_ =	shalt  }
0x76: {  	_ =	shalt  }
0x77: {  	_ =	shalt  }
0x78: {  	_ =	shalt  }
0x79: {  	_ =	shalt  }
0x7a: {  	_ =	shalt  }
0x7b: {  	_ =	shalt  }
0x7c: {  	_ =	shalt  }
0x7d: {  	_ =	shalt  }
0x7e: {  	_ =	shalt  }
0x7f: {  	_ =	shalt  }
0x80: {  	_ =	shalt  }
0x81: {  	_ =	shalt  }
0x82: {  	_ =	shalt  }
0x83: {  	_ =	shalt  }
0x84: {  	_ =	shalt  }
0x85: {  	_ =	shalt  }
0x86: {  	_ =	shalt  }
0x87: {  	_ =	shalt  }
.Lfunc_end0:
.L_simem_size_0:
called_computation.1_lowered:
.L_overlay_start_0:
0x88: {  	s2 =	sld [smem:$0x3FD9]  }
0x89: {  	s3 =	sld [smem:$0x3FFE];
	_ =	sdelay $0x1  }
0x8a: {  	s1 =	srdreg.scid  }
0x8b: {  	s0 =	sand.u32 $0x1, s1  }
0x8c: {  	s14 =	sshll.u32 s0, $0xA;
	s2 =	sadd.s32 s3, s2  }
0x8d: {  	s2 =	sadd.s32 s2, s14  }
0x8e: {  	[smem:$0x3FC0] =	sst s2  }
0x8f: {  	_ = 	snop  }
0x90: {  	s2 =	sld [smem:$0x3FD0];
	_ =	sdelay $0x2  }
0x91: {  	s15 =	simm.s32 $0xA;
	s4 =	simm.s32 $0x10  }
0x92: {  	[smem:s4], [sflag:s15] =	dma.local [hbm:s2], $0x1  }
0x93: {  	_ =	swait.eq [sflag:s15], $0x1  }
0x94: {  	[sflag:s15] =	ssyncset.done $0x0  }
0x95: {  	s16 =	sld [smem:$0x10];
	[sflag:s15] =	ssyncadd.s32 $0xFFFFFFFF  }
0x96: {  	s17 =	sld [smem:$0x11];
	(tm) =	ssettm $0x1  }
0x97: {  	s18 =	sld [smem:$0x3FFB];
	_ =	sdelay $0x3  }
0x98: {  	_ =	strace s18  }
0x99: {  	s4 =	sld [smem:$0x3FFC];
	_ =	sdelay $0x3  }
0x9a: {  	_ =	strace s4  }
0x9b: {  	s4 =	sld [smem:$0x3FFD];
	_ =	sdelay $0x3  }
0x9c: {  	_ =	strace s4  }
0x9d: {  	_ =	strace $0x8FFFFFFF  }
0x9e: {  	s19 =	sld [smem:$0x3FDB];
	_ =	sdelay $0x1  }
0x9f: {  	s5 =	simm.s32 $_scs_section_size  }
0xa0: {  	s6 =	simm.s32 $_size__tile_overlayer_lowered;
	s7 =	simm.s32 $_tile_overlayer_lowered  }
0xa1: {  	s22 =	simm.s32 $0x1BFF;
	s21 =	sshll.u32 s7, $0x1;
	s4 =	sadd.s32 s5, s19  }
0xa2: {  	s8 =	simm.s32 $0x0;
	s20 =	sshll.u32 s6, $0x1;
	s6 =	sadd.s32 s21, s4  }
0xa3: {  	[timem:s8], [sflag:s22] =	dma.local [hbm:s6], s20  }
0xa4: {  	_ =	swait.ge [sflag:s22], s20  }
0xa5: {  	s5 =	ssub.s32 $0x0, s20;
	[sflag:s22] =	ssyncset.done $0x0  }
0xa6: {  	[sflag:s22] =	ssyncadd.s32 s5;
	_ =	sdelay $0x1  }
0xa7: {  	s23 =	simm.s32 $0x1B8B  }
0xa8: {  	_ =	swait.ge [sflag:s23], $0x1  }
0xa9: {  	[sflag:s23] =	ssyncset.done $0x0  }
0xaa: {  	s25 =	simm.s32 $0x1B8E;
	s24 =	sld [smem:$0x3FFE];
	[sflag:s23] =	ssyncadd.s32 $0xFFFFFFFF  }
0xab: {  	s26 =	simm.s32 $execute0_lowered;
	[smem:$0x3FD2] =	sst s25  }
0xac: {  	s6 =	sshll.u32 s26, $0x1;
	_ =	strace $0x80000049;
	[dreg:$0x1] =	wrdreg $0xFFFFFFFF  }
0xad: {  	s28 =	simm.s32 $_size_execute0_lowered;
	s4 =	sadd.s32 s4, s6;
	[dreg:$0x0] =	wrdreg $0x0  }
0xae: {  	s6 =	sshll.u32 s28, $0x1;
	[dreg:$0x2] =	wrdreg s4  }
0xaf: {  	[dreg:$0x3] =	wrdreg s6  }
0xb0: {  	[dreg:$0x4] =	wrdreg $0xC0  }
0xb1: {  	_ =	task [dreg:s8], $0x5FFFF  }
0xb2: {  	[dreg:$0x1] =	wrdreg $0xFFFFFFFF  }
0xb3: {  	[dreg:$0x0] =	wrdreg $0x60  }
0xb4: {  	[dreg:$0x2] =	wrdreg s16  }
0xb5: {  	[dreg:$0x3] =	wrdreg s24  }
0xb6: {  	[dreg:$0x4] =	wrdreg s17  }
0xb7: {  	[dreg:$0x5] =	wrdreg $0x92000  }
0xb8: {  	[dreg:$0x6] =	wrdreg $0x9  }
0xb9: {  	_ =	task.clear_ibuf [dreg:s8], $0x7FFFF;
	_ =	strace $0x90000049  }
0xba: {  	s29 =	simm.s32 $0x9;
	_ =	strace $0x8000004B  }
0xbb: {  	_ =	swait.ge [sflag:s29], $0x1  }
0xbc: {  	[sflag:s29] =	ssyncadd.s32 $0xFFFFFFFF  }
0xbd: {  	_ =	strace $0x9000004B  }
0xbe: {  	_ =	sfence  }
0xbf: {  	s30 =	sld [smem:$0x0];
	_ =	sdelay $0x2  }
0xc0: {  	s31 =	sshll.u32 s1, $0xD;
	s1 =	sshrl.u32 s1, $0x2  }
0xc1: {  	s3 =	sand.u32 $0x4000, s31;
	s1 =	sadd.s32 s1, s30  }
0xc2: {  	s0 =	sor.u32 s3, s0;
	s1 =	sshll.u32 s1, $0x11  }
0xc3: {  	s0 =	sor.u32 s1, s0  }
0xc4: {  	s0 =	sadd.s32 $0x8F2B, s0  }
0xc5: {  	[sflag:s0] =	ssyncadd.remote.s32 $0x1  }
0xc6: {  	_ =	sfence.sel $0xFFFF  }
0xc7: {  	[dreg:$0x0] =	wrdreg $0xFFFFFFFF;
	(pc) =	sbr.abs _section_cstart, $3  }
0xc8: {  	[dreg:$0x1] =	wrdreg $0xFFFFFFFF  }
0xc9: {  	_ =	task.clear_ibuf [dreg:s8], $0x2FFFF;
	_ =	strace $0x9FFFFFFF  }
0xca: {  	(tm) =	ssettm $0x7FFFFFFF  }
0xcb: {  	_ =	shalt  }
tec
execute0_lowered:
.L_overlay_start_1:
0x0: {  	(tag) =	ssettag $0x1  }
0x1: {  	s0 =	rddreg [dreg:$0x0]  }
0x2: {  	s1 =	rddreg [dreg:$0x1]  }
0x3: {  	s4 =	rddreg [dreg:$0x2]  }
0x4: {  	s2 =	rddreg [dreg:$0x3];
	s5 =	srdreg.scid;
	s3 =	simm.s32 $0x0  }
0x5: {  	s18 =	stileid.u32;
	s5 =	sand.u32 $0x1, s5;
	[smem:$0x7FF] =	sst s3  }
0x6: {  	s7 =	sshll.u32 s18, $0x1;
	s9 =	smul.u32 $0x14000, s18;
	s10 =	sadd.s32 $0xBE00, s1  }
0x7: {  	s31 =	smul.u32 $0x4E20, s18;
	s6 =	ssub.s32 $0x2, s5;
	s7 =	sor.u32 s5, s7  }
0x8: {  	s18 =	smul.u32 $0x50000, s18;
	s8 =	sshrl.u32 s6, $0x1;
	s17 =	sshll.u32 s7, $0xB  }
0x9: {  	s11 =	sadd.s32 $0x5000, s9;
	s12 =	sadd.s32 $0x7800, s9;
	s13 =	sadd.s32 $0xA000, s9  }
0xa: {  	s15 =	sadd.s32 $0xC800, s9;
	s16 =	sadd.s32 $0xF000, s9;
	s18 =	sshrl.u32 s18, $0x2  }
0xb: {  	s6 =	ssub.s32 s6, s8;
	s4 =	sadd.s32 s4, s17;
	s8 =	smul.u32 $0x140000, s5  }
0xc: {  	s5 =	smul.u32 $0x2710, s5;
	[dreg:$0x5] =	wrdreg s4;
	s4 =	sor.u32 $0x2800, s9  }
0xd: {  	s14 =	sadd.s32 s9, s8;
	s9 =	sadd.s32 $0x11800, s9;
	s17 =	sadd.s32 s8, s4  }
0xe: {  	s20 =	sadd.s32 s8, s11;
	s22 =	sadd.s32 s8, s12;
	s24 =	sadd.s32 s8, s13  }
0xf: {  	s26 =	sadd.s32 s8, s15;
	s29 =	sadd.s32 s8, s16;
	s5 =	sadd.s32 s5, s31  }
0x10: {  	s11 =	sadd.s32 s11, s2;
	s12 =	sadd.s32 s12, s2;
	s14 =	sshrl.u32 s14, $0x3  }
0x11: {  	s19 =	sshrl.u32 s17, $0x3;
	s8 =	sadd.s32 s8, s9;
	s14 =	sadd.s32 s10, s14  }
0x12: {  	s8 =	sshrl.u32 s8, $0x3;
	[dreg:$0x6] =	wrdreg s14;
	s14 =	sadd.s32 s10, s19  }
0x13: {  	s21 =	sshrl.u32 s20, $0x3;
	s8 =	sadd.s32 s10, s8;
	[dreg:$0x7] =	wrdreg s14  }
0x14: {  	s23 =	sshrl.u32 s22, $0x3;
	s14 =	sadd.s32 s10, s21;
	[dreg:$0xd] =	wrdreg s8  }
0x15: {  	s25 =	sshrl.u32 s24, $0x3;
	[dreg:$0x8] =	wrdreg s14;
	s14 =	sadd.s32 s10, s23  }
0x16: {  	s28 =	sshrl.u32 s26, $0x3;
	[dreg:$0x9] =	wrdreg s14;
	s14 =	sadd.s32 s10, s25  }
0x17: {  	s30 =	sshrl.u32 s29, $0x3;
	[dreg:$0xa] =	wrdreg s14;
	s14 =	sadd.s32 s10, s28  }
0x18: {  	s13 =	sadd.s32 s13, s2;
	[dreg:$0xb] =	wrdreg s14;
	s14 =	sadd.s32 s10, s30  }
0x19: {  	s16 =	sadd.s32 s16, s2;
	s20 =	smax.u32 s6, $0x1;
	[dreg:$0xc] =	wrdreg s14  }
0x1a: {  	s28 =	sadd.s32 $0x140, s5;
	_ =	strace $0x8000004A;
	[dreg:$0x13] =	wrdreg s20  }
0x1b: {  	s9 =	sadd.s32 s9, s2;
	s8 =	sadd.s32 s18, s2;
	[dreg:$0x17] =	wrdreg s28  }
0x1c: {  	s18 =	sadd.s32 s15, s2;
	s21 =	sadd.s32 $0x230, s5;
	[dreg:$0xe] =	wrdreg s13  }
0x1d: {  	s23 =	sadd.s32 $0x190, s5;
	s10 =	smul.u32 $0x2710, s7;
	[dreg:$0xf] =	wrdreg s18  }
0x1e: {  	s25 =	sshrl.u32 s23, $0x3;
	s14 =	sadd.s32 $0x2000, s1;
	[dreg:$0x10] =	wrdreg s16  }
0x1f: {  	s1 =	sshrl.u32 s10, $0x3;
	s26 =	sadd.s32 s25, s14;
	[dreg:$0x11] =	wrdreg s9  }
0x20: {  	s19 =	sadd.s32 s14, s1;
	s1 =	sshrl.u32 s21, $0x3;
	[dreg:$0x16] =	wrdreg s26  }
0x21: {  	s17 =	sadd.s32 s4, s2;
	s1 =	sadd.s32 s1, s14;
	[dreg:$0x12] =	wrdreg s19  }
0x22: {  	s22 =	sadd.s32 $0x1E0, s5;
	s29 =	sadd.s32 $0xA, s19;
	[dreg:$0x14] =	wrdreg s1  }
0x23: {  	s4 =	simm.s32 $0x4200;
	s30 =	sadd.s32 $0x14, s19;
	[dreg:$0x18] =	wrdreg s29  }
0x24: {  	s24 =	sshrl.u32 s22, $0x3;
	s31 =	sadd.s32 $0x1E, s19;
	[dreg:$0x19] =	wrdreg s30  }
0x25: {  	s7 =	simm.s32 $0x5;
	s1 =	sadd.s32 s24, s14;
	[dreg:$0x1a] =	wrdreg s31  }
0x26: {  	v0 =	vimm.f32 $0.0e+00;
	s10 =	simm.s32 $0x0;
	[dreg:$0x15] =	wrdreg s1;
	s1 =	simm.s32 $0x9  }
.LBB2_1:
0x27: {  	s5 =	rddreg [dreg:$0x5]  }
0x28: {  	[tilespmem:s3], [sflag:$0x9] =	stream.linear.gather [hbm4b:s5+s3], $0x3E80, $0x38;
	[tilespmem:$0x1D200] =	vst v63  }
0x29: {  	_ =	swait.ge [sflag:s1], $0x3E80  }
0x2a: {  	[sflag:s1] =	ssyncset.done $0x0  }
0x2b: {  	s6 =	simm.s32 $0x200;
	s5 =	simm.s32 $0x0;
	[sflag:s1] =	ssyncadd.s32 $0xFFFFC180  }
.LBB2_2:
0x2c: {  	p0 =	sne.s32 s6, $0x9E00;
	[tilespmem:s5+$0x4270] =	vst v0  }
0x2d: {  	[tilespmem:s5+$0x4200] =	vst v0  }
0x2e: {  	[tilespmem:s5+$0x4210] =	vst v0  }
.Ltmp0:
0x2f: {  	[tilespmem:s5+$0x4220] =	vst v0;
	(pc) =	sbr.rel @p0 .LBB2_2-.Ltmp0, $4  }
0x30: {  	[tilespmem:s5+$0x4230] =	vst v0  }
0x31: {  	[tilespmem:s5+$0x4240] =	vst v0  }
0x32: {  	[tilespmem:s5+$0x4250] =	vst v0  }
0x33: {  	[tilespmem:s5+$0x4260] =	vst v0;
	s5 =	sshra.s32 s6, $0x2;
	s6 =	sadd.s32 $0x200, s6  }
0x34: {  	[tilespmem:s5+$0x4270] =	vst v0  }
0x35: {  	[tilespmem:s5+$0x4200] =	vst v0  }
0x36: {  	[tilespmem:s5+$0x4210] =	vst v0  }
0x37: {  	[tilespmem:s5+$0x4220] =	vst v0  }
0x38: {  	[tilespmem:s5+$0x4230] =	vst v0  }
0x39: {  	[tilespmem:s5+$0x4240] =	vst v0  }
0x3a: {  	[tilespmem:s5+$0x4250] =	vst v0  }
0x3b: {  	[tilespmem:s5+$0x4260] =	vst v0  }
0x3c: {  	[spmem:s8] =	stream.linear.scatter [tilespmem:s4], [sflag:$0x9], $0x2800, $0x38;
	[tilespmem:$0x1D200] =	vst v63  }
0x3d: {  	_ =	swait.ge [sflag:s1], $0x2800  }
0x3e: {  	[sflag:s1] =	ssyncset.done $0x0  }
0x3f: {  	[sflag:s1] =	ssyncadd.s32 $0xFFFFD800  }
0x40: {  	[spmem:s17] =	stream.linear.scatter [tilespmem:s4], [sflag:$0x9], $0x2800, $0x38;
	[tilespmem:$0x1D200] =	vst v63  }
0x41: {  	_ =	swait.ge [sflag:s1], $0x2800  }
0x42: {  	[sflag:s1] =	ssyncset.done $0x0  }
0x43: {  	[sflag:s1] =	ssyncadd.s32 $0xFFFFD800  }
0x44: {  	[spmem:s11] =	stream.linear.scatter [tilespmem:s4], [sflag:$0x9], $0x2800, $0x38;
	[tilespmem:$0x1D200] =	vst v63  }
0x45: {  	_ =	swait.ge [sflag:s1], $0x2800  }
0x46: {  	[sflag:s1] =	ssyncset.done $0x0  }
0x47: {  	[sflag:s1] =	ssyncadd.s32 $0xFFFFD800  }
0x48: {  	[spmem:s12] =	stream.linear.scatter [tilespmem:s4], [sflag:$0x9], $0x2800, $0x38;
	[tilespmem:$0x1D200] =	vst v63  }
0x49: {  	_ =	swait.ge [sflag:s1], $0x2800  }
0x4a: {  	[sflag:s1] =	ssyncset.done $0x0  }
0x4b: {  	[sflag:s1] =	ssyncadd.s32 $0xFFFFD800  }
0x4c: {  	[spmem:s13] =	stream.linear.scatter [tilespmem:s4], [sflag:$0x9], $0x2800, $0x38;
	[tilespmem:$0x1D200] =	vst v63  }
0x4d: {  	_ =	swait.ge [sflag:s1], $0x2800  }
0x4e: {  	[sflag:s1] =	ssyncset.done $0x0  }
0x4f: {  	[sflag:s1] =	ssyncadd.s32 $0xFFFFD800  }
0x50: {  	[spmem:s18] =	stream.linear.scatter [tilespmem:s4], [sflag:$0x9], $0x2800, $0x38;
	[tilespmem:$0x1D200] =	vst v63  }
0x51: {  	_ =	swait.ge [sflag:s1], $0x2800  }
0x52: {  	[sflag:s1] =	ssyncset.done $0x0  }
0x53: {  	[sflag:s1] =	ssyncadd.s32 $0xFFFFD800  }
0x54: {  	[spmem:s16] =	stream.linear.scatter [tilespmem:s4], [sflag:$0x9], $0x2800, $0x38;
	[tilespmem:$0x1D200] =	vst v63  }
0x55: {  	_ =	swait.ge [sflag:s1], $0x2800  }
0x56: {  	[sflag:s1] =	ssyncset.done $0x0  }
0x57: {  	[sflag:s1] =	ssyncadd.s32 $0xFFFFD800  }
0x58: {  	[spmem:s9] =	stream.linear.scatter [tilespmem:s4], [sflag:$0x9], $0x2800, $0x38;
	[tilespmem:$0x1D200] =	vst v63  }
0x59: {  	_ =	swait.ge [sflag:s1], $0x2800  }
0x5a: {  	[sflag:s1] =	ssyncset.done $0x0  }
0x5b: {  	[sflag:s1] =	ssyncadd.s32 $0xFFFFD800  }
0x5c: {  	s28 =	smov.u32 s17;
	[bflag:$0x0] =	sbarrier.arrive $0xFFFF  }
0x5d: {  	s17 =	simm.s32 $0x4000;
	s16 =	simm.s32 $0x0;
	s6 =	rddreg [dreg:$0x12]  }
0x5e: {  	[tilespmem:s17], [sflag:$0x1] =	stream.linear.gather [hbm4b:s6+s16], $0x50, $0x38;
	[tilespmem:$0x1D200] =	vst v63  }
0x5f: {  	s19 =	simm.s32 $0x4080;
	s18 =	rddreg [dreg:$0x18]  }
0x60: {  	[tilespmem:s19], [sflag:$0x2] =	stream.linear.gather [hbm4b:s18+s16], $0x50, $0x38;
	[tilespmem:$0x1D200] =	vst v63  }
0x61: {  	s21 =	simm.s32 $0x4100;
	s20 =	rddreg [dreg:$0x19]  }
0x62: {  	[tilespmem:s21], [sflag:$0x3] =	stream.linear.gather [hbm4b:s20+s16], $0x50, $0x38;
	[tilespmem:$0x1D200] =	vst v63  }
0x63: {  	s23 =	simm.s32 $0x4180;
	s24 =	simm.s32 $0x1;
	s22 =	rddreg [dreg:$0x1a]  }
0x64: {  	[tilespmem:s23], [sflag:$0x4] =	stream.linear.gather [hbm4b:s22+s16], $0x50, $0x38;
	[tilespmem:$0x1D200] =	vst v63  }
0x65: {  	_ =	swait.ge [sflag:s24], $0x50  }
0x66: {  	p1 =	por $0x0, $0x0;
	[sflag:s24] =	ssyncset.done $0x0  }
0x67: {  	s25 =	simm.s32 $0x50;
	s5 =	simm.s32 @!p1 $0x2;
	[sflag:s24] =	ssyncadd.s32 $0xFFFFFFB0  }
0x68: {  	[tilespmem:s4], [sflag:$0x5] =	stream.indirect.gather [hbm4b:s0+s25], $0x80, s17, s25, $0xb8;
	[tilespmem:$0x1D200] =	vst v63  }
0x69: {  	p0 =	por @!p1 $0x1, $0x1;
	_ =	swait.ge @!p1 [sflag:s5], $0x50  }
0x6a: {  	s26 =	smov.u32 s8;
	p2 =	por p0, p1;
	[sflag:s5] =	ssyncset.done @!p1 $0x0  }
0x6b: {  	s29 =	smov.u32 s11;
	s6 =	simm.s32 @!p2 $0x8;
	[sflag:s5] =	ssyncadd.s32 @!p1 $0xFFFFFFB0  }
0x6c: {  	p3 =	por $0x1, $0x1;
	s8 =	simm.s32 @!p1 $0x4080;
	_ =	swait.ge @!p2 [sflag:s6], $0x2800  }
0x6d: {  	p4 =	por @p3 $0x0, $0x0;
	p0 =	por p1, p1;
	[sflag:s6] =	ssyncset.done @!p2 $0x0  }
0x6e: {  	s24 =	simm.s32 @!p1 $0x6A00;
	s5 =	simm.s32 @!p1 $0x50;
	[sflag:s6] =	ssyncadd.s32 @!p2 $0xFFFFD800  }
0x6f: {  	[tilespmem:s24], [sflag:$0x6] =	stream.indirect.gather @!p0 [hbm4b:s0+s5], $0x80, s8, s5, $0xb8;
	[tilespmem:$0x1D200] =	vst v63  }
0x70: {  	p5 =	por p4, !p3;
	s20 =	rddreg [dreg:$0x17];
	_ =	swait.ge [sflag:s7], $0x2800  }
0x71: {  	s11 =	simm.s32 @p3 $0x4000;
	s6 =	sshrl.u32 @p3 s20, $0x3;
	[sflag:s7] =	ssyncset.done $0x0  }
0x72: {  	s9 =	simm.s32 @p3 $0x0;
	s6 =	sadd.s32 @p3 s14, s6;
	[sflag:s7] =	ssyncadd.s32 $0xFFFFD800  }
0x73: {  	[tilespmem:s11], [sflag:$0x1] =	stream.linear.gather @p3 [hbm4b:s6+s9], $0x50, $0x38;
	[tilespmem:$0x1D200] =	vst v63  }
0x74: {  	s8 =	simm.s32 @p3 $0x0;
	s6 =	simm.s32 @p3 $0x50;
	s9 =	simm.s32 @p3 $0x4200  }
0x75: {  	[spmem:s2] =	stream.indirect.scatter.add.f32 @p3 [tilespmem:s9], [sflag:$0x7], $0x80, s8, s6, $0xb8;
	[tilespmem:$0x1D200] =	vst v63  }
0x76: {  	s6 =	simm.s32 @!p5 $0x3  }
0x77: {  	_ =	swait.ge @!p5 [sflag:s6], $0x50  }
0x78: {  	[sflag:s6] =	ssyncset.done @!p5 $0x0  }
0x79: {  	s8 =	simm.s32 @!p5 $0x7;
	[sflag:s6] =	ssyncadd.s32 @!p5 $0xFFFFFFB0  }
0x7a: {  	s15 =	smov.u32 s12;
	s12 =	simm.s32 @!p5 $0x4100;
	_ =	swait.ge @!p5 [sflag:s8], $0x2800  }
0x7b: {  	s16 =	simm.s32 @!p0 $0x6;
	p2 =	por @!p1 $0x0, $0x0;
	[sflag:s8] =	ssyncset.done @!p5 $0x0  }
0x7c: {  	s11 =	simm.s32 @!p5 $0x50;
	s6 =	simm.s32 @!p5 $0x4200;
	[sflag:s8] =	ssyncadd.s32 @!p5 $0xFFFFD800  }
0x7d: {  	[tilespmem:s6], [sflag:$0x5] =	stream.indirect.gather @!p5 [hbm4b:s0+s11], $0x80, s12, s11, $0xb8;
	[tilespmem:$0x1D200] =	vst v63  }
0x7e: {  	s9 =	simm.s32 @!p3 $0x4200;
	s8 =	simm.s32 @!p3 $0x3E00;
	s6 =	simm.s32 @!p3 $0x50  }
0x7f: {  	[spmem:s2] =	stream.indirect.scatter.add.f32 @!p3 [tilespmem:s9], [sflag:$0x7], $0x80, s8, s6, $0xb8;
	[tilespmem:$0x1D200] =	vst v63  }
0x80: {  	s30 =	simm.s32 $0x6;
	p2 =	por p2, p0;
	_ =	swait.ge @!p0 [sflag:s16], $0x2800  }
0x81: {  	p6 =	por @p3 $0x0, $0x0;
	s17 =	simm.s32 @!p2 $0x0;
	[sflag:s16] =	ssyncset.done @!p0 $0x0  }
0x82: {  	s6 =	simm.s32 @!p2 $0x4080;
	s18 =	rddreg [dreg:$0x16];
	[sflag:s16] =	ssyncadd.s32 @!p0 $0xFFFFD800  }
0x83: {  	[tilespmem:s6], [sflag:$0x2] =	stream.linear.gather @!p2 [hbm4b:s18+s17], $0x50, $0x38;
	[tilespmem:$0x1D200] =	vst v63  }
0x84: {  	p4 =	por !p4, !p3;
	s8 =	simm.s32 @!p0 $0x4;
	s6 =	simm.s32 @!p0 $0x80  }
0x85: {  	[spmem:s2] =	stream.indirect.scatter.add.f32 @!p0 [tilespmem:s24], [sflag:$0x8], $0x80, s6, s5, $0xb8;
	[tilespmem:$0x1D200] =	vst v63  }
0x86: {  	s13 =	simm.s32 $0xE00;
	p5 =	por @!p5 $0x1, $0x1;
	_ =	swait.ge @!p0 [sflag:s8], $0x50  }
0x87: {  	p5 =	por @!p4 p6, p6;
	p6 =	por @!p3 $0x0, $0x0;
	[sflag:s8] =	ssyncset.done @!p0 $0x0  }
0x88: {  	p4 =	por $0x0, $0x0;
	s9 =	simm.s32 @!p0 $0x8;
	[sflag:s8] =	ssyncadd.s32 @!p0 $0xFFFFFFB0  }
0x89: {  	p5 =	por @!p3 p6, p6;
	s6 =	simm.s32 $0x2;
	_ =	swait.ge @!p0 [sflag:s9], $0x2800  }
0x8a: {  	p6 =	por @p5 $0x0, $0x0;
	s6 =	simm.s32 @!p3 $0x7E;
	[sflag:s9] =	ssyncset.done @!p0 $0x0  }
0x8b: {  	s8 =	simm.s32 @!p0 $0x4180;
	[sflag:s9] =	ssyncadd.s32 @!p0 $0xFFFFD800;
	s9 =	simm.s32 @p5 $0x5  }
0x8c: {  	[tilespmem:s24], [sflag:$0x6] =	stream.indirect.gather @!p0 [hbm4b:s0+s5], $0x80, s8, s5, $0xb8;
	[tilespmem:$0x1D200] =	vst v63  }
0x8d: {  	p3 =	por p6, !p5;
	s6 =	sshll.u32 @p5 s6, $0x7;
	_ =	swait.ge @p5 [sflag:s9], $0x2800  }
0x8e: {  	s11 =	simm.s32 @!p3 $0x4100;
	s6 =	sand.u32 @p5 $0x3FFFFF80, s6;
	[sflag:s9] =	ssyncset.done @p5 $0x0  }
0x8f: {  	s8 =	simm.s32 @!p3 $0x0;
	s19 =	rddreg [dreg:$0x15];
	[sflag:s9] =	ssyncadd.s32 @p5 $0xFFFFD800  }
0x90: {  	[tilespmem:s11], [sflag:$0x3] =	stream.linear.gather @!p3 [hbm4b:s19+s8], $0x50, $0x38;
	[tilespmem:$0x1D200] =	vst v63  }
0x91: {  	s9 =	simm.s32 @p5 $0x4200;
	s8 =	simm.s32 @p5 $0x50;
	s11 =	simm.s32 @!p4 $0x1  }
0x92: {  	[spmem:s2] =	stream.indirect.scatter.add.f32 @p5 [tilespmem:s9], [sflag:$0x7], $0x80, s6, s8, $0xb8;
	[tilespmem:$0x1D200] =	vst v63  }
0x93: {  	s12 =	simm.s32 @!p4 $0x7;
	s23 =	sadd.s32 $0x28, s18;
	_ =	swait.ge @!p4 [sflag:s11], $0x50  }
0x94: {  	s18 =	simm.s32 @!p4 $0x50;
	s31 =	sadd.s32 $0x28, s19;
	[sflag:s11] =	ssyncset.done @!p4 $0x0  }
0x95: {  	p3 =	por $0x0, $0x0;
	s6 =	simm.s32 $0x600;
	[sflag:s11] =	ssyncadd.s32 @!p4 $0xFFFFFFB0  }
0x96: {  	s9 =	simm.s32 $0x1600;
	s6 =	simm.s32 @p1 $0xFE00;
	_ =	swait.ge @!p4 [sflag:s12], $0x2800  }
0x97: {  	s8 =	sshra.s32 @!p1 s6, $0x2;
	s6 =	simm.s32 @!p4 $0x4000;
	[sflag:s12] =	ssyncset.done @!p4 $0x0  }
0x98: {  	s11 =	simm.s32 @!p4 $0x4200;
	s25 =	rddreg [dreg:$0x14];
	[sflag:s12] =	ssyncadd.s32 @!p4 $0xFFFFD800  }
0x99: {  	[tilespmem:s11], [sflag:$0x5] =	stream.indirect.gather @!p4 [hbm4b:s0+s18], $0x80, s6, s18, $0xb8;
	[tilespmem:$0x1D200] =	vst v63  }
0x9a: {  	s12 =	sadd.s32 $0x28, s25;
	s6 =	sadd.s32 $0x140, s20;
	s11 =	simm.s32 $0x1  }
.LBB2_4:
0x9b: {  	s18 =	smov.u32 s9;
	s9 =	sadd.s32 $0x800, s9  }
0x9c: {  	_ =	swait.ge @!p0 [sflag:s16], $0x2800;
	p1 =	sne.s32 s9, $0x10600  }
0x9d: {  	p4 =	sgt.u32 @!p3 s11, $0x1D;
	[sflag:s16] =	ssyncset.done @!p0 $0x0;
	s20 =	simm.s32 @!p1 $0x0  }
0x9e: {  	s19 =	simm.s32 @!p2 $0x4180;
	[sflag:s16] =	ssyncadd.s32 @!p0 $0xFFFFD800;
	s20 =	simm.s32 @p1 $0x1  }
0x9f: {  	[tilespmem:s19], [sflag:$0x4] =	stream.linear.gather @!p2 [hbm4b:s25+s17], $0x50, $0x38;
	[tilespmem:$0x1D200] =	vst v63  }
0xa0: {  	s16 =	simm.s32 @!p3 $0x2;
	s17 =	smov.u32 s13;
	[smem:$0x7FD] =	sst s20  }
0xa1: {  	[spmem:s2] =	stream.indirect.scatter.add.f32 @!p0 [tilespmem:s24], [sflag:$0x8], $0x80, s8, s5, $0xb8;
	[tilespmem:$0x1D200] =	vst v63  }
0xa2: {  	p5 =	seq.s32 @!p3 s13, $0x600;
	s17 =	simm.s32 @p3 $0xFE00;
	_ =	swait.ge @!p3 [sflag:s16], $0x50  }
0xa3: {  	p1 =	por p5, p3;
	s8 =	sshra.s32 @!p3 s17, $0x2;
	[sflag:s16] =	ssyncset.done @!p3 $0x0  }
0xa4: {  	s17 =	simm.s32 @!p1 $0x8;
	s24 =	simm.s32 @!p3 $0x6A00;
	[sflag:s16] =	ssyncadd.s32 @!p3 $0xFFFFFFB0  }
0xa5: {  	s5 =	simm.s32 @!p3 $0x50;
	p0 =	por p3, p3;
	_ =	swait.ge @!p1 [sflag:s17], $0x2800  }
0xa6: {  	s16 =	simm.s32 @!p3 $0x4080;
	p3 =	sne.s32 s13, $0xFE00;
	[sflag:s17] =	ssyncset.done @!p1 $0x0  }
0xa7: {  	s19 =	sshra.s32 @p3 s13, $0x2;
	[sflag:s17] =	ssyncadd.s32 @!p1 $0xFFFFD800  }
0xa8: {  	[tilespmem:s24], [sflag:$0x6] =	stream.indirect.gather @!p0 [hbm4b:s0+s5], $0x80, s16, s5, $0xb8;
	[tilespmem:$0x1D200] =	vst v63  }
0xa9: {  	s20 =	simm.s32 @p3 $0x4000;
	s17 =	sshrl.u32 @p3 s6, $0x3;
	_ =	swait.ge [sflag:s7], $0x2800  }
0xaa: {  	p1 =	sgt.u32 @p3 s30, $0x7C;
	s16 =	sadd.s32 @p3 s14, s17;
	[sflag:s7] =	ssyncset.done $0x0  }
0xab: {  	s17 =	sadd.s32 @p3 $0xFFFFFE80, s19;
	s19 =	simm.s32 @p3 $0x0;
	[sflag:s7] =	ssyncadd.s32 $0xFFFFD800  }
0xac: {  	[tilespmem:s20], [sflag:$0x1] =	stream.linear.gather @p3 [hbm4b:s16+s19], $0x50, $0x38;
	[tilespmem:$0x1D200] =	vst v63  }
0xad: {  	p2 =	por p1, !p3;
	s16 =	simm.s32 @p3 $0x50;
	s19 =	simm.s32 @p3 $0x4200  }
0xae: {  	[spmem:s2] =	stream.indirect.scatter.add.f32 @p3 [tilespmem:s19], [sflag:$0x7], $0x80, s17, s16, $0xb8;
	[tilespmem:$0x1D200] =	vst v63  }
0xaf: {  	s16 =	simm.s32 @!p2 $0x3  }
0xb0: {  	_ =	swait.ge @!p2 [sflag:s16], $0x50  }
0xb1: {  	[sflag:s16] =	ssyncset.done @!p2 $0x0  }
0xb2: {  	s17 =	simm.s32 @!p2 $0x7;
	[sflag:s16] =	ssyncadd.s32 @!p2 $0xFFFFFFB0  }
0xb3: {  	_ =	swait.ge @!p2 [sflag:s17], $0x2800  }
0xb4: {  	s22 =	simm.s32 @!p3 $0x3E00;
	s21 =	simm.s32 @!p2 $0x4100;
	[sflag:s17] =	ssyncset.done @!p2 $0x0  }
0xb5: {  	s20 =	simm.s32 @!p2 $0x50;
	s16 =	simm.s32 @!p2 $0x4200;
	[sflag:s17] =	ssyncadd.s32 @!p2 $0xFFFFD800  }
0xb6: {  	[tilespmem:s16], [sflag:$0x5] =	stream.indirect.gather @!p2 [hbm4b:s0+s20], $0x80, s21, s20, $0xb8;
	[tilespmem:$0x1D200] =	vst v63  }
0xb7: {  	s19 =	simm.s32 @!p3 $0x4200;
	s17 =	simm.s32 @!p3 $0x50;
	s16 =	simm.s32 @!p0 $0x6  }
0xb8: {  	[spmem:s2] =	stream.indirect.scatter.add.f32 @!p3 [tilespmem:s19], [sflag:$0x7], $0x80, s22, s17, $0xb8;
	[tilespmem:$0x1D200] =	vst v63  }
0xb9: {  	p5 =	por @!p2 $0x1, $0x1;
	p2 =	por p4, p0;
	_ =	swait.ge @!p0 [sflag:s16], $0x2800  }
0xba: {  	s20 =	simm.s32 @!p2 $0x4080;
	[sflag:s16] =	ssyncset.done @!p0 $0x0  }
0xbb: {  	s19 =	sshra.s32 @!p0 s13, $0x2;
	s17 =	simm.s32 @!p2 $0x0;
	[sflag:s16] =	ssyncadd.s32 @!p0 $0xFFFFD800  }
0xbc: {  	[tilespmem:s20], [sflag:$0x2] =	stream.linear.gather @!p2 [hbm4b:s23+s17], $0x50, $0x38;
	[tilespmem:$0x1D200] =	vst v63  }
0xbd: {  	s19 =	sadd.s32 @!p0 $0xFFFFFF00, s19;
	s20 =	simm.s32 @!p0 $0x4  }
0xbe: {  	[spmem:s2] =	stream.indirect.scatter.add.f32 @!p0 [tilespmem:s24], [sflag:$0x8], $0x80, s19, s5, $0xb8;
	[tilespmem:$0x1D200] =	vst v63  }
0xbf: {  	p6 =	por @p3 $0x0, $0x0;
	p1 =	por !p1, !p3;
	_ =	swait.ge @!p0 [sflag:s20], $0x50  }
0xc0: {  	p5 =	por @!p1 p6, p6;
	p1 =	por @!p3 $0x0, $0x0;
	[sflag:s20] =	ssyncset.done @!p0 $0x0  }
0xc1: {  	p5 =	por @!p3 p1, p1;
	s19 =	simm.s32 @!p0 $0x8;
	[sflag:s20] =	ssyncadd.s32 @!p0 $0xFFFFFFB0  }
0xc2: {  	p1 =	sgt.u32 @p5 s11, $0x1D;
	_ =	swait.ge @!p0 [sflag:s19], $0x2800  }
0xc3: {  	s21 =	simm.s32 @!p0 $0x4180;
	p4 =	seq.s32 s13, $0xFE00;
	[sflag:s19] =	ssyncset.done @!p0 $0x0  }
0xc4: {  	s13 =	smov.u32 s30;
	[sflag:s19] =	ssyncadd.s32 @!p0 $0xFFFFD800;
	s19 =	simm.s32 @p5 $0x5  }
0xc5: {  	[tilespmem:s24], [sflag:$0x6] =	stream.indirect.gather @!p0 [hbm4b:s0+s5], $0x80, s21, s5, $0xb8;
	[tilespmem:$0x1D200] =	vst v63  }
0xc6: {  	p1 =	por p1, !p5;
	s13 =	simm.s32 @!p3 $0x7E;
	_ =	swait.ge @p5 [sflag:s19], $0x2800  }
0xc7: {  	s22 =	simm.s32 @p5 $0x50;
	s13 =	sshll.u32 @p5 s13, $0x7;
	[sflag:s19] =	ssyncset.done @p5 $0x0  }
0xc8: {  	s20 =	simm.s32 @!p1 $0x0;
	s21 =	simm.s32 @!p1 $0x4100;
	[sflag:s19] =	ssyncadd.s32 @p5 $0xFFFFD800  }
0xc9: {  	[tilespmem:s21], [sflag:$0x3] =	stream.linear.gather @!p1 [hbm4b:s31+s20], $0x50, $0x38;
	[tilespmem:$0x1D200] =	vst v63  }
0xca: {  	s19 =	sand.u32 @p5 $0x3FFFFF80, s13;
	s20 =	simm.s32 @p5 $0x4200;
	s21 =	simm.s32 @!p4 $0x1  }
0xcb: {  	[spmem:s2] =	stream.indirect.scatter.add.f32 @p5 [tilespmem:s20], [sflag:$0x7], $0x80, s19, s22, $0xb8;
	[tilespmem:$0x1D200] =	vst v63  }
0xcc: {  	_ =	swait.ge @!p4 [sflag:s21], $0x50  }
0xcd: {  	[sflag:s21] =	ssyncset.done @!p4 $0x0  }
0xce: {  	s13 =	smov.u32 s18;
	s18 =	simm.s32 @!p4 $0x7;
	[sflag:s21] =	ssyncadd.s32 @!p4 $0xFFFFFFB0  }
0xcf: {  	_ =	swait.ge @!p4 [sflag:s18], $0x2800  }
0xd0: {  	s19 =	simm.s32 @!p4 $0x4000;
	[sflag:s18] =	ssyncset.done @!p4 $0x0  }
0xd1: {  	s20 =	simm.s32 @!p4 $0x4200;
	s22 =	simm.s32 @!p4 $0x50;
	[sflag:s18] =	ssyncadd.s32 @!p4 $0xFFFFD800  }
0xd2: {  	[tilespmem:s20], [sflag:$0x5] =	stream.indirect.gather @!p4 [hbm4b:s0+s22], $0x80, s19, s22, $0xb8;
	[tilespmem:$0x1D200] =	vst v63  }
0xd3: {  	s22 =	sld [smem:$0x7FD];
	_ =	sdelay $0x2  }
0xd4: {  	p1 =	seq.s32 s22, $0x1  }
.Ltmp1:
0xd5: {  	_ = 	snop;
	(pc) =	sbr.rel @p1 .LBB2_4-.Ltmp1, $4  }
0xd6: {  	_ = 	snop  }
0xd7: {  	s25 =	smov.u32 s12;
	s12 =	sadd.s32 $0x28, s12;
	s30 =	sadd.s32 $0x4, s30  }
0xd8: {  	s6 =	sadd.s32 $0x140, s6;
	s11 =	sadd.s32 $0x1, s11;
	s21 =	sadd.s32 $0xFFFFFFFF, s30  }
0xd9: {  	s23 =	sadd.s32 $0x28, s23;
	s31 =	sadd.s32 $0x28, s31;
	p3 =	sgt.u32 s21, $0x7C  }
0xda: {  	_ =	swait.ge @!p0 [sflag:s16], $0x2800  }
0xdb: {  	[sflag:s16] =	ssyncset.done @!p0 $0x0  }
0xdc: {  	s9 =	simm.s32 @!p2 $0x4180;
	[sflag:s16] =	ssyncadd.s32 @!p0 $0xFFFFD800  }
0xdd: {  	[tilespmem:s9], [sflag:$0x4] =	stream.linear.gather @!p2 [hbm4b:s25+s17], $0x50, $0x38;
	[tilespmem:$0x1D200] =	vst v63  }
0xde: {  	s9 =	simm.s32 @!p3 $0x2  }
0xdf: {  	[spmem:s2] =	stream.indirect.scatter.add.f32 @!p0 [tilespmem:s24], [sflag:$0x8], $0x80, s8, s5, $0xb8;
	[tilespmem:$0x1D200] =	vst v63  }
0xe0: {  	p0 =	seq.s32 @!p3 s13, $0x600;
	_ =	swait.ge @!p3 [sflag:s9], $0x50  }
0xe1: {  	p2 =	por p0, p3;
	[sflag:s9] =	ssyncset.done @!p3 $0x0  }
0xe2: {  	s16 =	simm.s32 @!p2 $0x8;
	[sflag:s9] =	ssyncadd.s32 @!p3 $0xFFFFFFB0  }
0xe3: {  	p1 =	sne.s32 s13, $0xFE00;
	_ =	swait.ge @!p2 [sflag:s16], $0x2800  }
0xe4: {  	s5 =	simm.s32 @!p3 $0x6A00;
	s8 =	simm.s32 @!p3 $0x50;
	[sflag:s16] =	ssyncset.done @!p2 $0x0  }
0xe5: {  	p0 =	por p3, p3;
	s9 =	simm.s32 @!p3 $0x4080;
	[sflag:s16] =	ssyncadd.s32 @!p2 $0xFFFFD800  }
0xe6: {  	[tilespmem:s5], [sflag:$0x6] =	stream.indirect.gather @!p0 [hbm4b:s0+s8], $0x80, s9, s8, $0xb8;
	[tilespmem:$0x1D200] =	vst v63  }
0xe7: {  	s6 =	sshrl.u32 @p1 s6, $0x3;
	_ =	swait.ge [sflag:s7], $0x2800  }
0xe8: {  	p4 =	sgt.u32 @p1 s30, $0x7C;
	s6 =	sadd.s32 @p1 s14, s6;
	[sflag:s7] =	ssyncset.done $0x0  }
0xe9: {  	s16 =	simm.s32 @p1 $0x4000;
	s9 =	simm.s32 @p1 $0x0;
	[sflag:s7] =	ssyncadd.s32 $0xFFFFD800  }
0xea: {  	[tilespmem:s16], [sflag:$0x1] =	stream.linear.gather @p1 [hbm4b:s6+s9], $0x50, $0x38;
	[tilespmem:$0x1D200] =	vst v63  }
0xeb: {  	p5 =	por p4, !p1;
	s6 =	sshra.s32 @p1 s13, $0x2  }
0xec: {  	s9 =	simm.s32 @p1 $0x50;
	s16 =	simm.s32 @p1 $0x4200;
	s6 =	sadd.s32 @p1 $0xFFFFFE80, s6  }
0xed: {  	[spmem:s2] =	stream.indirect.scatter.add.f32 @p1 [tilespmem:s16], [sflag:$0x7], $0x80, s6, s9, $0xb8;
	[tilespmem:$0x1D200] =	vst v63  }
0xee: {  	s6 =	simm.s32 @!p5 $0x3  }
0xef: {  	_ =	swait.ge @!p5 [sflag:s6], $0x50  }
0xf0: {  	[sflag:s6] =	ssyncset.done @!p5 $0x0  }
0xf1: {  	s9 =	simm.s32 @!p5 $0x7;
	[sflag:s6] =	ssyncadd.s32 @!p5 $0xFFFFFFB0  }
0xf2: {  	_ =	swait.ge @!p5 [sflag:s9], $0x2800  }
0xf3: {  	s16 =	simm.s32 @!p5 $0x50;
	[sflag:s9] =	ssyncset.done @!p5 $0x0  }
0xf4: {  	s6 =	simm.s32 @!p5 $0x4200;
	[sflag:s9] =	ssyncadd.s32 @!p5 $0xFFFFD800;
	s9 =	simm.s32 @!p5 $0x4100  }
0xf5: {  	[tilespmem:s6], [sflag:$0x5] =	stream.indirect.gather @!p5 [hbm4b:s0+s16], $0x80, s9, s16, $0xb8;
	[tilespmem:$0x1D200] =	vst v63  }
0xf6: {  	s6 =	simm.s32 @!p1 $0x4200;
	s9 =	simm.s32 @!p1 $0x50;
	s16 =	simm.s32 @!p1 $0x3E00  }
0xf7: {  	[spmem:s2] =	stream.indirect.scatter.add.f32 @!p1 [tilespmem:s6], [sflag:$0x7], $0x80, s16, s9, $0xb8;
	[tilespmem:$0x1D200] =	vst v63  }
0xf8: {  	s6 =	simm.s32 @!p0 $0x6  }
0xf9: {  	p2 =	sgt.u32 @!p3 s11, $0x1D;
	_ =	swait.ge @!p0 [sflag:s6], $0x2800  }
0xfa: {  	p2 =	por p2, p0;
	[sflag:s6] =	ssyncset.done @!p0 $0x0  }
0xfb: {  	s9 =	simm.s32 @!p2 $0x0;
	s16 =	simm.s32 @!p2 $0x4080;
	[sflag:s6] =	ssyncadd.s32 @!p0 $0xFFFFD800  }
0xfc: {  	[tilespmem:s16], [sflag:$0x2] =	stream.linear.gather @!p2 [hbm4b:s23+s9], $0x50, $0x38;
	[tilespmem:$0x1D200] =	vst v63  }
0xfd: {  	s16 =	sshra.s32 @!p0 s13, $0x2  }
0xfe: {  	s16 =	sadd.s32 @!p0 $0xFFFFFF00, s16  }
0xff: {  	[spmem:s2] =	stream.indirect.scatter.add.f32 @!p0 [tilespmem:s5], [sflag:$0x8], $0x80, s16, s8, $0xb8;
	[tilespmem:$0x1D200] =	vst v63  }
0x100: {  	s16 =	simm.s32 @!p0 $0x4  }
0x101: {  	_ =	swait.ge @!p0 [sflag:s16], $0x50  }
0x102: {  	[sflag:s16] =	ssyncset.done @!p0 $0x0  }
0x103: {  	p6 =	por @p1 $0x0, $0x0;
	[sflag:s16] =	ssyncadd.s32 @!p0 $0xFFFFFFB0;
	s16 =	simm.s32 @!p0 $0x8  }
0x104: {  	p4 =	por !p4, !p1;
	p5 =	por @!p5 $0x1, $0x1;
	_ =	swait.ge @!p0 [sflag:s16], $0x2800  }
0x105: {  	p5 =	por @!p4 p6, p6;
	p4 =	por @!p1 $0x0, $0x0;
	[sflag:s16] =	ssyncset.done @!p0 $0x0  }
0x106: {  	p5 =	por @!p1 p4, p4;
	[sflag:s16] =	ssyncadd.s32 @!p0 $0xFFFFD800;
	s16 =	simm.s32 @!p0 $0x4180  }
0x107: {  	[tilespmem:s5], [sflag:$0x6] =	stream.indirect.gather @!p0 [hbm4b:s0+s8], $0x80, s16, s8, $0xb8;
	[tilespmem:$0x1D200] =	vst v63  }
0x108: {  	s16 =	simm.s32 @p5 $0x5  }
0x109: {  	p4 =	sgt.u32 @p5 s11, $0x1D;
	_ =	swait.ge @p5 [sflag:s16], $0x2800  }
0x10a: {  	s30 =	simm.s32 @!p1 $0x7E;
	p4 =	por p4, !p5;
	[sflag:s16] =	ssyncset.done @p5 $0x0  }
0x10b: {  	s11 =	simm.s32 @!p4 $0x0;
	[sflag:s16] =	ssyncadd.s32 @p5 $0xFFFFD800;
	s16 =	simm.s32 @!p4 $0x4100  }
0x10c: {  	[tilespmem:s16], [sflag:$0x3] =	stream.linear.gather @!p4 [hbm4b:s31+s11], $0x50, $0x38;
	[tilespmem:$0x1D200] =	vst v63  }
0x10d: {  	p1 =	seq.s32 s13, $0xFE00;
	s11 =	sshll.u32 @p5 s30, $0x7  }
0x10e: {  	s17 =	simm.s32 @p5 $0x4200;
	s16 =	simm.s32 @p5 $0x50;
	s11 =	sand.u32 @p5 $0x3FFFFF80, s11  }
0x10f: {  	[spmem:s2] =	stream.indirect.scatter.add.f32 @p5 [tilespmem:s17], [sflag:$0x7], $0x80, s11, s16, $0xb8;
	[tilespmem:$0x1D200] =	vst v63  }
0x110: {  	s11 =	simm.s32 @!p1 $0x1  }
0x111: {  	_ =	swait.ge @!p1 [sflag:s11], $0x50  }
0x112: {  	[sflag:s11] =	ssyncset.done @!p1 $0x0  }
0x113: {  	s16 =	simm.s32 @!p1 $0x7;
	[sflag:s11] =	ssyncadd.s32 @!p1 $0xFFFFFFB0  }
0x114: {  	_ =	swait.ge @!p1 [sflag:s16], $0x2800  }
0x115: {  	s17 =	simm.s32 @!p1 $0x4200;
	[sflag:s16] =	ssyncset.done @!p1 $0x0  }
0x116: {  	s11 =	simm.s32 @!p1 $0x4000;
	[sflag:s16] =	ssyncadd.s32 @!p1 $0xFFFFD800;
	s16 =	simm.s32 @!p1 $0x50  }
0x117: {  	[tilespmem:s17], [sflag:$0x5] =	stream.indirect.gather @!p1 [hbm4b:s0+s16], $0x80, s11, s16, $0xb8;
	[tilespmem:$0x1D200] =	vst v63  }
0x118: {  	_ =	swait.ge @!p0 [sflag:s6], $0x2800  }
0x119: {  	[sflag:s6] =	ssyncset.done @!p0 $0x0  }
0x11a: {  	s13 =	simm.s32 @p3 $0xFE00;
	[sflag:s6] =	ssyncadd.s32 @!p0 $0xFFFFD800;
	s6 =	simm.s32 @!p2 $0x4180  }
0x11b: {  	[tilespmem:s6], [sflag:$0x4] =	stream.linear.gather @!p2 [hbm4b:s12+s9], $0x50, $0x38;
	[tilespmem:$0x1D200] =	vst v63  }
0x11c: {  	s20 =	simm.s32 $0x8;
	s6 =	sshra.s32 @!p3 s13, $0x2  }
0x11d: {  	[spmem:s2] =	stream.indirect.scatter.add.f32 @!p0 [tilespmem:s5], [sflag:$0x8], $0x80, s6, s8, $0xb8;
	[tilespmem:$0x1D200] =	vst v63  }
0x11e: {  	_ =	swait.ge [sflag:s20], $0x2800  }
0x11f: {  	[sflag:s20] =	ssyncset.done $0x0  }
0x120: {  	s21 =	simm.s32 $0x7;
	[sflag:s20] =	ssyncadd.s32 $0xFFFFD800  }
0x121: {  	_ =	swait.ge [sflag:s21], $0x2800  }
0x122: {  	[sflag:s21] =	ssyncset.done $0x0  }
0x123: {  	[sflag:s21] =	ssyncadd.s32 $0xFFFFD800  }
0x124: {  	[bflag:$0x0] =	sbarrier.arrive $0xFFFF  }
0x125: {  	[tilespmem:s4], [sflag:$0x9] =	stream.linear.gather [spmem:s26], $0x2800, $0x38;
	[tilespmem:$0x1D200] =	vst v63  }
0x126: {  	_ =	swait.ge [sflag:s1], $0x2800  }
0x127: {  	[sflag:s1] =	ssyncset.done $0x0  }
0x128: {  	s22 =	rddreg [dreg:$0x6];
	[sflag:s1] =	ssyncadd.s32 $0xFFFFD800  }
0x129: {  	[hbm4b:s22+s3] =	stream.linear.scatter [tilespmem:s4], [sflag:$0x9], $0x2800, $0x38;
	[tilespmem:$0x1D200] =	vst v63  }
0x12a: {  	_ =	swait.ge [sflag:s1], $0x2800  }
0x12b: {  	[sflag:s1] =	ssyncset.done $0x0  }
0x12c: {  	[sflag:s1] =	ssyncadd.s32 $0xFFFFD800  }
0x12d: {  	[tilespmem:s4], [sflag:$0x9] =	stream.linear.gather [spmem:s28], $0x2800, $0x38;
	[tilespmem:$0x1D200] =	vst v63  }
0x12e: {  	_ =	swait.ge [sflag:s1], $0x2800  }
0x12f: {  	[sflag:s1] =	ssyncset.done $0x0  }
0x130: {  	s23 =	rddreg [dreg:$0x7];
	[sflag:s1] =	ssyncadd.s32 $0xFFFFD800  }
0x131: {  	[hbm4b:s23+s3] =	stream.linear.scatter [tilespmem:s4], [sflag:$0x9], $0x2800, $0x38;
	[tilespmem:$0x1D200] =	vst v63  }
0x132: {  	_ =	swait.ge [sflag:s1], $0x2800  }
0x133: {  	[sflag:s1] =	ssyncset.done $0x0  }
0x134: {  	[sflag:s1] =	ssyncadd.s32 $0xFFFFD800  }
0x135: {  	[tilespmem:s4], [sflag:$0x9] =	stream.linear.gather [spmem:s29], $0x2800, $0x38;
	[tilespmem:$0x1D200] =	vst v63  }
0x136: {  	_ =	swait.ge [sflag:s1], $0x2800  }
0x137: {  	[sflag:s1] =	ssyncset.done $0x0  }
0x138: {  	s24 =	rddreg [dreg:$0x8];
	[sflag:s1] =	ssyncadd.s32 $0xFFFFD800  }
0x139: {  	[hbm4b:s24+s3] =	stream.linear.scatter [tilespmem:s4], [sflag:$0x9], $0x2800, $0x38;
	[tilespmem:$0x1D200] =	vst v63  }
0x13a: {  	_ =	swait.ge [sflag:s1], $0x2800  }
0x13b: {  	[sflag:s1] =	ssyncset.done $0x0  }
0x13c: {  	[sflag:s1] =	ssyncadd.s32 $0xFFFFD800  }
0x13d: {  	[tilespmem:s4], [sflag:$0x9] =	stream.linear.gather [spmem:s15], $0x2800, $0x38;
	[tilespmem:$0x1D200] =	vst v63  }
0x13e: {  	_ =	swait.ge [sflag:s1], $0x2800  }
0x13f: {  	[sflag:s1] =	ssyncset.done $0x0  }
0x140: {  	s25 =	rddreg [dreg:$0x9];
	[sflag:s1] =	ssyncadd.s32 $0xFFFFD800  }
0x141: {  	[hbm4b:s25+s3] =	stream.linear.scatter [tilespmem:s4], [sflag:$0x9], $0x2800, $0x38;
	[tilespmem:$0x1D200] =	vst v63  }
0x142: {  	_ =	swait.ge [sflag:s1], $0x2800  }
0x143: {  	[sflag:s1] =	ssyncset.done $0x0  }
0x144: {  	s13 =	rddreg [dreg:$0xe];
	[sflag:s1] =	ssyncadd.s32 $0xFFFFD800  }
0x145: {  	[tilespmem:s4], [sflag:$0x9] =	stream.linear.gather [spmem:s13], $0x2800, $0x38;
	[tilespmem:$0x1D200] =	vst v63  }
0x146: {  	_ =	swait.ge [sflag:s1], $0x2800  }
0x147: {  	[sflag:s1] =	ssyncset.done $0x0  }
0x148: {  	s8 =	smov.u32 s26;
	s26 =	rddreg [dreg:$0xa];
	[sflag:s1] =	ssyncadd.s32 $0xFFFFD800  }
0x149: {  	[hbm4b:s26+s3] =	stream.linear.scatter [tilespmem:s4], [sflag:$0x9], $0x2800, $0x38;
	[tilespmem:$0x1D200] =	vst v63  }
0x14a: {  	_ =	swait.ge [sflag:s1], $0x2800  }
0x14b: {  	[sflag:s1] =	ssyncset.done $0x0  }
0x14c: {  	s18 =	rddreg [dreg:$0xf];
	[sflag:s1] =	ssyncadd.s32 $0xFFFFD800  }
0x14d: {  	[tilespmem:s4], [sflag:$0x9] =	stream.linear.gather [spmem:s18], $0x2800, $0x38;
	[tilespmem:$0x1D200] =	vst v63  }
0x14e: {  	_ =	swait.ge [sflag:s1], $0x2800  }
0x14f: {  	[sflag:s1] =	ssyncset.done $0x0  }
0x150: {  	s17 =	smov.u32 s28;
	s28 =	rddreg [dreg:$0xb];
	[sflag:s1] =	ssyncadd.s32 $0xFFFFD800  }
0x151: {  	[hbm4b:s28+s3] =	stream.linear.scatter [tilespmem:s4], [sflag:$0x9], $0x2800, $0x38;
	[tilespmem:$0x1D200] =	vst v63  }
0x152: {  	_ =	swait.ge [sflag:s1], $0x2800  }
0x153: {  	[sflag:s1] =	ssyncset.done $0x0  }
0x154: {  	s16 =	rddreg [dreg:$0x10];
	[sflag:s1] =	ssyncadd.s32 $0xFFFFD800  }
0x155: {  	[tilespmem:s4], [sflag:$0x9] =	stream.linear.gather [spmem:s16], $0x2800, $0x38;
	[tilespmem:$0x1D200] =	vst v63  }
0x156: {  	_ =	swait.ge [sflag:s1], $0x2800  }
0x157: {  	[sflag:s1] =	ssyncset.done $0x0  }
0x158: {  	s11 =	smov.u32 s29;
	s29 =	rddreg [dreg:$0xc];
	[sflag:s1] =	ssyncadd.s32 $0xFFFFD800  }
0x159: {  	[hbm4b:s29+s3] =	stream.linear.scatter [tilespmem:s4], [sflag:$0x9], $0x2800, $0x38;
	[tilespmem:$0x1D200] =	vst v63  }
0x15a: {  	_ =	swait.ge [sflag:s1], $0x2800  }
0x15b: {  	[sflag:s1] =	ssyncset.done $0x0  }
0x15c: {  	s9 =	rddreg [dreg:$0x11];
	[sflag:s1] =	ssyncadd.s32 $0xFFFFD800  }
0x15d: {  	[tilespmem:s4], [sflag:$0x9] =	stream.linear.gather [spmem:s9], $0x2800, $0x38;
	[tilespmem:$0x1D200] =	vst v63  }
0x15e: {  	_ =	swait.ge [sflag:s1], $0x2800  }
0x15f: {  	[sflag:s1] =	ssyncset.done $0x0  }
0x160: {  	s30 =	rddreg [dreg:$0xd];
	[sflag:s1] =	ssyncadd.s32 $0xFFFFD800  }
0x161: {  	[hbm4b:s30+s3] =	stream.linear.scatter [tilespmem:s4], [sflag:$0x9], $0x2800, $0x38;
	[tilespmem:$0x1D200] =	vst v63  }
0x162: {  	_ =	swait.ge [sflag:s1], $0x2800  }
0x163: {  	s10 =	sadd.s32 $0x1, s10;
	s31 =	rddreg [dreg:$0x13]  }
0x164: {  	p0 =	sne.s32 s10, s31  }
.Ltmp2:
0x165: {  	_ = 	snop;
	(pc) =	sbr.rel @p0 .LBB2_1-.Ltmp2, $3  }
0x166: {  	_ =	sdelay $0x1  }
0x167: {  	[sflag:s1] =	ssyncset.done $0x0  }
0x168: {  	s12 =	smov.u32 s15;
	[sflag:s1] =	ssyncadd.s32 $0xFFFFD800  }
0x169: {  	_ =	sfence.sel $0x180000  }
0x16a: {  	[bflag:$0x0] =	sbarrier.arrive $0xFFFF  }
0x16b: {  	_ =	strace $0x9000004A  }
0x16c: {  	s0 =	stileid.u32;
	[bflag:$0x2] =	sbarrier.arrive $0xFFFF  }
0x16d: {  	p0 =	sne.s32 s0, $0x0;
	s0 =	rddreg [dreg:$0x4]  }
0x16e: {  	s0 =	sadd.s32 @!p0 $0x100000, s0  }
0x16f: {  	[sflag:s0] =	ssyncadd.tile.s32 @!p0 $0x1;
	_ =	shalt  }
.Lfunc_end2:
_tile_overlayer_lowered:
.L_overlay_start_2:
0x170: {  	(tag) =	ssettag $0x2  }
0x171: {  	s0 =	rddreg [dreg:$0x0];
	s2 =	stileid.u32  }
0x172: {  	s1 =	rddreg [dreg:$0x1];
	p0 =	sne.s32 s2, $0x0  }
0x173: {  	s3 =	rddreg [dreg:$0x2];
	[bflag:$0x3] =	sbarrier.arrive $0xFFFF;
	s2 =	simm.s32 @!p0 $0x1C09  }
0x174: {  	[timem:s3], [sflag:s2] =	dma.local @!p0 [hbm:s0], s1  }
0x175: {  	s0 =	simm.s32 @!p0 $0x9  }
0x176: {  	_ =	swait.ge @!p0 [sflag:s0], s1  }
0x177: {  	s1 =	ssub.s32 @!p0 $0x0, s1;
	[sflag:s0] =	ssyncset.done @!p0 $0x0  }
0x178: {  	[sflag:s0] =	ssyncadd.s32 @!p0 s1  }
0x179: {  	[bflag:$0x3] =	sbarrier.arrive $0xFFFF  }
0x17a: {  	_ =	shalt  }

</sc_bundles>
